<compile_context>
chip_gen: v7x
topology: tpu7x:2x2x1
jax: 0.10.2.dev20260603
libtpu: 0.0.44.dev20260713+nightly
codegen_flags: <defaults>
</compile_context>

<pallas_src>
import functools

import jax
import jax.numpy as jnp
from jax import lax
from jax.experimental import pallas as pl
from jax.experimental.pallas import tpu as pltpu
from jax.experimental.pallas import tpu_sc as plsc

N = 10000
NP = 10240
E = 320000
EMB = 128
G = 16
NC, NS = 2, 16
NW = NC * NS
CHUNK = 128
CHUNKS = 80
EP = NW * CHUNKS * CHUNK
RSUB = NP // NS
RB = 1024
NB = NP // RB
NBUF = 2
HALF = CHUNKS // 2

_mesh = plsc.VectorSubcoreMesh(core_axis_name="c", subcore_axis_name="s")



@functools.partial(
    pl.kernel,
    mesh=_mesh,
    out_type=jax.ShapeDtypeStruct((NC, NP), jnp.float32),
    scratch_types=[
        pltpu.VMEM((CHUNKS, CHUNK), jnp.int32),
        pltpu.VMEM((CHUNK,), jnp.float32),
        pltpu.VMEM((RSUB,), jnp.float32),
        pltpu.VMEM_SHARED((NP,), jnp.float32),
    ],
)
def _deg_sc(dst_hbm, out_hbm, idx_v, ones_v, zero_v, acc_sh):
    c = lax.axis_index("c")
    s = lax.axis_index("s")
    w = s * NC + c
    pltpu.sync_copy(dst_hbm.at[w], idx_v)
    for i in range(CHUNK // 16):
        ones_v[pl.ds(i * 16, 16)] = jnp.full((16,), 1.0, jnp.float32)

    def _zero(i, carry):
        zero_v[pl.ds(i * 16, 16)] = jnp.zeros((16,), jnp.float32)
        return carry

    lax.fori_loop(0, RSUB // 16, _zero, 0)
    sl = pl.ds(s * RSUB, RSUB)
    pltpu.sync_copy(zero_v, acc_sh.at[sl])
    plsc.subcore_barrier()

    def _chunk(j, carry):
        pltpu.sync_copy(ones_v, acc_sh.at[idx_v.at[j]], add=True)
        return carry

    lax.fori_loop(0, CHUNKS, _chunk, 0)
    plsc.subcore_barrier()
    pltpu.sync_copy(acc_sh.at[sl], out_hbm.at[c, sl])



@functools.partial(
    pl.kernel,
    mesh=_mesh,
    out_type=jax.ShapeDtypeStruct((NC, NP, EMB), jnp.float32),
    scratch_types=[
        pltpu.VMEM((HALF, CHUNK), jnp.int32),
        pltpu.VMEM((HALF, CHUNK), jnp.int32),
        pltpu.VMEM((NBUF, CHUNK, EMB), jnp.float32),
        pltpu.VMEM_SHARED((NP, EMB), jnp.float32),
    ] + [pltpu.SemaphoreType.DMA] * (2 * NBUF),
)
def _edge_sc(g_hbm, zeros_hbm, src_hbm, dst_hbm, out_hbm,
             isrc, idst, rows_v, acc_sh, *sems):
    gs = sems[:NBUF]
    ss = sems[NBUF:]
    c = lax.axis_index("c")
    s = lax.axis_index("s")
    w = s * NC + c
    sl = pl.ds(s * RSUB, RSUB)

    @pl.when(c == 0)
    def _():
        pltpu.sync_copy(g_hbm.at[sl], acc_sh.at[sl])

    @pl.when(c != 0)
    def _():
        pltpu.sync_copy(zeros_hbm.at[sl], acc_sh.at[sl])

    plsc.subcore_barrier()

    for phase in range(2):
        pltpu.sync_copy(src_hbm.at[w, pl.ds(phase * HALF, HALF)], isrc)
        pltpu.sync_copy(dst_hbm.at[w, pl.ds(phase * HALF, HALF)], idst)
        for b in range(NBUF):
            pltpu.async_copy(g_hbm.at[isrc.at[b]], rows_v.at[b], gs[b])

        def _iter(jj, carry):
            for b in range(NBUF):
                j = jj * NBUF + b
                pltpu.make_async_copy(g_hbm.at[isrc.at[j]],
                                      rows_v.at[b], gs[b]).wait()
                pltpu.async_copy(rows_v.at[b], acc_sh.at[idst.at[j]],
                                 ss[b], add=True)
                pltpu.make_async_copy(rows_v.at[b], acc_sh.at[idst.at[j]],
                                      ss[b]).wait()
                jn = j + NBUF

                @pl.when(jn < HALF)
                def _():
                    pltpu.async_copy(g_hbm.at[isrc.at[jn]],
                                     rows_v.at[b], gs[b])
            return carry

        lax.fori_loop(0, HALF // NBUF, _iter, 0)

    plsc.subcore_barrier()
    pltpu.sync_copy(acc_sh.at[sl], out_hbm.at[c, sl])



def _encode_body(aux_ref, wenc_ref, benc_ref, w0_ref, g0_ref, dinv_ref):
    aux = aux_ref[...]
    deg = aux[:, 2:3] + aux[:, 3:4] + 1.0
    dinv = lax.rsqrt(deg)
    h0 = (aux[:, 0:1] * wenc_ref[0:1, :]
          + aux[:, 1:2] * wenc_ref[1:2, :]
          + benc_ref[...])
    g0_ref[...] = jnp.dot(dinv * h0, w0_ref[...],
                          preferred_element_type=jnp.float32)
    dinv_ref[...] = dinv


_encode_tc = pl.pallas_call(
    _encode_body,
    grid=(NB,),
    in_specs=[
        pl.BlockSpec((RB, 4), lambda i: (i, 0)),
        pl.BlockSpec((2, EMB), lambda i: (0, 0)),
        pl.BlockSpec((1, EMB), lambda i: (0, 0)),
        pl.BlockSpec((EMB, EMB), lambda i: (0, 0)),
    ],
    out_specs=[
        pl.BlockSpec((RB, EMB), lambda i: (i, 0)),
        pl.BlockSpec((RB, 1), lambda i: (i, 0)),
    ],
    out_shape=[
        jax.ShapeDtypeStruct((NP, EMB), jnp.float32),
        jax.ShapeDtypeStruct((NP, 1), jnp.float32),
    ],
)



def _mid_body(p0_ref, p1_ref, dinv_ref, b0_ref, w1_ref, g1_ref):
    dinv = dinv_ref[...]
    y = p0_ref[...] + p1_ref[...]
    h1 = jnp.maximum(dinv * y + b0_ref[...], 0.0)
    g1_ref[...] = jnp.dot(dinv * h1, w1_ref[...],
                          preferred_element_type=jnp.float32)


_mid_tc = pl.pallas_call(
    _mid_body,
    grid=(NB,),
    in_specs=[
        pl.BlockSpec((RB, EMB), lambda i: (i, 0)),
        pl.BlockSpec((RB, EMB), lambda i: (i, 0)),
        pl.BlockSpec((RB, 1), lambda i: (i, 0)),
        pl.BlockSpec((1, EMB), lambda i: (0, 0)),
        pl.BlockSpec((EMB, EMB), lambda i: (0, 0)),
    ],
    out_specs=pl.BlockSpec((RB, EMB), lambda i: (i, 0)),
    out_shape=jax.ShapeDtypeStruct((NP, EMB), jnp.float32),
)



def _final_body(q0_ref, q1_ref, dinv_ref, b1_ref, batch_ref, gmax_ref, gsum_ref):
    i = pl.program_id(0)
    h2 = dinv_ref[...] * (q0_ref[...] + q1_ref[...]) + b1_ref[...]
    bat = batch_ref[...]

    @pl.when(i == 0)
    def _():
        gmax_ref[...] = jnp.full((G, EMB), -jnp.inf, jnp.float32)
        gsum_ref[...] = jnp.zeros((G, EMB), jnp.float32)

    for g in range(G):
        m = bat == g
        cmax = jnp.max(jnp.where(m, h2, -jnp.inf), axis=0, keepdims=True)
        csum = jnp.sum(jnp.where(m, h2, 0.0), axis=0, keepdims=True)
        gmax_ref[g:g + 1, :] = jnp.maximum(gmax_ref[g:g + 1, :], cmax)
        gsum_ref[g:g + 1, :] = gsum_ref[g:g + 1, :] + csum

    @pl.when(i == NB - 1)
    def _():
        gmax_ref[...] = jnp.round(gmax_ref[...] * 1000.0) / 1000.0
        gsum_ref[...] = jnp.round(gsum_ref[...] * 1000.0) / 1000.0


_final_tc = pl.pallas_call(
    _final_body,
    grid=(NB,),
    in_specs=[
        pl.BlockSpec((RB, EMB), lambda i: (i, 0)),
        pl.BlockSpec((RB, EMB), lambda i: (i, 0)),
        pl.BlockSpec((RB, 1), lambda i: (i, 0)),
        pl.BlockSpec((1, EMB), lambda i: (0, 0)),
        pl.BlockSpec((RB, 1), lambda i: (i, 0)),
    ],
    out_specs=[
        pl.BlockSpec((G, EMB), lambda i: (0, 0)),
        pl.BlockSpec((G, EMB), lambda i: (0, 0)),
    ],
    out_shape=[
        jax.ShapeDtypeStruct((G, EMB), jnp.float32),
        jax.ShapeDtypeStruct((G, EMB), jnp.float32),
    ],
)


def kernel(node_type, num_inverted_predecessors, edge_index, batch,
           W_enc, b_enc, W0, b0, W1, b1):
    i32 = jnp.int32
    f32 = jnp.float32
    src = edge_index[0].astype(i32)
    dst = edge_index[1].astype(i32)
    pad = jnp.full((EP - E,), N, i32)
    src3 = jnp.concatenate([src, pad]).reshape(NW, CHUNKS, CHUNK)
    dst3 = jnp.concatenate([dst, pad]).reshape(NW, CHUNKS, CHUNK)

    degp = _deg_sc(dst3)
    zeros = jnp.zeros((NP, EMB), f32)

    nt = jnp.pad(node_type.astype(f32), (0, NP - N))
    ni = jnp.pad(num_inverted_predecessors.astype(f32), (0, NP - N))
    aux = jnp.stack([nt, ni, degp[0], degp[1]], axis=1)
    g0, dinv = _encode_tc(aux, W_enc, b_enc.reshape(1, EMB), W0)

    p = _edge_sc(g0, zeros, src3, dst3)
    g1 = _mid_tc(p[0], p[1], dinv, b0.reshape(1, EMB), W1)
    q = _edge_sc(g1, zeros, src3, dst3)

    batp = jnp.pad(batch.astype(i32), (0, NP - N), constant_values=G)
    gmax, gsum = _final_tc(q[0], q[1], dinv, b1.reshape(1, EMB),
                           batp.reshape(NP, 1))
    return jnp.concatenate([gmax, gsum], axis=1)

# --- scband reference (transcript-rebuilt; emitter-appended) ---
"""Pipeline reference for scband-aigencoder-18743237280080 (READ-ONLY COPY).

The authoritative reference and input builder live on the scoring server;
editing this copy changes nothing except your own understanding.
"""

import jax, jax.numpy as jnp
import numpy as np

N_NODES = 10000
N_EDGES = 320000
EMB = 128
N_GRAPHS = 16


def setup_inputs(seed: int = 0) -> dict:
    key = jax.random.key(seed)
    ks = jax.random.split(key, 10)
    node_type = jax.random.randint(ks[0], (N_NODES,), 0, 3, dtype=jnp.int64) if jax.config.jax_enable_x64 else jax.random.randint(ks[0], (N_NODES,), 0, 3, dtype=jnp.int32)
    num_inverted_predecessors = jax.random.randint(ks[1], (N_NODES,), 0, 3, dtype=node_type.dtype)
    edge_index = jax.random.randint(ks[2], (2, N_EDGES), 0, N_NODES, dtype=node_type.dtype)
    batch = jnp.sort(jax.random.randint(ks[3], (N_NODES,), 0, N_GRAPHS, dtype=node_type.dtype))
    # learned parameters: node_encoder Linear(2 -> 128), two GCNConv layers (128 -> 128)
    W_enc = jax.random.normal(ks[4], (2, EMB), dtype=jnp.float32) * 0.5
    b_enc = jnp.zeros((EMB,), dtype=jnp.float32)
    W0 = jax.random.normal(ks[5], (EMB, EMB), dtype=jnp.float32) * (1.0 / np.sqrt(EMB))
    b0 = jnp.zeros((EMB,), dtype=jnp.float32)
    W1 = jax.random.normal(ks[6], (EMB, EMB), dtype=jnp.float32) * (1.0 / np.sqrt(EMB))
    b1 = jnp.zeros((EMB,), dtype=jnp.float32)
    return {"node_type": node_type, "num_inverted_predecessors": num_inverted_predecessors,
            "edge_index": edge_index, "batch": batch,
            "W_enc": W_enc, "b_enc": b_enc, "W0": W0, "b0": b0, "W1": W1, "b1": b1}


def _gcn_conv(h, W, b, src, dst, n):
    # PyG GCNConv: add self-loops, symmetric normalization D^-1/2 (A+I) D^-1/2, then scatter-add
    hw = h @ W
    loop = jnp.arange(n, dtype=src.dtype)
    s = jnp.concatenate([src, loop])
    d = jnp.concatenate([dst, loop])
    deg = jnp.zeros((n,), dtype=hw.dtype).at[d].add(1.0)
    dinv = jax.lax.rsqrt(deg)
    norm = dinv[s] * dinv[d]
    msg = hw[s] * norm[:, None]
    out = jax.ops.segment_sum(msg, d, num_segments=n)
    return out + b


def reference(node_type, num_inverted_predecessors, edge_index, batch,
              W_enc, b_enc, W0, b0, W1, b1):
    n = node_type.shape[0]
    # x = cat([node_type, num_inverted_predecessors], dim=1); node_encoder is a Linear(2, emb)
    x = jnp.concatenate([node_type.reshape(-1, 1), num_inverted_predecessors.reshape(-1, 1)],
                        axis=1).astype(jnp.float32)
    h = x @ W_enc + b_enc
    src = edge_index[0]
    dst = edge_index[1]
    # layer 0 (not final): conv + relu; final_layer_readout=True so skip readout
    h = _gcn_conv(h, W0, b0, src, dst, n)
    h = jax.nn.relu(h)
    # layer 1 (final): conv then readouts [max, sum]
    h = _gcn_conv(h, W1, b1, src, dst, n)
    gmax = jax.ops.segment_max(h, batch, num_segments=N_GRAPHS)
    gsum = jax.ops.segment_sum(h, batch, num_segments=N_GRAPHS)
    aig_embedding = jnp.concatenate([gmax, gsum], axis=1)
    return jnp.round(aig_embedding, 3)

if __name__ == "__main__":
    import jax
    _d = setup_inputs()
    print(jax.jit(kernel)(*tuple(_d.values())))

</pallas_src>

<mosaic_0001>
#map = affine_map<(d0, d1) -> (0, 0, 0)>
#map1 = affine_map<(d0, d1) -> (0, 0)>
module attributes {stable_mosaic.version = 14 : i64} {
  func.func @_deg_sc(%arg0: i32, %arg1: i32, %arg2: memref<32x80x128xi32, #tpu.memory_space<hbm>>, %arg3: memref<2x10240xf32, #tpu.memory_space<hbm>>, %arg4: memref<80x128xi32, #tpu.memory_space<vmem>>, %arg5: memref<128xf32, #tpu.memory_space<vmem>>, %arg6: memref<640xf32, #tpu.memory_space<vmem>>, %arg7: memref<10240xf32, #tpu.memory_space<vmem_shared>>) attributes {dimension_semantics = [#tpu.dimension_semantics<core_parallel>, #tpu.dimension_semantics<subcore_parallel>], iteration_bounds = array<i64: 2, 16>, scalar_prefetch = 0 : i64, scratch_operands = 4 : i64, tpu.core_type = #tpu.core_type<sc_vector_subcore>, window_params = [{transform_indices = #map}, {transform_indices = #map1}]} {
    %mul3A = arith.constant 2 : i32
    %mul3A_0 = arith.muli %arg1, %mul3A : i32
    %add3A = arith.addi %mul3A_0, %arg0 : i32
    "tpu.region"() ({
      %run_scoped3A = tpu.sem_alloc : memref<!tpu.dma_semaphore, #tpu.memory_space<semaphore_mem>>
      %dma_start3A = arith.constant 0 : i32
      %dma_start3A_61 = arith.constant 0 : i32
      %dma_start3A_62 = tpu.memref_slice %arg2[%add3A, %dma_start3A, %dma_start3A_61] : memref<32x80x128xi32, #tpu.memory_space<hbm>> -> memref<1x80x128xi32, #tpu.memory_space<hbm>>
      %dma_start3A_63 = tpu.memref_squeeze %dma_start3A_62 : memref<1x80x128xi32, #tpu.memory_space<hbm>> -> memref<80x128xi32, #tpu.memory_space<hbm>>
      %dma_start3A_64 = arith.constant 0 : i32
      %dma_start3A_65 = arith.constant 0 : i32
      %dma_start3A_66 = tpu.memref_slice %arg2[%add3A, %dma_start3A_64, %dma_start3A_65] : memref<32x80x128xi32, #tpu.memory_space<hbm>> -> memref<1x80x128xi32, #tpu.memory_space<hbm>>
      %dma_start3A_67 = tpu.memref_squeeze %dma_start3A_66 : memref<1x80x128xi32, #tpu.memory_space<hbm>> -> memref<80x128xi32, #tpu.memory_space<hbm>>
      tpu.enqueue_dma source(%dma_start3A_67 : memref<80x128xi32, #tpu.memory_space<hbm>>) target(%arg4 : memref<80x128xi32, #tpu.memory_space<vmem>>) target_semaphore(%run_scoped3A : memref<!tpu.dma_semaphore, #tpu.memory_space<semaphore_mem>>)
      %dma_wait3A = arith.constant 0 : i32
      %dma_wait3A_68 = arith.constant 0 : i32
      %dma_wait3A_69 = tpu.memref_slice %arg2[%add3A, %dma_wait3A, %dma_wait3A_68] : memref<32x80x128xi32, #tpu.memory_space<hbm>> -> memref<1x80x128xi32, #tpu.memory_space<hbm>>
      %dma_wait3A_70 = tpu.memref_squeeze %dma_wait3A_69 : memref<1x80x128xi32, #tpu.memory_space<hbm>> -> memref<80x128xi32, #tpu.memory_space<hbm>>
      %dma_wait3A_71 = arith.constant 0 : i32
      %dma_wait3A_72 = arith.constant 0 : i32
      %dma_wait3A_73 = tpu.memref_slice %arg2[%add3A, %dma_wait3A_71, %dma_wait3A_72] : memref<32x80x128xi32, #tpu.memory_space<hbm>> -> memref<1x80x128xi32, #tpu.memory_space<hbm>>
      %dma_wait3A_74 = tpu.memref_squeeze %dma_wait3A_73 : memref<1x80x128xi32, #tpu.memory_space<hbm>> -> memref<80x128xi32, #tpu.memory_space<hbm>>
      tpu.wait_dma2 semaphore(%run_scoped3A : memref<!tpu.dma_semaphore, #tpu.memory_space<semaphore_mem>>) src(%dma_wait3A_74 : memref<80x128xi32, #tpu.memory_space<hbm>>) dst(%arg4 : memref<80x128xi32, #tpu.memory_space<vmem>>)
      tpu.yield
    }) : () -> ()
    %broadcast_in_dim3A = arith.constant 1.000000e+00 : f32
    %broadcast_in_dim3A_1 = vector.broadcast %broadcast_in_dim3A : f32 to vector<16xf32>
    %swap3A = arith.constant 0 : index
    %swap3A_2 = tpu.vector_load %arg5[%swap3A] {strides = array<i32>} : memref<128xf32, #tpu.memory_space<vmem>>, vector<16xf32>,
    %swap3A_3 = vector.shape_cast %swap3A_2 : vector<16xf32> to vector<16xf32>
    %swap3A_4 = vector.shape_cast %broadcast_in_dim3A_1 : vector<16xf32> to vector<16xf32>
    tpu.vector_store %arg5[%swap3A], %swap3A_4 {strides = array<i32>} : memref<128xf32, #tpu.memory_space<vmem>>, vector<16xf32>,
    %broadcast_in_dim3A_5 = arith.constant 1.000000e+00 : f32
    %broadcast_in_dim3A_6 = vector.broadcast %broadcast_in_dim3A_5 : f32 to vector<16xf32>
    %swap3A_7 = arith.constant 16 : index
    %swap3A_8 = tpu.vector_load %arg5[%swap3A_7] {strides = array<i32>} : memref<128xf32, #tpu.memory_space<vmem>>, vector<16xf32>,
    %swap3A_9 = vector.shape_cast %swap3A_8 : vector<16xf32> to vector<16xf32>
    %swap3A_10 = vector.shape_cast %broadcast_in_dim3A_6 : vector<16xf32> to vector<16xf32>
    tpu.vector_store %arg5[%swap3A_7], %swap3A_10 {strides = array<i32>} : memref<128xf32, #tpu.memory_space<vmem>>, vector<16xf32>,
    %broadcast_in_dim3A_11 = arith.constant 1.000000e+00 : f32
    %broadcast_in_dim3A_12 = vector.broadcast %broadcast_in_dim3A_11 : f32 to vector<16xf32>
    %swap3A_13 = arith.constant 32 : index
    %swap3A_14 = tpu.vector_load %arg5[%swap3A_13] {strides = array<i32>} : memref<128xf32, #tpu.memory_space<vmem>>, vector<16xf32>,
    %swap3A_15 = vector.shape_cast %swap3A_14 : vector<16xf32> to vector<16xf32>
    %swap3A_16 = vector.shape_cast %broadcast_in_dim3A_12 : vector<16xf32> to vector<16xf32>
    tpu.vector_store %arg5[%swap3A_13], %swap3A_16 {strides = array<i32>} : memref<128xf32, #tpu.memory_space<vmem>>, vector<16xf32>,
    %broadcast_in_dim3A_17 = arith.constant 1.000000e+00 : f32
    %broadcast_in_dim3A_18 = vector.broadcast %broadcast_in_dim3A_17 : f32 to vector<16xf32>
    %swap3A_19 = arith.constant 48 : index
    %swap3A_20 = tpu.vector_load %arg5[%swap3A_19] {strides = array<i32>} : memref<128xf32, #tpu.memory_space<vmem>>, vector<16xf32>,
    %swap3A_21 = vector.shape_cast %swap3A_20 : vector<16xf32> to vector<16xf32>
    %swap3A_22 = vector.shape_cast %broadcast_in_dim3A_18 : vector<16xf32> to vector<16xf32>
    tpu.vector_store %arg5[%swap3A_19], %swap3A_22 {strides = array<i32>} : memref<128xf32, #tpu.memory_space<vmem>>, vector<16xf32>,
    %broadcast_in_dim3A_23 = arith.constant 1.000000e+00 : f32
    %broadcast_in_dim3A_24 = vector.broadcast %broadcast_in_dim3A_23 : f32 to vector<16xf32>
    %swap3A_25 = arith.constant 64 : index
    %swap3A_26 = tpu.vector_load %arg5[%swap3A_25] {strides = array<i32>} : memref<128xf32, #tpu.memory_space<vmem>>, vector<16xf32>,
    %swap3A_27 = vector.shape_cast %swap3A_26 : vector<16xf32> to vector<16xf32>
    %swap3A_28 = vector.shape_cast %broadcast_in_dim3A_24 : vector<16xf32> to vector<16xf32>
    tpu.vector_store %arg5[%swap3A_25], %swap3A_28 {strides = array<i32>} : memref<128xf32, #tpu.memory_space<vmem>>, vector<16xf32>,
    %broadcast_in_dim3A_29 = arith.constant 1.000000e+00 : f32
    %broadcast_in_dim3A_30 = vector.broadcast %broadcast_in_dim3A_29 : f32 to vector<16xf32>
    %swap3A_31 = arith.constant 80 : index
    %swap3A_32 = tpu.vector_load %arg5[%swap3A_31] {strides = array<i32>} : memref<128xf32, #tpu.memory_space<vmem>>, vector<16xf32>,
    %swap3A_33 = vector.shape_cast %swap3A_32 : vector<16xf32> to vector<16xf32>
    %swap3A_34 = vector.shape_cast %broadcast_in_dim3A_30 : vector<16xf32> to vector<16xf32>
    tpu.vector_store %arg5[%swap3A_31], %swap3A_34 {strides = array<i32>} : memref<128xf32, #tpu.memory_space<vmem>>, vector<16xf32>,
    %broadcast_in_dim3A_35 = arith.constant 1.000000e+00 : f32
    %broadcast_in_dim3A_36 = vector.broadcast %broadcast_in_dim3A_35 : f32 to vector<16xf32>
    %swap3A_37 = arith.constant 96 : index
    %swap3A_38 = tpu.vector_load %arg5[%swap3A_37] {strides = array<i32>} : memref<128xf32, #tpu.memory_space<vmem>>, vector<16xf32>,
    %swap3A_39 = vector.shape_cast %swap3A_38 : vector<16xf32> to vector<16xf32>
    %swap3A_40 = vector.shape_cast %broadcast_in_dim3A_36 : vector<16xf32> to vector<16xf32>
    tpu.vector_store %arg5[%swap3A_37], %swap3A_40 {strides = array<i32>} : memref<128xf32, #tpu.memory_space<vmem>>, vector<16xf32>,
    %broadcast_in_dim3A_41 = arith.constant 1.000000e+00 : f32
    %broadcast_in_dim3A_42 = vector.broadcast %broadcast_in_dim3A_41 : f32 to vector<16xf32>
    %swap3A_43 = arith.constant 112 : index
    %swap3A_44 = tpu.vector_load %arg5[%swap3A_43] {strides = array<i32>} : memref<128xf32, #tpu.memory_space<vmem>>, vector<16xf32>,
    %swap3A_45 = vector.shape_cast %swap3A_44 : vector<16xf32> to vector<16xf32>
    %swap3A_46 = vector.shape_cast %broadcast_in_dim3A_42 : vector<16xf32> to vector<16xf32>
    tpu.vector_store %arg5[%swap3A_43], %swap3A_46 {strides = array<i32>} : memref<128xf32, #tpu.memory_space<vmem>>, vector<16xf32>,
    %scan3A = arith.constant 0 : i32
    %scan3A_47 = arith.constant 0 : i32
    %scan3A_48 = arith.constant 40 : i32
    %scan3A_49 = arith.addi %scan3A_47, %scan3A_48 : i32
    %scan3A_50 = arith.constant 1 : i32
    scf.for %scan3A_61 = %scan3A_47 to %scan3A_49 step %scan3A_50  : i32 {
      %broadcast_in_dim3A_62 = arith.constant 0.000000e+00 : f32
      %broadcast_in_dim3A_63 = vector.broadcast %broadcast_in_dim3A_62 : f32 to vector<16xf32>
      %mul3A_64 = arith.constant 16 : i32
      %mul3A_65 = arith.muli %scan3A_61, %mul3A_64 : i32
      %swap3A_66 = arith.index_cast %mul3A_65 : i32 to index
      %swap3A_67 = tpu.vector_load %arg6[%swap3A_66] {strides = array<i32>} : memref<640xf32, #tpu.memory_space<vmem>>, vector<16xf32>,
      %swap3A_68 = vector.shape_cast %swap3A_67 : vector<16xf32> to vector<16xf32>
      %swap3A_69 = vector.shape_cast %broadcast_in_dim3A_63 : vector<16xf32> to vector<16xf32>
      tpu.vector_store %arg6[%swap3A_66], %swap3A_69 {strides = array<i32>} : memref<640xf32, #tpu.memory_space<vmem>>, vector<16xf32>,
    }
    %scan3A_51 = arith.constant 40 : i32
    %mul3A_52 = arith.constant 640 : i32
    %mul3A_53 = arith.muli %arg1, %mul3A_52 : i32
    "tpu.region"() ({
      %run_scoped3A = tpu.sem_alloc : memref<!tpu.dma_semaphore, #tpu.memory_space<semaphore_mem>>
      %dma_start3A = tpu.memref_slice %arg7[%mul3A_53] : memref<10240xf32, #tpu.memory_space<vmem_shared>> -> memref<640xf32, #tpu.memory_space<vmem_shared>>
      %dma_start3A_61 = tpu.memref_slice %arg7[%mul3A_53] : memref<10240xf32, #tpu.memory_space<vmem_shared>> -> memref<640xf32, #tpu.memory_space<vmem_shared>>
      tpu.enqueue_dma source(%arg6 : memref<640xf32, #tpu.memory_space<vmem>>) target(%dma_start3A_61 : memref<640xf32, #tpu.memory_space<vmem_shared>>) target_semaphore(%run_scoped3A : memref<!tpu.dma_semaphore, #tpu.memory_space<semaphore_mem>>)
      %dma_wait3A = tpu.memref_slice %arg7[%mul3A_53] : memref<10240xf32, #tpu.memory_space<vmem_shared>> -> memref<640xf32, #tpu.memory_space<vmem_shared>>
      %dma_wait3A_62 = tpu.memref_slice %arg7[%mul3A_53] : memref<10240xf32, #tpu.memory_space<vmem_shared>> -> memref<640xf32, #tpu.memory_space<vmem_shared>>
      tpu.wait_dma2 semaphore(%run_scoped3A : memref<!tpu.dma_semaphore, #tpu.memory_space<semaphore_mem>>) src(%arg6 : memref<640xf32, #tpu.memory_space<vmem>>) dst(%dma_wait3A_62 : memref<640xf32, #tpu.memory_space<vmem_shared>>)
      tpu.yield
    }) : () -> ()
    %barrier3A = arith.constant 0 : index
    tpu.barrier barrier_id(%barrier3A)
    %scan3A_54 = arith.constant 0 : i32
    %scan3A_55 = arith.constant 0 : i32
    %scan3A_56 = arith.constant 80 : i32
    %scan3A_57 = arith.addi %scan3A_55, %scan3A_56 : i32
    %scan3A_58 = arith.constant 1 : i32
    scf.for %scan3A_61 = %scan3A_55 to %scan3A_57 step %scan3A_58  : i32 {
      "tpu.region"() ({
        %run_scoped3A = tpu.sem_alloc : memref<!tpu.dma_semaphore, #tpu.memory_space<semaphore_mem>>
        %dma_start3A = arith.constant 0 : i32
        %dma_start3A_62 = tpu.memref_slice %arg4[%scan3A_61, %dma_start3A] : memref<80x128xi32, #tpu.memory_space<vmem>> -> memref<1x128xi32, #tpu.memory_space<vmem>>
        %dma_start3A_63 = tpu.memref_squeeze %dma_start3A_62 : memref<1x128xi32, #tpu.memory_space<vmem>> -> memref<128xi32, #tpu.memory_space<vmem>>
        %dma_start3A_64 = arith.constant 0 : i32
        %dma_start3A_65 = tpu.memref_slice %arg7[%dma_start3A_64] : memref<10240xf32, #tpu.memory_space<vmem_shared>> -> memref<10240xf32, #tpu.memory_space<vmem_shared>>
        tpu.enqueue_indirect_dma source(%arg5 : memref<128xf32, #tpu.memory_space<vmem>>) target(%dma_start3A_65 : memref<10240xf32, #tpu.memory_space<vmem_shared>>) offsets(%dma_start3A_63 : memref<128xi32, #tpu.memory_space<vmem>>) semaphore(%run_scoped3A : memref<!tpu.dma_semaphore, #tpu.memory_space<semaphore_mem>>) {add = true}
        %dma_wait3A = arith.constant 0 : i32
        %dma_wait3A_66 = tpu.memref_slice %arg4[%scan3A_61, %dma_wait3A] : memref<80x128xi32, #tpu.memory_space<vmem>> -> memref<1x128xi32, #tpu.memory_space<vmem>>
        %dma_wait3A_67 = tpu.memref_squeeze %dma_wait3A_66 : memref<1x128xi32, #tpu.memory_space<vmem>> -> memref<128xi32, #tpu.memory_space<vmem>>
        %dma_wait3A_68 = arith.constant 0 : i32
        %dma_wait3A_69 = tpu.memref_slice %arg7[%dma_wait3A_68] : memref<10240xf32, #tpu.memory_space<vmem_shared>> -> memref<10240xf32, #tpu.memory_space<vmem_shared>>
        tpu.wait_indirect_dma semaphore(%run_scoped3A : memref<!tpu.dma_semaphore, #tpu.memory_space<semaphore_mem>>) src(%arg5 : memref<128xf32, #tpu.memory_space<vmem>>) dst(%dma_wait3A_69 : memref<10240xf32, #tpu.memory_space<vmem_shared>>)
        tpu.yield
      }) : () -> ()
    }
    %scan3A_59 = arith.constant 80 : i32
    %barrier3A_60 = arith.constant 0 : index
    tpu.barrier barrier_id(%barrier3A_60)
    "tpu.region"() ({
      %run_scoped3A = tpu.sem_alloc : memref<!tpu.dma_semaphore, #tpu.memory_space<semaphore_mem>>
      %dma_start3A = tpu.memref_slice %arg3[%arg0, %mul3A_53] : memref<2x10240xf32, #tpu.memory_space<hbm>> -> memref<1x640xf32, #tpu.memory_space<hbm>>
      %dma_start3A_61 = tpu.memref_squeeze %dma_start3A : memref<1x640xf32, #tpu.memory_space<hbm>> -> memref<640xf32, #tpu.memory_space<hbm>>
      %dma_start3A_62 = tpu.memref_slice %arg7[%mul3A_53] : memref<10240xf32, #tpu.memory_space<vmem_shared>> -> memref<640xf32, #tpu.memory_space<vmem_shared>>
      tpu.enqueue_dma source(%dma_start3A_62 : memref<640xf32, #tpu.memory_space<vmem_shared>>) target(%dma_start3A_61 : memref<640xf32, #tpu.memory_space<hbm>>) target_semaphore(%run_scoped3A : memref<!tpu.dma_semaphore, #tpu.memory_space<semaphore_mem>>)
      %dma_wait3A = tpu.memref_slice %arg3[%arg0, %mul3A_53] : memref<2x10240xf32, #tpu.memory_space<hbm>> -> memref<1x640xf32, #tpu.memory_space<hbm>>
      %dma_wait3A_63 = tpu.memref_squeeze %dma_wait3A : memref<1x640xf32, #tpu.memory_space<hbm>> -> memref<640xf32, #tpu.memory_space<hbm>>
      %dma_wait3A_64 = tpu.memref_slice %arg7[%mul3A_53] : memref<10240xf32, #tpu.memory_space<vmem_shared>> -> memref<640xf32, #tpu.memory_space<vmem_shared>>
      tpu.wait_dma2 semaphore(%run_scoped3A : memref<!tpu.dma_semaphore, #tpu.memory_space<semaphore_mem>>) src(%dma_wait3A_64 : memref<640xf32, #tpu.memory_space<vmem_shared>>) dst(%dma_wait3A_63 : memref<640xf32, #tpu.memory_space<hbm>>)
      tpu.yield
    }) : () -> ()
    return
  }
}

#map = affine_map<(d0, d1) -> (0, 0)>
#map1 = affine_map<(d0, d1) -> (0, 0, 0)>
module attributes {stable_mosaic.version = 14 : i64} {
  func.func @_edge_sc(%arg0: i32, %arg1: i32, %arg2: memref<10240x128xf32, #tpu.memory_space<hbm>>, %arg3: memref<10240x128xf32, #tpu.memory_space<hbm>>, %arg4: memref<32x80x128xi32, #tpu.memory_space<hbm>>, %arg5: memref<32x80x128xi32, #tpu.memory_space<hbm>>, %arg6: memref<2x10240x128xf32, #tpu.memory_space<hbm>>, %arg7: memref<40x128xi32, #tpu.memory_space<vmem>>, %arg8: memref<40x128xi32, #tpu.memory_space<vmem>>, %arg9: memref<2x128x128xf32, #tpu.memory_space<vmem>>, %arg10: memref<10240x128xf32, #tpu.memory_space<vmem_shared>>, %arg11: memref<!tpu.dma_semaphore, #tpu.memory_space<semaphore_mem>>, %arg12: memref<!tpu.dma_semaphore, #tpu.memory_space<semaphore_mem>>, %arg13: memref<!tpu.dma_semaphore, #tpu.memory_space<semaphore_mem>>, %arg14: memref<!tpu.dma_semaphore, #tpu.memory_space<semaphore_mem>>) attributes {dimension_semantics = [#tpu.dimension_semantics<core_parallel>, #tpu.dimension_semantics<subcore_parallel>], iteration_bounds = array<i64: 2, 16>, scalar_prefetch = 0 : i64, scratch_operands = 8 : i64, tpu.core_type = #tpu.core_type<sc_vector_subcore>, window_params = [{transform_indices = #map}, {transform_indices = #map}, {transform_indices = #map1}, {transform_indices = #map1}, {transform_indices = #map1}]} {
    %mul3A = arith.constant 2 : i32
    %mul3A_0 = arith.muli %arg1, %mul3A : i32
    %add3A = arith.addi %mul3A_0, %arg0 : i32
    %mul3A_1 = arith.constant 640 : i32
    %mul3A_2 = arith.muli %arg1, %mul3A_1 : i32
    %eq3A = arith.constant 0 : i32
    %eq3A_3 = arith.cmpi eq, %arg0, %eq3A : i32
    %convert_element_type3A = arith.extui %eq3A_3 : i1 to i32
    %cond3A = arith.constant 0 : i32
    %cond3A_4 = arith.cmpi ne, %convert_element_type3A, %cond3A : i32
    scf.if %cond3A_4 {
      "tpu.region"() ({
        %run_scoped3A = tpu.sem_alloc : memref<!tpu.dma_semaphore, #tpu.memory_space<semaphore_mem>>
        %dma_start3A_68 = arith.constant 0 : i32
        %dma_start3A_69 = tpu.memref_slice %arg10[%mul3A_2, %dma_start3A_68] : memref<10240x128xf32, #tpu.memory_space<vmem_shared>> -> memref<640x128xf32, #tpu.memory_space<vmem_shared>>
        %dma_start3A_70 = arith.constant 0 : i32
        %dma_start3A_71 = tpu.memref_slice %arg2[%mul3A_2, %dma_start3A_70] : memref<10240x128xf32, #tpu.memory_space<hbm>> -> memref<640x128xf32, #tpu.memory_space<hbm>>
        tpu.enqueue_dma source(%dma_start3A_71 : memref<640x128xf32, #tpu.memory_space<hbm>>) target(%dma_start3A_69 : memref<640x128xf32, #tpu.memory_space<vmem_shared>>) target_semaphore(%run_scoped3A : memref<!tpu.dma_semaphore, #tpu.memory_space<semaphore_mem>>)
        %dma_wait3A = arith.constant 0 : i32
        %dma_wait3A_72 = tpu.memref_slice %arg10[%mul3A_2, %dma_wait3A] : memref<10240x128xf32, #tpu.memory_space<vmem_shared>> -> memref<640x128xf32, #tpu.memory_space<vmem_shared>>
        %dma_wait3A_73 = arith.constant 0 : i32
        %dma_wait3A_74 = tpu.memref_slice %arg2[%mul3A_2, %dma_wait3A_73] : memref<10240x128xf32, #tpu.memory_space<hbm>> -> memref<640x128xf32, #tpu.memory_space<hbm>>
        tpu.wait_dma2 semaphore(%run_scoped3A : memref<!tpu.dma_semaphore, #tpu.memory_space<semaphore_mem>>) src(%dma_wait3A_74 : memref<640x128xf32, #tpu.memory_space<hbm>>) dst(%dma_wait3A_72 : memref<640x128xf32, #tpu.memory_space<vmem_shared>>)
        tpu.yield
      }) : () -> ()
    } else {
    }
    %ne3A = arith.constant 0 : i32
    %ne3A_5 = arith.cmpi ne, %arg0, %ne3A : i32
    %convert_element_type3A_6 = arith.extui %ne3A_5 : i1 to i32
    %cond3A_7 = arith.constant 0 : i32
    %cond3A_8 = arith.cmpi ne, %convert_element_type3A_6, %cond3A_7 : i32
    scf.if %cond3A_8 {
      "tpu.region"() ({
        %run_scoped3A = tpu.sem_alloc : memref<!tpu.dma_semaphore, #tpu.memory_space<semaphore_mem>>
        %dma_start3A_68 = arith.constant 0 : i32
        %dma_start3A_69 = tpu.memref_slice %arg10[%mul3A_2, %dma_start3A_68] : memref<10240x128xf32, #tpu.memory_space<vmem_shared>> -> memref<640x128xf32, #tpu.memory_space<vmem_shared>>
        %dma_start3A_70 = arith.constant 0 : i32
        %dma_start3A_71 = tpu.memref_slice %arg3[%mul3A_2, %dma_start3A_70] : memref<10240x128xf32, #tpu.memory_space<hbm>> -> memref<640x128xf32, #tpu.memory_space<hbm>>
        tpu.enqueue_dma source(%dma_start3A_71 : memref<640x128xf32, #tpu.memory_space<hbm>>) target(%dma_start3A_69 : memref<640x128xf32, #tpu.memory_space<vmem_shared>>) target_semaphore(%run_scoped3A : memref<!tpu.dma_semaphore, #tpu.memory_space<semaphore_mem>>)
        %dma_wait3A = arith.constant 0 : i32
        %dma_wait3A_72 = tpu.memref_slice %arg10[%mul3A_2, %dma_wait3A] : memref<10240x128xf32, #tpu.memory_space<vmem_shared>> -> memref<640x128xf32, #tpu.memory_space<vmem_shared>>
        %dma_wait3A_73 = arith.constant 0 : i32
        %dma_wait3A_74 = tpu.memref_slice %arg3[%mul3A_2, %dma_wait3A_73] : memref<10240x128xf32, #tpu.memory_space<hbm>> -> memref<640x128xf32, #tpu.memory_space<hbm>>
        tpu.wait_dma2 semaphore(%run_scoped3A : memref<!tpu.dma_semaphore, #tpu.memory_space<semaphore_mem>>) src(%dma_wait3A_74 : memref<640x128xf32, #tpu.memory_space<hbm>>) dst(%dma_wait3A_72 : memref<640x128xf32, #tpu.memory_space<vmem_shared>>)
        tpu.yield
      }) : () -> ()
    } else {
    }
    %barrier3A = arith.constant 0 : index
    tpu.barrier barrier_id(%barrier3A)
    "tpu.region"() ({
      %run_scoped3A = tpu.sem_alloc : memref<!tpu.dma_semaphore, #tpu.memory_space<semaphore_mem>>
      %dma_start3A_68 = arith.constant 0 : i32
      %dma_start3A_69 = arith.constant 0 : i32
      %dma_start3A_70 = tpu.memref_slice %arg4[%add3A, %dma_start3A_68, %dma_start3A_69] : memref<32x80x128xi32, #tpu.memory_space<hbm>> -> memref<1x40x128xi32, #tpu.memory_space<hbm>>
      %dma_start3A_71 = tpu.memref_squeeze %dma_start3A_70 : memref<1x40x128xi32, #tpu.memory_space<hbm>> -> memref<40x128xi32, #tpu.memory_space<hbm>>
      %dma_start3A_72 = arith.constant 0 : i32
      %dma_start3A_73 = arith.constant 0 : i32
      %dma_start3A_74 = tpu.memref_slice %arg4[%add3A, %dma_start3A_72, %dma_start3A_73] : memref<32x80x128xi32, #tpu.memory_space<hbm>> -> memref<1x40x128xi32, #tpu.memory_space<hbm>>
      %dma_start3A_75 = tpu.memref_squeeze %dma_start3A_74 : memref<1x40x128xi32, #tpu.memory_space<hbm>> -> memref<40x128xi32, #tpu.memory_space<hbm>>
      tpu.enqueue_dma source(%dma_start3A_75 : memref<40x128xi32, #tpu.memory_space<hbm>>) target(%arg7 : memref<40x128xi32, #tpu.memory_space<vmem>>) target_semaphore(%run_scoped3A : memref<!tpu.dma_semaphore, #tpu.memory_space<semaphore_mem>>)
      %dma_wait3A = arith.constant 0 : i32
      %dma_wait3A_76 = arith.constant 0 : i32
      %dma_wait3A_77 = tpu.memref_slice %arg4[%add3A, %dma_wait3A, %dma_wait3A_76] : memref<32x80x128xi32, #tpu.memory_space<hbm>> -> memref<1x40x128xi32, #tpu.memory_space<hbm>>
      %dma_wait3A_78 = tpu.memref_squeeze %dma_wait3A_77 : memref<1x40x128xi32, #tpu.memory_space<hbm>> -> memref<40x128xi32, #tpu.memory_space<hbm>>
      %dma_wait3A_79 = arith.constant 0 : i32
      %dma_wait3A_80 = arith.constant 0 : i32
      %dma_wait3A_81 = tpu.memref_slice %arg4[%add3A, %dma_wait3A_79, %dma_wait3A_80] : memref<32x80x128xi32, #tpu.memory_space<hbm>> -> memref<1x40x128xi32, #tpu.memory_space<hbm>>
      %dma_wait3A_82 = tpu.memref_squeeze %dma_wait3A_81 : memref<1x40x128xi32, #tpu.memory_space<hbm>> -> memref<40x128xi32, #tpu.memory_space<hbm>>
      tpu.wait_dma2 semaphore(%run_scoped3A : memref<!tpu.dma_semaphore, #tpu.memory_space<semaphore_mem>>) src(%dma_wait3A_82 : memref<40x128xi32, #tpu.memory_space<hbm>>) dst(%arg7 : memref<40x128xi32, #tpu.memory_space<vmem>>)
      tpu.yield
    }) : () -> ()
    "tpu.region"() ({
      %run_scoped3A = tpu.sem_alloc : memref<!tpu.dma_semaphore, #tpu.memory_space<semaphore_mem>>
      %dma_start3A_68 = arith.constant 0 : i32
      %dma_start3A_69 = arith.constant 0 : i32
      %dma_start3A_70 = tpu.memref_slice %arg5[%add3A, %dma_start3A_68, %dma_start3A_69] : memref<32x80x128xi32, #tpu.memory_space<hbm>> -> memref<1x40x128xi32, #tpu.memory_space<hbm>>
      %dma_start3A_71 = tpu.memref_squeeze %dma_start3A_70 : memref<1x40x128xi32, #tpu.memory_space<hbm>> -> memref<40x128xi32, #tpu.memory_space<hbm>>
      %dma_start3A_72 = arith.constant 0 : i32
      %dma_start3A_73 = arith.constant 0 : i32
      %dma_start3A_74 = tpu.memref_slice %arg5[%add3A, %dma_start3A_72, %dma_start3A_73] : memref<32x80x128xi32, #tpu.memory_space<hbm>> -> memref<1x40x128xi32, #tpu.memory_space<hbm>>
      %dma_start3A_75 = tpu.memref_squeeze %dma_start3A_74 : memref<1x40x128xi32, #tpu.memory_space<hbm>> -> memref<40x128xi32, #tpu.memory_space<hbm>>
      tpu.enqueue_dma source(%dma_start3A_75 : memref<40x128xi32, #tpu.memory_space<hbm>>) target(%arg8 : memref<40x128xi32, #tpu.memory_space<vmem>>) target_semaphore(%run_scoped3A : memref<!tpu.dma_semaphore, #tpu.memory_space<semaphore_mem>>)
      %dma_wait3A = arith.constant 0 : i32
      %dma_wait3A_76 = arith.constant 0 : i32
      %dma_wait3A_77 = tpu.memref_slice %arg5[%add3A, %dma_wait3A, %dma_wait3A_76] : memref<32x80x128xi32, #tpu.memory_space<hbm>> -> memref<1x40x128xi32, #tpu.memory_space<hbm>>
      %dma_wait3A_78 = tpu.memref_squeeze %dma_wait3A_77 : memref<1x40x128xi32, #tpu.memory_space<hbm>> -> memref<40x128xi32, #tpu.memory_space<hbm>>
      %dma_wait3A_79 = arith.constant 0 : i32
      %dma_wait3A_80 = arith.constant 0 : i32
      %dma_wait3A_81 = tpu.memref_slice %arg5[%add3A, %dma_wait3A_79, %dma_wait3A_80] : memref<32x80x128xi32, #tpu.memory_space<hbm>> -> memref<1x40x128xi32, #tpu.memory_space<hbm>>
      %dma_wait3A_82 = tpu.memref_squeeze %dma_wait3A_81 : memref<1x40x128xi32, #tpu.memory_space<hbm>> -> memref<40x128xi32, #tpu.memory_space<hbm>>
      tpu.wait_dma2 semaphore(%run_scoped3A : memref<!tpu.dma_semaphore, #tpu.memory_space<semaphore_mem>>) src(%dma_wait3A_82 : memref<40x128xi32, #tpu.memory_space<hbm>>) dst(%arg8 : memref<40x128xi32, #tpu.memory_space<vmem>>)
      tpu.yield
    }) : () -> ()
    %dma_start3A = arith.constant 0 : i32
    %dma_start3A_9 = arith.constant 0 : i32
    %dma_start3A_10 = arith.constant 0 : i32
    %dma_start3A_11 = arith.constant 0 : i32
    %dma_start3A_12 = tpu.memref_slice %arg9[%dma_start3A_9, %dma_start3A_10, %dma_start3A_11] : memref<2x128x128xf32, #tpu.memory_space<vmem>> -> memref<1x128x128xf32, #tpu.memory_space<vmem>>
    %dma_start3A_13 = tpu.memref_squeeze %dma_start3A_12 : memref<1x128x128xf32, #tpu.memory_space<vmem>> -> memref<128x128xf32, #tpu.memory_space<vmem>>
    %dma_start3A_14 = arith.constant 0 : i32
    %dma_start3A_15 = tpu.memref_slice %arg7[%dma_start3A, %dma_start3A_14] : memref<40x128xi32, #tpu.memory_space<vmem>> -> memref<1x128xi32, #tpu.memory_space<vmem>>
    %dma_start3A_16 = tpu.memref_squeeze %dma_start3A_15 : memref<1x128xi32, #tpu.memory_space<vmem>> -> memref<128xi32, #tpu.memory_space<vmem>>
    %dma_start3A_17 = arith.constant 0 : i32
    %dma_start3A_18 = arith.constant 0 : i32
    %dma_start3A_19 = tpu.memref_slice %arg2[%dma_start3A_17, %dma_start3A_18] : memref<10240x128xf32, #tpu.memory_space<hbm>> -> memref<10240x128xf32, #tpu.memory_space<hbm>>
    tpu.enqueue_indirect_dma source(%dma_start3A_19 : memref<10240x128xf32, #tpu.memory_space<hbm>>) target(%dma_start3A_13 : memref<128x128xf32, #tpu.memory_space<vmem>>) offsets(%dma_start3A_16 : memref<128xi32, #tpu.memory_space<vmem>>) semaphore(%arg11 : memref<!tpu.dma_semaphore, #tpu.memory_space<semaphore_mem>>)
    %dma_start3A_20 = arith.constant 1 : i32
    %dma_start3A_21 = arith.constant 1 : i32
    %dma_start3A_22 = arith.constant 0 : i32
    %dma_start3A_23 = arith.constant 0 : i32
    %dma_start3A_24 = tpu.memref_slice %arg9[%dma_start3A_21, %dma_start3A_22, %dma_start3A_23] : memref<2x128x128xf32, #tpu.memory_space<vmem>> -> memref<1x128x128xf32, #tpu.memory_space<vmem>>
    %dma_start3A_25 = tpu.memref_squeeze %dma_start3A_24 : memref<1x128x128xf32, #tpu.memory_space<vmem>> -> memref<128x128xf32, #tpu.memory_space<vmem>>
    %dma_start3A_26 = arith.constant 0 : i32
    %dma_start3A_27 = tpu.memref_slice %arg7[%dma_start3A_20, %dma_start3A_26] : memref<40x128xi32, #tpu.memory_space<vmem>> -> memref<1x128xi32, #tpu.memory_space<vmem>>
    %dma_start3A_28 = tpu.memref_squeeze %dma_start3A_27 : memref<1x128xi32, #tpu.memory_space<vmem>> -> memref<128xi32, #tpu.memory_space<vmem>>
    %dma_start3A_29 = arith.constant 0 : i32
    %dma_start3A_30 = arith.constant 0 : i32
    %dma_start3A_31 = tpu.memref_slice %arg2[%dma_start3A_29, %dma_start3A_30] : memref<10240x128xf32, #tpu.memory_space<hbm>> -> memref<10240x128xf32, #tpu.memory_space<hbm>>
    tpu.enqueue_indirect_dma source(%dma_start3A_31 : memref<10240x128xf32, #tpu.memory_space<hbm>>) target(%dma_start3A_25 : memref<128x128xf32, #tpu.memory_space<vmem>>) offsets(%dma_start3A_28 : memref<128xi32, #tpu.memory_space<vmem>>) semaphore(%arg12 : memref<!tpu.dma_semaphore, #tpu.memory_space<semaphore_mem>>)
    %scan3A = arith.constant 0 : i32
    %scan3A_32 = arith.constant 0 : i32
    %scan3A_33 = arith.constant 20 : i32
    %scan3A_34 = arith.addi %scan3A_32, %scan3A_33 : i32
    %scan3A_35 = arith.constant 1 : i32
    scf.for %scan3A_68 = %scan3A_32 to %scan3A_34 step %scan3A_35  : i32 {
      %mul3A_69 = arith.constant 2 : i32
      %mul3A_70 = arith.muli %scan3A_68, %mul3A_69 : i32
      %add3A_71 = arith.constant 0 : i32
      %add3A_72 = arith.addi %mul3A_70, %add3A_71 : i32
      %dma_wait3A = arith.constant 0 : i32
      %dma_wait3A_73 = arith.constant 0 : i32
      %dma_wait3A_74 = arith.constant 0 : i32
      %dma_wait3A_75 = tpu.memref_slice %arg9[%dma_wait3A, %dma_wait3A_73, %dma_wait3A_74] : memref<2x128x128xf32, #tpu.memory_space<vmem>> -> memref<1x128x128xf32, #tpu.memory_space<vmem>>
      %dma_wait3A_76 = tpu.memref_squeeze %dma_wait3A_75 : memref<1x128x128xf32, #tpu.memory_space<vmem>> -> memref<128x128xf32, #tpu.memory_space<vmem>>
      %dma_wait3A_77 = arith.constant 0 : i32
      %dma_wait3A_78 = tpu.memref_slice %arg7[%add3A_72, %dma_wait3A_77] : memref<40x128xi32, #tpu.memory_space<vmem>> -> memref<1x128xi32, #tpu.memory_space<vmem>>
      %dma_wait3A_79 = tpu.memref_squeeze %dma_wait3A_78 : memref<1x128xi32, #tpu.memory_space<vmem>> -> memref<128xi32, #tpu.memory_space<vmem>>
      %dma_wait3A_80 = arith.constant 0 : i32
      %dma_wait3A_81 = arith.constant 0 : i32
      %dma_wait3A_82 = tpu.memref_slice %arg2[%dma_wait3A_80, %dma_wait3A_81] : memref<10240x128xf32, #tpu.memory_space<hbm>> -> memref<10240x128xf32, #tpu.memory_space<hbm>>
      tpu.wait_indirect_dma semaphore(%arg11 : memref<!tpu.dma_semaphore, #tpu.memory_space<semaphore_mem>>) src(%dma_wait3A_82 : memref<10240x128xf32, #tpu.memory_space<hbm>>) dst(%dma_wait3A_76 : memref<128x128xf32, #tpu.memory_space<vmem>>)
      %dma_start3A_83 = arith.constant 0 : i32
      %dma_start3A_84 = arith.constant 0 : i32
      %dma_start3A_85 = arith.constant 0 : i32
      %dma_start3A_86 = tpu.memref_slice %arg9[%dma_start3A_83, %dma_start3A_84, %dma_start3A_85] : memref<2x128x128xf32, #tpu.memory_space<vmem>> -> memref<1x128x128xf32, #tpu.memory_space<vmem>>
      %dma_start3A_87 = tpu.memref_squeeze %dma_start3A_86 : memref<1x128x128xf32, #tpu.memory_space<vmem>> -> memref<128x128xf32, #tpu.memory_space<vmem>>
      %dma_start3A_88 = arith.constant 0 : i32
      %dma_start3A_89 = tpu.memref_slice %arg8[%add3A_72, %dma_start3A_88] : memref<40x128xi32, #tpu.memory_space<vmem>> -> memref<1x128xi32, #tpu.memory_space<vmem>>
      %dma_start3A_90 = tpu.memref_squeeze %dma_start3A_89 : memref<1x128xi32, #tpu.memory_space<vmem>> -> memref<128xi32, #tpu.memory_space<vmem>>
      %dma_start3A_91 = arith.constant 0 : i32
      %dma_start3A_92 = arith.constant 0 : i32
      %dma_start3A_93 = tpu.memref_slice %arg10[%dma_start3A_91, %dma_start3A_92] : memref<10240x128xf32, #tpu.memory_space<vmem_shared>> -> memref<10240x128xf32, #tpu.memory_space<vmem_shared>>
      tpu.enqueue_indirect_dma source(%dma_start3A_87 : memref<128x128xf32, #tpu.memory_space<vmem>>) target(%dma_start3A_93 : memref<10240x128xf32, #tpu.memory_space<vmem_shared>>) offsets(%dma_start3A_90 : memref<128xi32, #tpu.memory_space<vmem>>) semaphore(%arg13 : memref<!tpu.dma_semaphore, #tpu.memory_space<semaphore_mem>>) {add = true}
      %dma_wait3A_94 = arith.constant 0 : i32
      %dma_wait3A_95 = arith.constant 0 : i32
      %dma_wait3A_96 = arith.constant 0 : i32
      %dma_wait3A_97 = tpu.memref_slice %arg9[%dma_wait3A_94, %dma_wait3A_95, %dma_wait3A_96] : memref<2x128x128xf32, #tpu.memory_space<vmem>> -> memref<1x128x128xf32, #tpu.memory_space<vmem>>
      %dma_wait3A_98 = tpu.memref_squeeze %dma_wait3A_97 : memref<1x128x128xf32, #tpu.memory_space<vmem>> -> memref<128x128xf32, #tpu.memory_space<vmem>>
      %dma_wait3A_99 = arith.constant 0 : i32
      %dma_wait3A_100 = tpu.memref_slice %arg8[%add3A_72, %dma_wait3A_99] : memref<40x128xi32, #tpu.memory_space<vmem>> -> memref<1x128xi32, #tpu.memory_space<vmem>>
      %dma_wait3A_101 = tpu.memref_squeeze %dma_wait3A_100 : memref<1x128xi32, #tpu.memory_space<vmem>> -> memref<128xi32, #tpu.memory_space<vmem>>
      %dma_wait3A_102 = arith.constant 0 : i32
      %dma_wait3A_103 = arith.constant 0 : i32
      %dma_wait3A_104 = tpu.memref_slice %arg10[%dma_wait3A_102, %dma_wait3A_103] : memref<10240x128xf32, #tpu.memory_space<vmem_shared>> -> memref<10240x128xf32, #tpu.memory_space<vmem_shared>>
      tpu.wait_indirect_dma semaphore(%arg13 : memref<!tpu.dma_semaphore, #tpu.memory_space<semaphore_mem>>) src(%dma_wait3A_98 : memref<128x128xf32, #tpu.memory_space<vmem>>) dst(%dma_wait3A_104 : memref<10240x128xf32, #tpu.memory_space<vmem_shared>>)
      %add3A_105 = arith.constant 2 : i32
      %add3A_106 = arith.addi %add3A_72, %add3A_105 : i32
      %lt3A = arith.constant 40 : i32
      %lt3A_107 = arith.cmpi slt, %add3A_106, %lt3A : i32
      %convert_element_type3A_108 = arith.extui %lt3A_107 : i1 to i32
      %cond3A_109 = arith.constant 0 : i32
      %cond3A_110 = arith.cmpi ne, %convert_element_type3A_108, %cond3A_109 : i32
      scf.if %cond3A_110 {
        %dma_start3A_155 = arith.constant 0 : i32
        %dma_start3A_156 = arith.constant 0 : i32
        %dma_start3A_157 = arith.constant 0 : i32
        %dma_start3A_158 = tpu.memref_slice %arg9[%dma_start3A_155, %dma_start3A_156, %dma_start3A_157] : memref<2x128x128xf32, #tpu.memory_space<vmem>> -> memref<1x128x128xf32, #tpu.memory_space<vmem>>
        %dma_start3A_159 = tpu.memref_squeeze %dma_start3A_158 : memref<1x128x128xf32, #tpu.memory_space<vmem>> -> memref<128x128xf32, #tpu.memory_space<vmem>>
        %dma_start3A_160 = arith.constant 0 : i32
        %dma_start3A_161 = tpu.memref_slice %arg7[%add3A_106, %dma_start3A_160] : memref<40x128xi32, #tpu.memory_space<vmem>> -> memref<1x128xi32, #tpu.memory_space<vmem>>
        %dma_start3A_162 = tpu.memref_squeeze %dma_start3A_161 : memref<1x128xi32, #tpu.memory_space<vmem>> -> memref<128xi32, #tpu.memory_space<vmem>>
        %dma_start3A_163 = arith.constant 0 : i32
        %dma_start3A_164 = arith.constant 0 : i32
        %dma_start3A_165 = tpu.memref_slice %arg2[%dma_start3A_163, %dma_start3A_164] : memref<10240x128xf32, #tpu.memory_space<hbm>> -> memref<10240x128xf32, #tpu.memory_space<hbm>>
        tpu.enqueue_indirect_dma source(%dma_start3A_165 : memref<10240x128xf32, #tpu.memory_space<hbm>>) target(%dma_start3A_159 : memref<128x128xf32, #tpu.memory_space<vmem>>) offsets(%dma_start3A_162 : memref<128xi32, #tpu.memory_space<vmem>>) semaphore(%arg11 : memref<!tpu.dma_semaphore, #tpu.memory_space<semaphore_mem>>)
      } else {
      }
      %mul3A_111 = arith.constant 2 : i32
      %mul3A_112 = arith.muli %scan3A_68, %mul3A_111 : i32
      %add3A_113 = arith.constant 1 : i32
      %add3A_114 = arith.addi %mul3A_112, %add3A_113 : i32
      %dma_wait3A_115 = arith.constant 1 : i32
      %dma_wait3A_116 = arith.constant 0 : i32
      %dma_wait3A_117 = arith.constant 0 : i32
      %dma_wait3A_118 = tpu.memref_slice %arg9[%dma_wait3A_115, %dma_wait3A_116, %dma_wait3A_117] : memref<2x128x128xf32, #tpu.memory_space<vmem>> -> memref<1x128x128xf32, #tpu.memory_space<vmem>>
      %dma_wait3A_119 = tpu.memref_squeeze %dma_wait3A_118 : memref<1x128x128xf32, #tpu.memory_space<vmem>> -> memref<128x128xf32, #tpu.memory_space<vmem>>
      %dma_wait3A_120 = arith.constant 0 : i32
      %dma_wait3A_121 = tpu.memref_slice %arg7[%add3A_114, %dma_wait3A_120] : memref<40x128xi32, #tpu.memory_space<vmem>> -> memref<1x128xi32, #tpu.memory_space<vmem>>
      %dma_wait3A_122 = tpu.memref_squeeze %dma_wait3A_121 : memref<1x128xi32, #tpu.memory_space<vmem>> -> memref<128xi32, #tpu.memory_space<vmem>>
      %dma_wait3A_123 = arith.constant 0 : i32
      %dma_wait3A_124 = arith.constant 0 : i32
      %dma_wait3A_125 = tpu.memref_slice %arg2[%dma_wait3A_123, %dma_wait3A_124] : memref<10240x128xf32, #tpu.memory_space<hbm>> -> memref<10240x128xf32, #tpu.memory_space<hbm>>
      tpu.wait_indirect_dma semaphore(%arg12 : memref<!tpu.dma_semaphore, #tpu.memory_space<semaphore_mem>>) src(%dma_wait3A_125 : memref<10240x128xf32, #tpu.memory_space<hbm>>) dst(%dma_wait3A_119 : memref<128x128xf32, #tpu.memory_space<vmem>>)
      %dma_start3A_126 = arith.constant 1 : i32
      %dma_start3A_127 = arith.constant 0 : i32
      %dma_start3A_128 = arith.constant 0 : i32
      %dma_start3A_129 = tpu.memref_slice %arg9[%dma_start3A_126, %dma_start3A_127, %dma_start3A_128] : memref<2x128x128xf32, #tpu.memory_space<vmem>> -> memref<1x128x128xf32, #tpu.memory_space<vmem>>
      %dma_start3A_130 = tpu.memref_squeeze %dma_start3A_129 : memref<1x128x128xf32, #tpu.memory_space<vmem>> -> memref<128x128xf32, #tpu.memory_space<vmem>>
      %dma_start3A_131 = arith.constant 0 : i32
      %dma_start3A_132 = tpu.memref_slice %arg8[%add3A_114, %dma_start3A_131] : memref<40x128xi32, #tpu.memory_space<vmem>> -> memref<1x128xi32, #tpu.memory_space<vmem>>
      %dma_start3A_133 = tpu.memref_squeeze %dma_start3A_132 : memref<1x128xi32, #tpu.memory_space<vmem>> -> memref<128xi32, #tpu.memory_space<vmem>>
      %dma_start3A_134 = arith.constant 0 : i32
      %dma_start3A_135 = arith.constant 0 : i32
      %dma_start3A_136 = tpu.memref_slice %arg10[%dma_start3A_134, %dma_start3A_135] : memref<10240x128xf32, #tpu.memory_space<vmem_shared>> -> memref<10240x128xf32, #tpu.memory_space<vmem_shared>>
      tpu.enqueue_indirect_dma source(%dma_start3A_130 : memref<128x128xf32, #tpu.memory_space<vmem>>) target(%dma_start3A_136 : memref<10240x128xf32, #tpu.memory_space<vmem_shared>>) offsets(%dma_start3A_133 : memref<128xi32, #tpu.memory_space<vmem>>) semaphore(%arg14 : memref<!tpu.dma_semaphore, #tpu.memory_space<semaphore_mem>>) {add = true}
      %dma_wait3A_137 = arith.constant 1 : i32
      %dma_wait3A_138 = arith.constant 0 : i32
      %dma_wait3A_139 = arith.constant 0 : i32
      %dma_wait3A_140 = tpu.memref_slice %arg9[%dma_wait3A_137, %dma_wait3A_138, %dma_wait3A_139] : memref<2x128x128xf32, #tpu.memory_space<vmem>> -> memref<1x128x128xf32, #tpu.memory_space<vmem>>
      %dma_wait3A_141 = tpu.memref_squeeze %dma_wait3A_140 : memref<1x128x128xf32, #tpu.memory_space<vmem>> -> memref<128x128xf32, #tpu.memory_space<vmem>>
      %dma_wait3A_142 = arith.constant 0 : i32
      %dma_wait3A_143 = tpu.memref_slice %arg8[%add3A_114, %dma_wait3A_142] : memref<40x128xi32, #tpu.memory_space<vmem>> -> memref<1x128xi32, #tpu.memory_space<vmem>>
      %dma_wait3A_144 = tpu.memref_squeeze %dma_wait3A_143 : memref<1x128xi32, #tpu.memory_space<vmem>> -> memref<128xi32, #tpu.memory_space<vmem>>
      %dma_wait3A_145 = arith.constant 0 : i32
      %dma_wait3A_146 = arith.constant 0 : i32
      %dma_wait3A_147 = tpu.memref_slice %arg10[%dma_wait3A_145, %dma_wait3A_146] : memref<10240x128xf32, #tpu.memory_space<vmem_shared>> -> memref<10240x128xf32, #tpu.memory_space<vmem_shared>>
      tpu.wait_indirect_dma semaphore(%arg14 : memref<!tpu.dma_semaphore, #tpu.memory_space<semaphore_mem>>) src(%dma_wait3A_141 : memref<128x128xf32, #tpu.memory_space<vmem>>) dst(%dma_wait3A_147 : memref<10240x128xf32, #tpu.memory_space<vmem_shared>>)
      %add3A_148 = arith.constant 2 : i32
      %add3A_149 = arith.addi %add3A_114, %add3A_148 : i32
      %lt3A_150 = arith.constant 40 : i32
      %lt3A_151 = arith.cmpi slt, %add3A_149, %lt3A_150 : i32
      %convert_element_type3A_152 = arith.extui %lt3A_151 : i1 to i32
      %cond3A_153 = arith.constant 0 : i32
      %cond3A_154 = arith.cmpi ne, %convert_element_type3A_152, %cond3A_153 : i32
      scf.if %cond3A_154 {
        %dma_start3A_155 = arith.constant 1 : i32
        %dma_start3A_156 = arith.constant 0 : i32
        %dma_start3A_157 = arith.constant 0 : i32
        %dma_start3A_158 = tpu.memref_slice %arg9[%dma_start3A_155, %dma_start3A_156, %dma_start3A_157] : memref<2x128x128xf32, #tpu.memory_space<vmem>> -> memref<1x128x128xf32, #tpu.memory_space<vmem>>
        %dma_start3A_159 = tpu.memref_squeeze %dma_start3A_158 : memref<1x128x128xf32, #tpu.memory_space<vmem>> -> memref<128x128xf32, #tpu.memory_space<vmem>>
        %dma_start3A_160 = arith.constant 0 : i32
        %dma_start3A_161 = tpu.memref_slice %arg7[%add3A_149, %dma_start3A_160] : memref<40x128xi32, #tpu.memory_space<vmem>> -> memref<1x128xi32, #tpu.memory_space<vmem>>
        %dma_start3A_162 = tpu.memref_squeeze %dma_start3A_161 : memref<1x128xi32, #tpu.memory_space<vmem>> -> memref<128xi32, #tpu.memory_space<vmem>>
        %dma_start3A_163 = arith.constant 0 : i32
        %dma_start3A_164 = arith.constant 0 : i32
        %dma_start3A_165 = tpu.memref_slice %arg2[%dma_start3A_163, %dma_start3A_164] : memref<10240x128xf32, #tpu.memory_space<hbm>> -> memref<10240x128xf32, #tpu.memory_space<hbm>>
        tpu.enqueue_indirect_dma source(%dma_start3A_165 : memref<10240x128xf32, #tpu.memory_space<hbm>>) target(%dma_start3A_159 : memref<128x128xf32, #tpu.memory_space<vmem>>) offsets(%dma_start3A_162 : memref<128xi32, #tpu.memory_space<vmem>>) semaphore(%arg12 : memref<!tpu.dma_semaphore, #tpu.memory_space<semaphore_mem>>)
      } else {
      }
    }
    %scan3A_36 = arith.constant 20 : i32
    "tpu.region"() ({
      %run_scoped3A = tpu.sem_alloc : memref<!tpu.dma_semaphore, #tpu.memory_space<semaphore_mem>>
      %dma_start3A_68 = arith.constant 40 : i32
      %dma_start3A_69 = arith.constant 0 : i32
      %dma_start3A_70 = tpu.memref_slice %arg4[%add3A, %dma_start3A_68, %dma_start3A_69] : memref<32x80x128xi32, #tpu.memory_space<hbm>> -> memref<1x40x128xi32, #tpu.memory_space<hbm>>
      %dma_start3A_71 = tpu.memref_squeeze %dma_start3A_70 : memref<1x40x128xi32, #tpu.memory_space<hbm>> -> memref<40x128xi32, #tpu.memory_space<hbm>>
      %dma_start3A_72 = arith.constant 40 : i32
      %dma_start3A_73 = arith.constant 0 : i32
      %dma_start3A_74 = tpu.memref_slice %arg4[%add3A, %dma_start3A_72, %dma_start3A_73] : memref<32x80x128xi32, #tpu.memory_space<hbm>> -> memref<1x40x128xi32, #tpu.memory_space<hbm>>
      %dma_start3A_75 = tpu.memref_squeeze %dma_start3A_74 : memref<1x40x128xi32, #tpu.memory_space<hbm>> -> memref<40x128xi32, #tpu.memory_space<hbm>>
      tpu.enqueue_dma source(%dma_start3A_75 : memref<40x128xi32, #tpu.memory_space<hbm>>) target(%arg7 : memref<40x128xi32, #tpu.memory_space<vmem>>) target_semaphore(%run_scoped3A : memref<!tpu.dma_semaphore, #tpu.memory_space<semaphore_mem>>)
      %dma_wait3A = arith.constant 40 : i32
      %dma_wait3A_76 = arith.constant 0 : i32
      %dma_wait3A_77 = tpu.memref_slice %arg4[%add3A, %dma_wait3A, %dma_wait3A_76] : memref<32x80x128xi32, #tpu.memory_space<hbm>> -> memref<1x40x128xi32, #tpu.memory_space<hbm>>
      %dma_wait3A_78 = tpu.memref_squeeze %dma_wait3A_77 : memref<1x40x128xi32, #tpu.memory_space<hbm>> -> memref<40x128xi32, #tpu.memory_space<hbm>>
      %dma_wait3A_79 = arith.constant 40 : i32
      %dma_wait3A_80 = arith.constant 0 : i32
      %dma_wait3A_81 = tpu.memref_slice %arg4[%add3A, %dma_wait3A_79, %dma_wait3A_80] : memref<32x80x128xi32, #tpu.memory_space<hbm>> -> memref<1x40x128xi32, #tpu.memory_space<hbm>>
      %dma_wait3A_82 = tpu.memref_squeeze %dma_wait3A_81 : memref<1x40x128xi32, #tpu.memory_space<hbm>> -> memref<40x128xi32, #tpu.memory_space<hbm>>
      tpu.wait_dma2 semaphore(%run_scoped3A : memref<!tpu.dma_semaphore, #tpu.memory_space<semaphore_mem>>) src(%dma_wait3A_82 : memref<40x128xi32, #tpu.memory_space<hbm>>) dst(%arg7 : memref<40x128xi32, #tpu.memory_space<vmem>>)
      tpu.yield
    }) : () -> ()
    "tpu.region"() ({
      %run_scoped3A = tpu.sem_alloc : memref<!tpu.dma_semaphore, #tpu.memory_space<semaphore_mem>>
      %dma_start3A_68 = arith.constant 40 : i32
      %dma_start3A_69 = arith.constant 0 : i32
      %dma_start3A_70 = tpu.memref_slice %arg5[%add3A, %dma_start3A_68, %dma_start3A_69] : memref<32x80x128xi32, #tpu.memory_space<hbm>> -> memref<1x40x128xi32, #tpu.memory_space<hbm>>
      %dma_start3A_71 = tpu.memref_squeeze %dma_start3A_70 : memref<1x40x128xi32, #tpu.memory_space<hbm>> -> memref<40x128xi32, #tpu.memory_space<hbm>>
      %dma_start3A_72 = arith.constant 40 : i32
      %dma_start3A_73 = arith.constant 0 : i32
      %dma_start3A_74 = tpu.memref_slice %arg5[%add3A, %dma_start3A_72, %dma_start3A_73] : memref<32x80x128xi32, #tpu.memory_space<hbm>> -> memref<1x40x128xi32, #tpu.memory_space<hbm>>
      %dma_start3A_75 = tpu.memref_squeeze %dma_start3A_74 : memref<1x40x128xi32, #tpu.memory_space<hbm>> -> memref<40x128xi32, #tpu.memory_space<hbm>>
      tpu.enqueue_dma source(%dma_start3A_75 : memref<40x128xi32, #tpu.memory_space<hbm>>) target(%arg8 : memref<40x128xi32, #tpu.memory_space<vmem>>) target_semaphore(%run_scoped3A : memref<!tpu.dma_semaphore, #tpu.memory_space<semaphore_mem>>)
      %dma_wait3A = arith.constant 40 : i32
      %dma_wait3A_76 = arith.constant 0 : i32
      %dma_wait3A_77 = tpu.memref_slice %arg5[%add3A, %dma_wait3A, %dma_wait3A_76] : memref<32x80x128xi32, #tpu.memory_space<hbm>> -> memref<1x40x128xi32, #tpu.memory_space<hbm>>
      %dma_wait3A_78 = tpu.memref_squeeze %dma_wait3A_77 : memref<1x40x128xi32, #tpu.memory_space<hbm>> -> memref<40x128xi32, #tpu.memory_space<hbm>>
      %dma_wait3A_79 = arith.constant 40 : i32
      %dma_wait3A_80 = arith.constant 0 : i32
      %dma_wait3A_81 = tpu.memref_slice %arg5[%add3A, %dma_wait3A_79, %dma_wait3A_80] : memref<32x80x128xi32, #tpu.memory_space<hbm>> -> memref<1x40x128xi32, #tpu.memory_space<hbm>>
      %dma_wait3A_82 = tpu.memref_squeeze %dma_wait3A_81 : memref<1x40x128xi32, #tpu.memory_space<hbm>> -> memref<40x128xi32, #tpu.memory_space<hbm>>
      tpu.wait_dma2 semaphore(%run_scoped3A : memref<!tpu.dma_semaphore, #tpu.memory_space<semaphore_mem>>) src(%dma_wait3A_82 : memref<40x128xi32, #tpu.memory_space<hbm>>) dst(%arg8 : memref<40x128xi32, #tpu.memory_space<vmem>>)
      tpu.yield
    }) : () -> ()
    %dma_start3A_37 = arith.constant 0 : i32
    %dma_start3A_38 = arith.constant 0 : i32
    %dma_start3A_39 = arith.constant 0 : i32
    %dma_start3A_40 = arith.constant 0 : i32
    %dma_start3A_41 = tpu.memref_slice %arg9[%dma_start3A_38, %dma_start3A_39, %dma_start3A_40] : memref<2x128x128xf32, #tpu.memory_space<vmem>> -> memref<1x128x128xf32, #tpu.memory_space<vmem>>
    %dma_start3A_42 = tpu.memref_squeeze %dma_start3A_41 : memref<1x128x128xf32, #tpu.memory_space<vmem>> -> memref<128x128xf32, #tpu.memory_space<vmem>>
    %dma_start3A_43 = arith.constant 0 : i32
    %dma_start3A_44 = tpu.memref_slice %arg7[%dma_start3A_37, %dma_start3A_43] : memref<40x128xi32, #tpu.memory_space<vmem>> -> memref<1x128xi32, #tpu.memory_space<vmem>>
    %dma_start3A_45 = tpu.memref_squeeze %dma_start3A_44 : memref<1x128xi32, #tpu.memory_space<vmem>> -> memref<128xi32, #tpu.memory_space<vmem>>
    %dma_start3A_46 = arith.constant 0 : i32
    %dma_start3A_47 = arith.constant 0 : i32
    %dma_start3A_48 = tpu.memref_slice %arg2[%dma_start3A_46, %dma_start3A_47] : memref<10240x128xf32, #tpu.memory_space<hbm>> -> memref<10240x128xf32, #tpu.memory_space<hbm>>
    tpu.enqueue_indirect_dma source(%dma_start3A_48 : memref<10240x128xf32, #tpu.memory_space<hbm>>) target(%dma_start3A_42 : memref<128x128xf32, #tpu.memory_space<vmem>>) offsets(%dma_start3A_45 : memref<128xi32, #tpu.memory_space<vmem>>) semaphore(%arg11 : memref<!tpu.dma_semaphore, #tpu.memory_space<semaphore_mem>>)
    %dma_start3A_49 = arith.constant 1 : i32
    %dma_start3A_50 = arith.constant 1 : i32
    %dma_start3A_51 = arith.constant 0 : i32
    %dma_start3A_52 = arith.constant 0 : i32
    %dma_start3A_53 = tpu.memref_slice %arg9[%dma_start3A_50, %dma_start3A_51, %dma_start3A_52] : memref<2x128x128xf32, #tpu.memory_space<vmem>> -> memref<1x128x128xf32, #tpu.memory_space<vmem>>
    %dma_start3A_54 = tpu.memref_squeeze %dma_start3A_53 : memref<1x128x128xf32, #tpu.memory_space<vmem>> -> memref<128x128xf32, #tpu.memory_space<vmem>>
    %dma_start3A_55 = arith.constant 0 : i32
    %dma_start3A_56 = tpu.memref_slice %arg7[%dma_start3A_49, %dma_start3A_55] : memref<40x128xi32, #tpu.memory_space<vmem>> -> memref<1x128xi32, #tpu.memory_space<vmem>>
    %dma_start3A_57 = tpu.memref_squeeze %dma_start3A_56 : memref<1x128xi32, #tpu.memory_space<vmem>> -> memref<128xi32, #tpu.memory_space<vmem>>
    %dma_start3A_58 = arith.constant 0 : i32
    %dma_start3A_59 = arith.constant 0 : i32
    %dma_start3A_60 = tpu.memref_slice %arg2[%dma_start3A_58, %dma_start3A_59] : memref<10240x128xf32, #tpu.memory_space<hbm>> -> memref<10240x128xf32, #tpu.memory_space<hbm>>
    tpu.enqueue_indirect_dma source(%dma_start3A_60 : memref<10240x128xf32, #tpu.memory_space<hbm>>) target(%dma_start3A_54 : memref<128x128xf32, #tpu.memory_space<vmem>>) offsets(%dma_start3A_57 : memref<128xi32, #tpu.memory_space<vmem>>) semaphore(%arg12 : memref<!tpu.dma_semaphore, #tpu.memory_space<semaphore_mem>>)
    %scan3A_61 = arith.constant 0 : i32
    %scan3A_62 = arith.constant 0 : i32
    %scan3A_63 = arith.constant 20 : i32
    %scan3A_64 = arith.addi %scan3A_62, %scan3A_63 : i32
    %scan3A_65 = arith.constant 1 : i32
    scf.for %scan3A_68 = %scan3A_62 to %scan3A_64 step %scan3A_65  : i32 {
      %mul3A_69 = arith.constant 2 : i32
      %mul3A_70 = arith.muli %scan3A_68, %mul3A_69 : i32
      %add3A_71 = arith.constant 0 : i32
      %add3A_72 = arith.addi %mul3A_70, %add3A_71 : i32
      %dma_wait3A = arith.constant 0 : i32
      %dma_wait3A_73 = arith.constant 0 : i32
      %dma_wait3A_74 = arith.constant 0 : i32
      %dma_wait3A_75 = tpu.memref_slice %arg9[%dma_wait3A, %dma_wait3A_73, %dma_wait3A_74] : memref<2x128x128xf32, #tpu.memory_space<vmem>> -> memref<1x128x128xf32, #tpu.memory_space<vmem>>
      %dma_wait3A_76 = tpu.memref_squeeze %dma_wait3A_75 : memref<1x128x128xf32, #tpu.memory_space<vmem>> -> memref<128x128xf32, #tpu.memory_space<vmem>>
      %dma_wait3A_77 = arith.constant 0 : i32
      %dma_wait3A_78 = tpu.memref_slice %arg7[%add3A_72, %dma_wait3A_77] : memref<40x128xi32, #tpu.memory_space<vmem>> -> memref<1x128xi32, #tpu.memory_space<vmem>>
      %dma_wait3A_79 = tpu.memref_squeeze %dma_wait3A_78 : memref<1x128xi32, #tpu.memory_space<vmem>> -> memref<128xi32, #tpu.memory_space<vmem>>
      %dma_wait3A_80 = arith.constant 0 : i32
      %dma_wait3A_81 = arith.constant 0 : i32
      %dma_wait3A_82 = tpu.memref_slice %arg2[%dma_wait3A_80, %dma_wait3A_81] : memref<10240x128xf32, #tpu.memory_space<hbm>> -> memref<10240x128xf32, #tpu.memory_space<hbm>>
      tpu.wait_indirect_dma semaphore(%arg11 : memref<!tpu.dma_semaphore, #tpu.memory_space<semaphore_mem>>) src(%dma_wait3A_82 : memref<10240x128xf32, #tpu.memory_space<hbm>>) dst(%dma_wait3A_76 : memref<128x128xf32, #tpu.memory_space<vmem>>)
      %dma_start3A_83 = arith.constant 0 : i32
      %dma_start3A_84 = arith.constant 0 : i32
      %dma_start3A_85 = arith.constant 0 : i32
      %dma_start3A_86 = tpu.memref_slice %arg9[%dma_start3A_83, %dma_start3A_84, %dma_start3A_85] : memref<2x128x128xf32, #tpu.memory_space<vmem>> -> memref<1x128x128xf32, #tpu.memory_space<vmem>>
      %dma_start3A_87 = tpu.memref_squeeze %dma_start3A_86 : memref<1x128x128xf32, #tpu.memory_space<vmem>> -> memref<128x128xf32, #tpu.memory_space<vmem>>
      %dma_start3A_88 = arith.constant 0 : i32
      %dma_start3A_89 = tpu.memref_slice %arg8[%add3A_72, %dma_start3A_88] : memref<40x128xi32, #tpu.memory_space<vmem>> -> memref<1x128xi32, #tpu.memory_space<vmem>>
      %dma_start3A_90 = tpu.memref_squeeze %dma_start3A_89 : memref<1x128xi32, #tpu.memory_space<vmem>> -> memref<128xi32, #tpu.memory_space<vmem>>
      %dma_start3A_91 = arith.constant 0 : i32
      %dma_start3A_92 = arith.constant 0 : i32
      %dma_start3A_93 = tpu.memref_slice %arg10[%dma_start3A_91, %dma_start3A_92] : memref<10240x128xf32, #tpu.memory_space<vmem_shared>> -> memref<10240x128xf32, #tpu.memory_space<vmem_shared>>
      tpu.enqueue_indirect_dma source(%dma_start3A_87 : memref<128x128xf32, #tpu.memory_space<vmem>>) target(%dma_start3A_93 : memref<10240x128xf32, #tpu.memory_space<vmem_shared>>) offsets(%dma_start3A_90 : memref<128xi32, #tpu.memory_space<vmem>>) semaphore(%arg13 : memref<!tpu.dma_semaphore, #tpu.memory_space<semaphore_mem>>) {add = true}
      %dma_wait3A_94 = arith.constant 0 : i32
      %dma_wait3A_95 = arith.constant 0 : i32
      %dma_wait3A_96 = arith.constant 0 : i32
      %dma_wait3A_97 = tpu.memref_slice %arg9[%dma_wait3A_94, %dma_wait3A_95, %dma_wait3A_96] : memref<2x128x128xf32, #tpu.memory_space<vmem>> -> memref<1x128x128xf32, #tpu.memory_space<vmem>>
      %dma_wait3A_98 = tpu.memref_squeeze %dma_wait3A_97 : memref<1x128x128xf32, #tpu.memory_space<vmem>> -> memref<128x128xf32, #tpu.memory_space<vmem>>
      %dma_wait3A_99 = arith.constant 0 : i32
      %dma_wait3A_100 = tpu.memref_slice %arg8[%add3A_72, %dma_wait3A_99] : memref<40x128xi32, #tpu.memory_space<vmem>> -> memref<1x128xi32, #tpu.memory_space<vmem>>
      %dma_wait3A_101 = tpu.memref_squeeze %dma_wait3A_100 : memref<1x128xi32, #tpu.memory_space<vmem>> -> memref<128xi32, #tpu.memory_space<vmem>>
      %dma_wait3A_102 = arith.constant 0 : i32
      %dma_wait3A_103 = arith.constant 0 : i32
      %dma_wait3A_104 = tpu.memref_slice %arg10[%dma_wait3A_102, %dma_wait3A_103] : memref<10240x128xf32, #tpu.memory_space<vmem_shared>> -> memref<10240x128xf32, #tpu.memory_space<vmem_shared>>
      tpu.wait_indirect_dma semaphore(%arg13 : memref<!tpu.dma_semaphore, #tpu.memory_space<semaphore_mem>>) src(%dma_wait3A_98 : memref<128x128xf32, #tpu.memory_space<vmem>>) dst(%dma_wait3A_104 : memref<10240x128xf32, #tpu.memory_space<vmem_shared>>)
      %add3A_105 = arith.constant 2 : i32
      %add3A_106 = arith.addi %add3A_72, %add3A_105 : i32
      %lt3A = arith.constant 40 : i32
      %lt3A_107 = arith.cmpi slt, %add3A_106, %lt3A : i32
      %convert_element_type3A_108 = arith.extui %lt3A_107 : i1 to i32
      %cond3A_109 = arith.constant 0 : i32
      %cond3A_110 = arith.cmpi ne, %convert_element_type3A_108, %cond3A_109 : i32
      scf.if %cond3A_110 {
        %dma_start3A_155 = arith.constant 0 : i32
        %dma_start3A_156 = arith.constant 0 : i32
        %dma_start3A_157 = arith.constant 0 : i32
        %dma_start3A_158 = tpu.memref_slice %arg9[%dma_start3A_155, %dma_start3A_156, %dma_start3A_157] : memref<2x128x128xf32, #tpu.memory_space<vmem>> -> memref<1x128x128xf32, #tpu.memory_space<vmem>>
        %dma_start3A_159 = tpu.memref_squeeze %dma_start3A_158 : memref<1x128x128xf32, #tpu.memory_space<vmem>> -> memref<128x128xf32, #tpu.memory_space<vmem>>
        %dma_start3A_160 = arith.constant 0 : i32
        %dma_start3A_161 = tpu.memref_slice %arg7[%add3A_106, %dma_start3A_160] : memref<40x128xi32, #tpu.memory_space<vmem>> -> memref<1x128xi32, #tpu.memory_space<vmem>>
        %dma_start3A_162 = tpu.memref_squeeze %dma_start3A_161 : memref<1x128xi32, #tpu.memory_space<vmem>> -> memref<128xi32, #tpu.memory_space<vmem>>
        %dma_start3A_163 = arith.constant 0 : i32
        %dma_start3A_164 = arith.constant 0 : i32
        %dma_start3A_165 = tpu.memref_slice %arg2[%dma_start3A_163, %dma_start3A_164] : memref<10240x128xf32, #tpu.memory_space<hbm>> -> memref<10240x128xf32, #tpu.memory_space<hbm>>
        tpu.enqueue_indirect_dma source(%dma_start3A_165 : memref<10240x128xf32, #tpu.memory_space<hbm>>) target(%dma_start3A_159 : memref<128x128xf32, #tpu.memory_space<vmem>>) offsets(%dma_start3A_162 : memref<128xi32, #tpu.memory_space<vmem>>) semaphore(%arg11 : memref<!tpu.dma_semaphore, #tpu.memory_space<semaphore_mem>>)
      } else {
      }
      %mul3A_111 = arith.constant 2 : i32
      %mul3A_112 = arith.muli %scan3A_68, %mul3A_111 : i32
      %add3A_113 = arith.constant 1 : i32
      %add3A_114 = arith.addi %mul3A_112, %add3A_113 : i32
      %dma_wait3A_115 = arith.constant 1 : i32
      %dma_wait3A_116 = arith.constant 0 : i32
      %dma_wait3A_117 = arith.constant 0 : i32
      %dma_wait3A_118 = tpu.memref_slice %arg9[%dma_wait3A_115, %dma_wait3A_116, %dma_wait3A_117] : memref<2x128x128xf32, #tpu.memory_space<vmem>> -> memref<1x128x128xf32, #tpu.memory_space<vmem>>
      %dma_wait3A_119 = tpu.memref_squeeze %dma_wait3A_118 : memref<1x128x128xf32, #tpu.memory_space<vmem>> -> memref<128x128xf32, #tpu.memory_space<vmem>>
      %dma_wait3A_120 = arith.constant 0 : i32
      %dma_wait3A_121 = tpu.memref_slice %arg7[%add3A_114, %dma_wait3A_120] : memref<40x128xi32, #tpu.memory_space<vmem>> -> memref<1x128xi32, #tpu.memory_space<vmem>>
      %dma_wait3A_122 = tpu.memref_squeeze %dma_wait3A_121 : memref<1x128xi32, #tpu.memory_space<vmem>> -> memref<128xi32, #tpu.memory_space<vmem>>
      %dma_wait3A_123 = arith.constant 0 : i32
      %dma_wait3A_124 = arith.constant 0 : i32
      %dma_wait3A_125 = tpu.memref_slice %arg2[%dma_wait3A_123, %dma_wait3A_124] : memref<10240x128xf32, #tpu.memory_space<hbm>> -> memref<10240x128xf32, #tpu.memory_space<hbm>>
      tpu.wait_indirect_dma semaphore(%arg12 : memref<!tpu.dma_semaphore, #tpu.memory_space<semaphore_mem>>) src(%dma_wait3A_125 : memref<10240x128xf32, #tpu.memory_space<hbm>>) dst(%dma_wait3A_119 : memref<128x128xf32, #tpu.memory_space<vmem>>)
      %dma_start3A_126 = arith.constant 1 : i32
      %dma_start3A_127 = arith.constant 0 : i32
      %dma_start3A_128 = arith.constant 0 : i32
      %dma_start3A_129 = tpu.memref_slice %arg9[%dma_start3A_126, %dma_start3A_127, %dma_start3A_128] : memref<2x128x128xf32, #tpu.memory_space<vmem>> -> memref<1x128x128xf32, #tpu.memory_space<vmem>>
      %dma_start3A_130 = tpu.memref_squeeze %dma_start3A_129 : memref<1x128x128xf32, #tpu.memory_space<vmem>> -> memref<128x128xf32, #tpu.memory_space<vmem>>
      %dma_start3A_131 = arith.constant 0 : i32
      %dma_start3A_132 = tpu.memref_slice %arg8[%add3A_114, %dma_start3A_131] : memref<40x128xi32, #tpu.memory_space<vmem>> -> memref<1x128xi32, #tpu.memory_space<vmem>>
      %dma_start3A_133 = tpu.memref_squeeze %dma_start3A_132 : memref<1x128xi32, #tpu.memory_space<vmem>> -> memref<128xi32, #tpu.memory_space<vmem>>
      %dma_start3A_134 = arith.constant 0 : i32
      %dma_start3A_135 = arith.constant 0 : i32
      %dma_start3A_136 = tpu.memref_slice %arg10[%dma_start3A_134, %dma_start3A_135] : memref<10240x128xf32, #tpu.memory_space<vmem_shared>> -> memref<10240x128xf32, #tpu.memory_space<vmem_shared>>
      tpu.enqueue_indirect_dma source(%dma_start3A_130 : memref<128x128xf32, #tpu.memory_space<vmem>>) target(%dma_start3A_136 : memref<10240x128xf32, #tpu.memory_space<vmem_shared>>) offsets(%dma_start3A_133 : memref<128xi32, #tpu.memory_space<vmem>>) semaphore(%arg14 : memref<!tpu.dma_semaphore, #tpu.memory_space<semaphore_mem>>) {add = true}
      %dma_wait3A_137 = arith.constant 1 : i32
      %dma_wait3A_138 = arith.constant 0 : i32
      %dma_wait3A_139 = arith.constant 0 : i32
      %dma_wait3A_140 = tpu.memref_slice %arg9[%dma_wait3A_137, %dma_wait3A_138, %dma_wait3A_139] : memref<2x128x128xf32, #tpu.memory_space<vmem>> -> memref<1x128x128xf32, #tpu.memory_space<vmem>>
      %dma_wait3A_141 = tpu.memref_squeeze %dma_wait3A_140 : memref<1x128x128xf32, #tpu.memory_space<vmem>> -> memref<128x128xf32, #tpu.memory_space<vmem>>
      %dma_wait3A_142 = arith.constant 0 : i32
      %dma_wait3A_143 = tpu.memref_slice %arg8[%add3A_114, %dma_wait3A_142] : memref<40x128xi32, #tpu.memory_space<vmem>> -> memref<1x128xi32, #tpu.memory_space<vmem>>
      %dma_wait3A_144 = tpu.memref_squeeze %dma_wait3A_143 : memref<1x128xi32, #tpu.memory_space<vmem>> -> memref<128xi32, #tpu.memory_space<vmem>>
      %dma_wait3A_145 = arith.constant 0 : i32
      %dma_wait3A_146 = arith.constant 0 : i32
      %dma_wait3A_147 = tpu.memref_slice %arg10[%dma_wait3A_145, %dma_wait3A_146] : memref<10240x128xf32, #tpu.memory_space<vmem_shared>> -> memref<10240x128xf32, #tpu.memory_space<vmem_shared>>
      tpu.wait_indirect_dma semaphore(%arg14 : memref<!tpu.dma_semaphore, #tpu.memory_space<semaphore_mem>>) src(%dma_wait3A_141 : memref<128x128xf32, #tpu.memory_space<vmem>>) dst(%dma_wait3A_147 : memref<10240x128xf32, #tpu.memory_space<vmem_shared>>)
      %add3A_148 = arith.constant 2 : i32
      %add3A_149 = arith.addi %add3A_114, %add3A_148 : i32
      %lt3A_150 = arith.constant 40 : i32
      %lt3A_151 = arith.cmpi slt, %add3A_149, %lt3A_150 : i32
      %convert_element_type3A_152 = arith.extui %lt3A_151 : i1 to i32
      %cond3A_153 = arith.constant 0 : i32
      %cond3A_154 = arith.cmpi ne, %convert_element_type3A_152, %cond3A_153 : i32
      scf.if %cond3A_154 {
        %dma_start3A_155 = arith.constant 1 : i32
        %dma_start3A_156 = arith.constant 0 : i32
        %dma_start3A_157 = arith.constant 0 : i32
        %dma_start3A_158 = tpu.memref_slice %arg9[%dma_start3A_155, %dma_start3A_156, %dma_start3A_157] : memref<2x128x128xf32, #tpu.memory_space<vmem>> -> memref<1x128x128xf32, #tpu.memory_space<vmem>>
        %dma_start3A_159 = tpu.memref_squeeze %dma_start3A_158 : memref<1x128x128xf32, #tpu.memory_space<vmem>> -> memref<128x128xf32, #tpu.memory_space<vmem>>
        %dma_start3A_160 = arith.constant 0 : i32
        %dma_start3A_161 = tpu.memref_slice %arg7[%add3A_149, %dma_start3A_160] : memref<40x128xi32, #tpu.memory_space<vmem>> -> memref<1x128xi32, #tpu.memory_space<vmem>>
        %dma_start3A_162 = tpu.memref_squeeze %dma_start3A_161 : memref<1x128xi32, #tpu.memory_space<vmem>> -> memref<128xi32, #tpu.memory_space<vmem>>
        %dma_start3A_163 = arith.constant 0 : i32
        %dma_start3A_164 = arith.constant 0 : i32
        %dma_start3A_165 = tpu.memref_slice %arg2[%dma_start3A_163, %dma_start3A_164] : memref<10240x128xf32, #tpu.memory_space<hbm>> -> memref<10240x128xf32, #tpu.memory_space<hbm>>
        tpu.enqueue_indirect_dma source(%dma_start3A_165 : memref<10240x128xf32, #tpu.memory_space<hbm>>) target(%dma_start3A_159 : memref<128x128xf32, #tpu.memory_space<vmem>>) offsets(%dma_start3A_162 : memref<128xi32, #tpu.memory_space<vmem>>) semaphore(%arg12 : memref<!tpu.dma_semaphore, #tpu.memory_space<semaphore_mem>>)
      } else {
      }
    }
    %scan3A_66 = arith.constant 20 : i32
    %barrier3A_67 = arith.constant 0 : index
    tpu.barrier barrier_id(%barrier3A_67)
    "tpu.region"() ({
      %run_scoped3A = tpu.sem_alloc : memref<!tpu.dma_semaphore, #tpu.memory_space<semaphore_mem>>
      %dma_start3A_68 = arith.constant 0 : i32
      %dma_start3A_69 = tpu.memref_slice %arg6[%arg0, %mul3A_2, %dma_start3A_68] : memref<2x10240x128xf32, #tpu.memory_space<hbm>> -> memref<1x640x128xf32, #tpu.memory_space<hbm>>
      %dma_start3A_70 = tpu.memref_squeeze %dma_start3A_69 : memref<1x640x128xf32, #tpu.memory_space<hbm>> -> memref<640x128xf32, #tpu.memory_space<hbm>>
      %dma_start3A_71 = arith.constant 0 : i32
      %dma_start3A_72 = tpu.memref_slice %arg10[%mul3A_2, %dma_start3A_71] : memref<10240x128xf32, #tpu.memory_space<vmem_shared>> -> memref<640x128xf32, #tpu.memory_space<vmem_shared>>
      tpu.enqueue_dma source(%dma_start3A_72 : memref<640x128xf32, #tpu.memory_space<vmem_shared>>) target(%dma_start3A_70 : memref<640x128xf32, #tpu.memory_space<hbm>>) target_semaphore(%run_scoped3A : memref<!tpu.dma_semaphore, #tpu.memory_space<semaphore_mem>>)
      %dma_wait3A = arith.constant 0 : i32
      %dma_wait3A_73 = tpu.memref_slice %arg6[%arg0, %mul3A_2, %dma_wait3A] : memref<2x10240x128xf32, #tpu.memory_space<hbm>> -> memref<1x640x128xf32, #tpu.memory_space<hbm>>
      %dma_wait3A_74 = tpu.memref_squeeze %dma_wait3A_73 : memref<1x640x128xf32, #tpu.memory_space<hbm>> -> memref<640x128xf32, #tpu.memory_space<hbm>>
      %dma_wait3A_75 = arith.constant 0 : i32
      %dma_wait3A_76 = tpu.memref_slice %arg10[%mul3A_2, %dma_wait3A_75] : memref<10240x128xf32, #tpu.memory_space<vmem_shared>> -> memref<640x128xf32, #tpu.memory_space<vmem_shared>>
      tpu.wait_dma2 semaphore(%run_scoped3A : memref<!tpu.dma_semaphore, #tpu.memory_space<semaphore_mem>>) src(%dma_wait3A_76 : memref<640x128xf32, #tpu.memory_space<vmem_shared>>) dst(%dma_wait3A_74 : memref<640x128xf32, #tpu.memory_space<hbm>>)
      tpu.yield
    }) : () -> ()
    return
  }
}

#map = affine_map<(d0, d1) -> (0, 0)>
#map1 = affine_map<(d0, d1) -> (0, 0, 0)>
module attributes {stable_mosaic.version = 14 : i64} {
  func.func @_edge_sc(%arg0: i32, %arg1: i32, %arg2: memref<10240x128xf32, #tpu.memory_space<hbm>>, %arg3: memref<10240x128xf32, #tpu.memory_space<hbm>>, %arg4: memref<32x80x128xi32, #tpu.memory_space<hbm>>, %arg5: memref<32x80x128xi32, #tpu.memory_space<hbm>>, %arg6: memref<2x10240x128xf32, #tpu.memory_space<hbm>>, %arg7: memref<40x128xi32, #tpu.memory_space<vmem>>, %arg8: memref<40x128xi32, #tpu.memory_space<vmem>>, %arg9: memref<2x128x128xf32, #tpu.memory_space<vmem>>, %arg10: memref<10240x128xf32, #tpu.memory_space<vmem_shared>>, %arg11: memref<!tpu.dma_semaphore, #tpu.memory_space<semaphore_mem>>, %arg12: memref<!tpu.dma_semaphore, #tpu.memory_space<semaphore_mem>>, %arg13: memref<!tpu.dma_semaphore, #tpu.memory_space<semaphore_mem>>, %arg14: memref<!tpu.dma_semaphore, #tpu.memory_space<semaphore_mem>>) attributes {dimension_semantics = [#tpu.dimension_semantics<core_parallel>, #tpu.dimension_semantics<subcore_parallel>], iteration_bounds = array<i64: 2, 16>, scalar_prefetch = 0 : i64, scratch_operands = 8 : i64, tpu.core_type = #tpu.core_type<sc_vector_subcore>, window_params = [{transform_indices = #map}, {transform_indices = #map}, {transform_indices = #map1}, {transform_indices = #map1}, {transform_indices = #map1}]} {
    %mul3A = arith.constant 2 : i32
    %mul3A_0 = arith.muli %arg1, %mul3A : i32
    %add3A = arith.addi %mul3A_0, %arg0 : i32
    %mul3A_1 = arith.constant 640 : i32
    %mul3A_2 = arith.muli %arg1, %mul3A_1 : i32
    %eq3A = arith.constant 0 : i32
    %eq3A_3 = arith.cmpi eq, %arg0, %eq3A : i32
    %convert_element_type3A = arith.extui %eq3A_3 : i1 to i32
    %cond3A = arith.constant 0 : i32
    %cond3A_4 = arith.cmpi ne, %convert_element_type3A, %cond3A : i32
    scf.if %cond3A_4 {
      "tpu.region"() ({
        %run_scoped3A = tpu.sem_alloc : memref<!tpu.dma_semaphore, #tpu.memory_space<semaphore_mem>>
        %dma_start3A_68 = arith.constant 0 : i32
        %dma_start3A_69 = tpu.memref_slice %arg10[%mul3A_2, %dma_start3A_68] : memref<10240x128xf32, #tpu.memory_space<vmem_shared>> -> memref<640x128xf32, #tpu.memory_space<vmem_shared>>
        %dma_start3A_70 = arith.constant 0 : i32
        %dma_start3A_71 = tpu.memref_slice %arg2[%mul3A_2, %dma_start3A_70] : memref<10240x128xf32, #tpu.memory_space<hbm>> -> memref<640x128xf32, #tpu.memory_space<hbm>>
        tpu.enqueue_dma source(%dma_start3A_71 : memref<640x128xf32, #tpu.memory_space<hbm>>) target(%dma_start3A_69 : memref<640x128xf32, #tpu.memory_space<vmem_shared>>) target_semaphore(%run_scoped3A : memref<!tpu.dma_semaphore, #tpu.memory_space<semaphore_mem>>)
        %dma_wait3A = arith.constant 0 : i32
        %dma_wait3A_72 = tpu.memref_slice %arg10[%mul3A_2, %dma_wait3A] : memref<10240x128xf32, #tpu.memory_space<vmem_shared>> -> memref<640x128xf32, #tpu.memory_space<vmem_shared>>
        %dma_wait3A_73 = arith.constant 0 : i32
        %dma_wait3A_74 = tpu.memref_slice %arg2[%mul3A_2, %dma_wait3A_73] : memref<10240x128xf32, #tpu.memory_space<hbm>> -> memref<640x128xf32, #tpu.memory_space<hbm>>
        tpu.wait_dma2 semaphore(%run_scoped3A : memref<!tpu.dma_semaphore, #tpu.memory_space<semaphore_mem>>) src(%dma_wait3A_74 : memref<640x128xf32, #tpu.memory_space<hbm>>) dst(%dma_wait3A_72 : memref<640x128xf32, #tpu.memory_space<vmem_shared>>)
        tpu.yield
      }) : () -> ()
    } else {
    }
    %ne3A = arith.constant 0 : i32
    %ne3A_5 = arith.cmpi ne, %arg0, %ne3A : i32
    %convert_element_type3A_6 = arith.extui %ne3A_5 : i1 to i32
    %cond3A_7 = arith.constant 0 : i32
    %cond3A_8 = arith.cmpi ne, %convert_element_type3A_6, %cond3A_7 : i32
    scf.if %cond3A_8 {
      "tpu.region"() ({
        %run_scoped3A = tpu.sem_alloc : memref<!tpu.dma_semaphore, #tpu.memory_space<semaphore_mem>>
        %dma_start3A_68 = arith.constant 0 : i32
        %dma_start3A_69 = tpu.memref_slice %arg10[%mul3A_2, %dma_start3A_68] : memref<10240x128xf32, #tpu.memory_space<vmem_shared>> -> memref<640x128xf32, #tpu.memory_space<vmem_shared>>
        %dma_start3A_70 = arith.constant 0 : i32
        %dma_start3A_71 = tpu.memref_slice %arg3[%mul3A_2, %dma_start3A_70] : memref<10240x128xf32, #tpu.memory_space<hbm>> -> memref<640x128xf32, #tpu.memory_space<hbm>>
        tpu.enqueue_dma source(%dma_start3A_71 : memref<640x128xf32, #tpu.memory_space<hbm>>) target(%dma_start3A_69 : memref<640x128xf32, #tpu.memory_space<vmem_shared>>) target_semaphore(%run_scoped3A : memref<!tpu.dma_semaphore, #tpu.memory_space<semaphore_mem>>)
        %dma_wait3A = arith.constant 0 : i32
        %dma_wait3A_72 = tpu.memref_slice %arg10[%mul3A_2, %dma_wait3A] : memref<10240x128xf32, #tpu.memory_space<vmem_shared>> -> memref<640x128xf32, #tpu.memory_space<vmem_shared>>
        %dma_wait3A_73 = arith.constant 0 : i32
        %dma_wait3A_74 = tpu.memref_slice %arg3[%mul3A_2, %dma_wait3A_73] : memref<10240x128xf32, #tpu.memory_space<hbm>> -> memref<640x128xf32, #tpu.memory_space<hbm>>
        tpu.wait_dma2 semaphore(%run_scoped3A : memref<!tpu.dma_semaphore, #tpu.memory_space<semaphore_mem>>) src(%dma_wait3A_74 : memref<640x128xf32, #tpu.memory_space<hbm>>) dst(%dma_wait3A_72 : memref<640x128xf32, #tpu.memory_space<vmem_shared>>)
        tpu.yield
      }) : () -> ()
    } else {
    }
    %barrier3A = arith.constant 0 : index
    tpu.barrier barrier_id(%barrier3A)
    "tpu.region"() ({
      %run_scoped3A = tpu.sem_alloc : memref<!tpu.dma_semaphore, #tpu.memory_space<semaphore_mem>>
      %dma_start3A_68 = arith.constant 0 : i32
      %dma_start3A_69 = arith.constant 0 : i32
      %dma_start3A_70 = tpu.memref_slice %arg4[%add3A, %dma_start3A_68, %dma_start3A_69] : memref<32x80x128xi32, #tpu.memory_space<hbm>> -> memref<1x40x128xi32, #tpu.memory_space<hbm>>
      %dma_start3A_71 = tpu.memref_squeeze %dma_start3A_70 : memref<1x40x128xi32, #tpu.memory_space<hbm>> -> memref<40x128xi32, #tpu.memory_space<hbm>>
      %dma_start3A_72 = arith.constant 0 : i32
      %dma_start3A_73 = arith.constant 0 : i32
      %dma_start3A_74 = tpu.memref_slice %arg4[%add3A, %dma_start3A_72, %dma_start3A_73] : memref<32x80x128xi32, #tpu.memory_space<hbm>> -> memref<1x40x128xi32, #tpu.memory_space<hbm>>
      %dma_start3A_75 = tpu.memref_squeeze %dma_start3A_74 : memref<1x40x128xi32, #tpu.memory_space<hbm>> -> memref<40x128xi32, #tpu.memory_space<hbm>>
      tpu.enqueue_dma source(%dma_start3A_75 : memref<40x128xi32, #tpu.memory_space<hbm>>) target(%arg7 : memref<40x128xi32, #tpu.memory_space<vmem>>) target_semaphore(%run_scoped3A : memref<!tpu.dma_semaphore, #tpu.memory_space<semaphore_mem>>)
      %dma_wait3A = arith.constant 0 : i32
      %dma_wait3A_76 = arith.constant 0 : i32
      %dma_wait3A_77 = tpu.memref_slice %arg4[%add3A, %dma_wait3A, %dma_wait3A_76] : memref<32x80x128xi32, #tpu.memory_space<hbm>> -> memref<1x40x128xi32, #tpu.memory_space<hbm>>
      %dma_wait3A_78 = tpu.memref_squeeze %dma_wait3A_77 : memref<1x40x128xi32, #tpu.memory_space<hbm>> -> memref<40x128xi32, #tpu.memory_space<hbm>>
      %dma_wait3A_79 = arith.constant 0 : i32
      %dma_wait3A_80 = arith.constant 0 : i32
      %dma_wait3A_81 = tpu.memref_slice %arg4[%add3A, %dma_wait3A_79, %dma_wait3A_80] : memref<32x80x128xi32, #tpu.memory_space<hbm>> -> memref<1x40x128xi32, #tpu.memory_space<hbm>>
      %dma_wait3A_82 = tpu.memref_squeeze %dma_wait3A_81 : memref<1x40x128xi32, #tpu.memory_space<hbm>> -> memref<40x128xi32, #tpu.memory_space<hbm>>
      tpu.wait_dma2 semaphore(%run_scoped3A : memref<!tpu.dma_semaphore, #tpu.memory_space<semaphore_mem>>) src(%dma_wait3A_82 : memref<40x128xi32, #tpu.memory_space<hbm>>) dst(%arg7 : memref<40x128xi32, #tpu.memory_space<vmem>>)
      tpu.yield
    }) : () -> ()
    "tpu.region"() ({
      %run_scoped3A = tpu.sem_alloc : memref<!tpu.dma_semaphore, #tpu.memory_space<semaphore_mem>>
      %dma_start3A_68 = arith.constant 0 : i32
      %dma_start3A_69 = arith.constant 0 : i32
      %dma_start3A_70 = tpu.memref_slice %arg5[%add3A, %dma_start3A_68, %dma_start3A_69] : memref<32x80x128xi32, #tpu.memory_space<hbm>> -> memref<1x40x128xi32, #tpu.memory_space<hbm>>
      %dma_start3A_71 = tpu.memref_squeeze %dma_start3A_70 : memref<1x40x128xi32, #tpu.memory_space<hbm>> -> memref<40x128xi32, #tpu.memory_space<hbm>>
      %dma_start3A_72 = arith.constant 0 : i32
      %dma_start3A_73 = arith.constant 0 : i32
      %dma_start3A_74 = tpu.memref_slice %arg5[%add3A, %dma_start3A_72, %dma_start3A_73] : memref<32x80x128xi32, #tpu.memory_space<hbm>> -> memref<1x40x128xi32, #tpu.memory_space<hbm>>
      %dma_start3A_75 = tpu.memref_squeeze %dma_start3A_74 : memref<1x40x128xi32, #tpu.memory_space<hbm>> -> memref<40x128xi32, #tpu.memory_space<hbm>>
      tpu.enqueue_dma source(%dma_start3A_75 : memref<40x128xi32, #tpu.memory_space<hbm>>) target(%arg8 : memref<40x128xi32, #tpu.memory_space<vmem>>) target_semaphore(%run_scoped3A : memref<!tpu.dma_semaphore, #tpu.memory_space<semaphore_mem>>)
      %dma_wait3A = arith.constant 0 : i32
      %dma_wait3A_76 = arith.constant 0 : i32
      %dma_wait3A_77 = tpu.memref_slice %arg5[%add3A, %dma_wait3A, %dma_wait3A_76] : memref<32x80x128xi32, #tpu.memory_space<hbm>> -> memref<1x40x128xi32, #tpu.memory_space<hbm>>
      %dma_wait3A_78 = tpu.memref_squeeze %dma_wait3A_77 : memref<1x40x128xi32, #tpu.memory_space<hbm>> -> memref<40x128xi32, #tpu.memory_space<hbm>>
      %dma_wait3A_79 = arith.constant 0 : i32
      %dma_wait3A_80 = arith.constant 0 : i32
      %dma_wait3A_81 = tpu.memref_slice %arg5[%add3A, %dma_wait3A_79, %dma_wait3A_80] : memref<32x80x128xi32, #tpu.memory_space<hbm>> -> memref<1x40x128xi32, #tpu.memory_space<hbm>>
      %dma_wait3A_82 = tpu.memref_squeeze %dma_wait3A_81 : memref<1x40x128xi32, #tpu.memory_space<hbm>> -> memref<40x128xi32, #tpu.memory_space<hbm>>
      tpu.wait_dma2 semaphore(%run_scoped3A : memref<!tpu.dma_semaphore, #tpu.memory_space<semaphore_mem>>) src(%dma_wait3A_82 : memref<40x128xi32, #tpu.memory_space<hbm>>) dst(%arg8 : memref<40x128xi32, #tpu.memory_space<vmem>>)
      tpu.yield
    }) : () -> ()
    %dma_start3A = arith.constant 0 : i32
    %dma_start3A_9 = arith.constant 0 : i32
    %dma_start3A_10 = arith.constant 0 : i32
    %dma_start3A_11 = arith.constant 0 : i32
    %dma_start3A_12 = tpu.memref_slice %arg9[%dma_start3A_9, %dma_start3A_10, %dma_start3A_11] : memref<2x128x128xf32, #tpu.memory_space<vmem>> -> memref<1x128x128xf32, #tpu.memory_space<vmem>>
    %dma_start3A_13 = tpu.memref_squeeze %dma_start3A_12 : memref<1x128x128xf32, #tpu.memory_space<vmem>> -> memref<128x128xf32, #tpu.memory_space<vmem>>
    %dma_start3A_14 = arith.constant 0 : i32
    %dma_start3A_15 = tpu.memref_slice %arg7[%dma_start3A, %dma_start3A_14] : memref<40x128xi32, #tpu.memory_space<vmem>> -> memref<1x128xi32, #tpu.memory_space<vmem>>
    %dma_start3A_16 = tpu.memref_squeeze %dma_start3A_15 : memref<1x128xi32, #tpu.memory_space<vmem>> -> memref<128xi32, #tpu.memory_space<vmem>>
    %dma_start3A_17 = arith.constant 0 : i32
    %dma_start3A_18 = arith.constant 0 : i32
    %dma_start3A_19 = tpu.memref_slice %arg2[%dma_start3A_17, %dma_start3A_18] : memref<10240x128xf32, #tpu.memory_space<hbm>> -> memref<10240x128xf32, #tpu.memory_space<hbm>>
    tpu.enqueue_indirect_dma source(%dma_start3A_19 : memref<10240x128xf32, #tpu.memory_space<hbm>>) target(%dma_start3A_13 : memref<128x128xf32, #tpu.memory_space<vmem>>) offsets(%dma_start3A_16 : memref<128xi32, #tpu.memory_space<vmem>>) semaphore(%arg11 : memref<!tpu.dma_semaphore, #tpu.memory_space<semaphore_mem>>)
    %dma_start3A_20 = arith.constant 1 : i32
    %dma_start3A_21 = arith.constant 1 : i32
    %dma_start3A_22 = arith.constant 0 : i32
    %dma_start3A_23 = arith.constant 0 : i32
    %dma_start3A_24 = tpu.memref_slice %arg9[%dma_start3A_21, %dma_start3A_22, %dma_start3A_23] : memref<2x128x128xf32, #tpu.memory_space<vmem>> -> memref<1x128x128xf32, #tpu.memory_space<vmem>>
    %dma_start3A_25 = tpu.memref_squeeze %dma_start3A_24 : memref<1x128x128xf32, #tpu.memory_space<vmem>> -> memref<128x128xf32, #tpu.memory_space<vmem>>
    %dma_start3A_26 = arith.constant 0 : i32
    %dma_start3A_27 = tpu.memref_slice %arg7[%dma_start3A_20, %dma_start3A_26] : memref<40x128xi32, #tpu.memory_space<vmem>> -> memref<1x128xi32, #tpu.memory_space<vmem>>
    %dma_start3A_28 = tpu.memref_squeeze %dma_start3A_27 : memref<1x128xi32, #tpu.memory_space<vmem>> -> memref<128xi32, #tpu.memory_space<vmem>>
    %dma_start3A_29 = arith.constant 0 : i32
    %dma_start3A_30 = arith.constant 0 : i32
    %dma_start3A_31 = tpu.memref_slice %arg2[%dma_start3A_29, %dma_start3A_30] : memref<10240x128xf32, #tpu.memory_space<hbm>> -> memref<10240x128xf32, #tpu.memory_space<hbm>>
    tpu.enqueue_indirect_dma source(%dma_start3A_31 : memref<10240x128xf32, #tpu.memory_space<hbm>>) target(%dma_start3A_25 : memref<128x128xf32, #tpu.memory_space<vmem>>) offsets(%dma_start3A_28 : memref<128xi32, #tpu.memory_space<vmem>>) semaphore(%arg12 : memref<!tpu.dma_semaphore, #tpu.memory_space<semaphore_mem>>)
    %scan3A = arith.constant 0 : i32
    %scan3A_32 = arith.constant 0 : i32
    %scan3A_33 = arith.constant 20 : i32
    %scan3A_34 = arith.addi %scan3A_32, %scan3A_33 : i32
    %scan3A_35 = arith.constant 1 : i32
    scf.for %scan3A_68 = %scan3A_32 to %scan3A_34 step %scan3A_35  : i32 {
      %mul3A_69 = arith.constant 2 : i32
      %mul3A_70 = arith.muli %scan3A_68, %mul3A_69 : i32
      %add3A_71 = arith.constant 0 : i32
      %add3A_72 = arith.addi %mul3A_70, %add3A_71 : i32
      %dma_wait3A = arith.constant 0 : i32
      %dma_wait3A_73 = arith.constant 0 : i32
      %dma_wait3A_74 = arith.constant 0 : i32
      %dma_wait3A_75 = tpu.memref_slice %arg9[%dma_wait3A, %dma_wait3A_73, %dma_wait3A_74] : memref<2x128x128xf32, #tpu.memory_space<vmem>> -> memref<1x128x128xf32, #tpu.memory_space<vmem>>
      %dma_wait3A_76 = tpu.memref_squeeze %dma_wait3A_75 : memref<1x128x128xf32, #tpu.memory_space<vmem>> -> memref<128x128xf32, #tpu.memory_space<vmem>>
      %dma_wait3A_77 = arith.constant 0 : i32
      %dma_wait3A_78 = tpu.memref_slice %arg7[%add3A_72, %dma_wait3A_77] : memref<40x128xi32, #tpu.memory_space<vmem>> -> memref<1x128xi32, #tpu.memory_space<vmem>>
      %dma_wait3A_79 = tpu.memref_squeeze %dma_wait3A_78 : memref<1x128xi32, #tpu.memory_space<vmem>> -> memref<128xi32, #tpu.memory_space<vmem>>
      %dma_wait3A_80 = arith.constant 0 : i32
      %dma_wait3A_81 = arith.constant 0 : i32
      %dma_wait3A_82 = tpu.memref_slice %arg2[%dma_wait3A_80, %dma_wait3A_81] : memref<10240x128xf32, #tpu.memory_space<hbm>> -> memref<10240x128xf32, #tpu.memory_space<hbm>>
      tpu.wait_indirect_dma semaphore(%arg11 : memref<!tpu.dma_semaphore, #tpu.memory_space<semaphore_mem>>) src(%dma_wait3A_82 : memref<10240x128xf32, #tpu.memory_space<hbm>>) dst(%dma_wait3A_76 : memref<128x128xf32, #tpu.memory_space<vmem>>)
      %dma_start3A_83 = arith.constant 0 : i32
      %dma_start3A_84 = arith.constant 0 : i32
      %dma_start3A_85 = arith.constant 0 : i32
      %dma_start3A_86 = tpu.memref_slice %arg9[%dma_start3A_83, %dma_start3A_84, %dma_start3A_85] : memref<2x128x128xf32, #tpu.memory_space<vmem>> -> memref<1x128x128xf32, #tpu.memory_space<vmem>>
      %dma_start3A_87 = tpu.memref_squeeze %dma_start3A_86 : memref<1x128x128xf32, #tpu.memory_space<vmem>> -> memref<128x128xf32, #tpu.memory_space<vmem>>
      %dma_start3A_88 = arith.constant 0 : i32
      %dma_start3A_89 = tpu.memref_slice %arg8[%add3A_72, %dma_start3A_88] : memref<40x128xi32, #tpu.memory_space<vmem>> -> memref<1x128xi32, #tpu.memory_space<vmem>>
      %dma_start3A_90 = tpu.memref_squeeze %dma_start3A_89 : memref<1x128xi32, #tpu.memory_space<vmem>> -> memref<128xi32, #tpu.memory_space<vmem>>
      %dma_start3A_91 = arith.constant 0 : i32
      %dma_start3A_92 = arith.constant 0 : i32
      %dma_start3A_93 = tpu.memref_slice %arg10[%dma_start3A_91, %dma_start3A_92] : memref<10240x128xf32, #tpu.memory_space<vmem_shared>> -> memref<10240x128xf32, #tpu.memory_space<vmem_shared>>
      tpu.enqueue_indirect_dma source(%dma_start3A_87 : memref<128x128xf32, #tpu.memory_space<vmem>>) target(%dma_start3A_93 : memref<10240x128xf32, #tpu.memory_space<vmem_shared>>) offsets(%dma_start3A_90 : memref<128xi32, #tpu.memory_space<vmem>>) semaphore(%arg13 : memref<!tpu.dma_semaphore, #tpu.memory_space<semaphore_mem>>) {add = true}
      %dma_wait3A_94 = arith.constant 0 : i32
      %dma_wait3A_95 = arith.constant 0 : i32
      %dma_wait3A_96 = arith.constant 0 : i32
      %dma_wait3A_97 = tpu.memref_slice %arg9[%dma_wait3A_94, %dma_wait3A_95, %dma_wait3A_96] : memref<2x128x128xf32, #tpu.memory_space<vmem>> -> memref<1x128x128xf32, #tpu.memory_space<vmem>>
      %dma_wait3A_98 = tpu.memref_squeeze %dma_wait3A_97 : memref<1x128x128xf32, #tpu.memory_space<vmem>> -> memref<128x128xf32, #tpu.memory_space<vmem>>
      %dma_wait3A_99 = arith.constant 0 : i32
      %dma_wait3A_100 = tpu.memref_slice %arg8[%add3A_72, %dma_wait3A_99] : memref<40x128xi32, #tpu.memory_space<vmem>> -> memref<1x128xi32, #tpu.memory_space<vmem>>
      %dma_wait3A_101 = tpu.memref_squeeze %dma_wait3A_100 : memref<1x128xi32, #tpu.memory_space<vmem>> -> memref<128xi32, #tpu.memory_space<vmem>>
      %dma_wait3A_102 = arith.constant 0 : i32
      %dma_wait3A_103 = arith.constant 0 : i32
      %dma_wait3A_104 = tpu.memref_slice %arg10[%dma_wait3A_102, %dma_wait3A_103] : memref<10240x128xf32, #tpu.memory_space<vmem_shared>> -> memref<10240x128xf32, #tpu.memory_space<vmem_shared>>
      tpu.wait_indirect_dma semaphore(%arg13 : memref<!tpu.dma_semaphore, #tpu.memory_space<semaphore_mem>>) src(%dma_wait3A_98 : memref<128x128xf32, #tpu.memory_space<vmem>>) dst(%dma_wait3A_104 : memref<10240x128xf32, #tpu.memory_space<vmem_shared>>)
      %add3A_105 = arith.constant 2 : i32
      %add3A_106 = arith.addi %add3A_72, %add3A_105 : i32
      %lt3A = arith.constant 40 : i32
      %lt3A_107 = arith.cmpi slt, %add3A_106, %lt3A : i32
      %convert_element_type3A_108 = arith.extui %lt3A_107 : i1 to i32
      %cond3A_109 = arith.constant 0 : i32
      %cond3A_110 = arith.cmpi ne, %convert_element_type3A_108, %cond3A_109 : i32
      scf.if %cond3A_110 {
        %dma_start3A_155 = arith.constant 0 : i32
        %dma_start3A_156 = arith.constant 0 : i32
        %dma_start3A_157 = arith.constant 0 : i32
        %dma_start3A_158 = tpu.memref_slice %arg9[%dma_start3A_155, %dma_start3A_156, %dma_start3A_157] : memref<2x128x128xf32, #tpu.memory_space<vmem>> -> memref<1x128x128xf32, #tpu.memory_space<vmem>>
        %dma_start3A_159 = tpu.memref_squeeze %dma_start3A_158 : memref<1x128x128xf32, #tpu.memory_space<vmem>> -> memref<128x128xf32, #tpu.memory_space<vmem>>
        %dma_start3A_160 = arith.constant 0 : i32
        %dma_start3A_161 = tpu.memref_slice %arg7[%add3A_106, %dma_start3A_160] : memref<40x128xi32, #tpu.memory_space<vmem>> -> memref<1x128xi32, #tpu.memory_space<vmem>>
        %dma_start3A_162 = tpu.memref_squeeze %dma_start3A_161 : memref<1x128xi32, #tpu.memory_space<vmem>> -> memref<128xi32, #tpu.memory_space<vmem>>
        %dma_start3A_163 = arith.constant 0 : i32
        %dma_start3A_164 = arith.constant 0 : i32
        %dma_start3A_165 = tpu.memref_slice %arg2[%dma_start3A_163, %dma_start3A_164] : memref<10240x128xf32, #tpu.memory_space<hbm>> -> memref<10240x128xf32, #tpu.memory_space<hbm>>
        tpu.enqueue_indirect_dma source(%dma_start3A_165 : memref<10240x128xf32, #tpu.memory_space<hbm>>) target(%dma_start3A_159 : memref<128x128xf32, #tpu.memory_space<vmem>>) offsets(%dma_start3A_162 : memref<128xi32, #tpu.memory_space<vmem>>) semaphore(%arg11 : memref<!tpu.dma_semaphore, #tpu.memory_space<semaphore_mem>>)
      } else {
      }
      %mul3A_111 = arith.constant 2 : i32
      %mul3A_112 = arith.muli %scan3A_68, %mul3A_111 : i32
      %add3A_113 = arith.constant 1 : i32
      %add3A_114 = arith.addi %mul3A_112, %add3A_113 : i32
      %dma_wait3A_115 = arith.constant 1 : i32
      %dma_wait3A_116 = arith.constant 0 : i32
      %dma_wait3A_117 = arith.constant 0 : i32
      %dma_wait3A_118 = tpu.memref_slice %arg9[%dma_wait3A_115, %dma_wait3A_116, %dma_wait3A_117] : memref<2x128x128xf32, #tpu.memory_space<vmem>> -> memref<1x128x128xf32, #tpu.memory_space<vmem>>
      %dma_wait3A_119 = tpu.memref_squeeze %dma_wait3A_118 : memref<1x128x128xf32, #tpu.memory_space<vmem>> -> memref<128x128xf32, #tpu.memory_space<vmem>>
      %dma_wait3A_120 = arith.constant 0 : i32
      %dma_wait3A_121 = tpu.memref_slice %arg7[%add3A_114, %dma_wait3A_120] : memref<40x128xi32, #tpu.memory_space<vmem>> -> memref<1x128xi32, #tpu.memory_space<vmem>>
      %dma_wait3A_122 = tpu.memref_squeeze %dma_wait3A_121 : memref<1x128xi32, #tpu.memory_space<vmem>> -> memref<128xi32, #tpu.memory_space<vmem>>
      %dma_wait3A_123 = arith.constant 0 : i32
      %dma_wait3A_124 = arith.constant 0 : i32
      %dma_wait3A_125 = tpu.memref_slice %arg2[%dma_wait3A_123, %dma_wait3A_124] : memref<10240x128xf32, #tpu.memory_space<hbm>> -> memref<10240x128xf32, #tpu.memory_space<hbm>>
      tpu.wait_indirect_dma semaphore(%arg12 : memref<!tpu.dma_semaphore, #tpu.memory_space<semaphore_mem>>) src(%dma_wait3A_125 : memref<10240x128xf32, #tpu.memory_space<hbm>>) dst(%dma_wait3A_119 : memref<128x128xf32, #tpu.memory_space<vmem>>)
      %dma_start3A_126 = arith.constant 1 : i32
      %dma_start3A_127 = arith.constant 0 : i32
      %dma_start3A_128 = arith.constant 0 : i32
      %dma_start3A_129 = tpu.memref_slice %arg9[%dma_start3A_126, %dma_start3A_127, %dma_start3A_128] : memref<2x128x128xf32, #tpu.memory_space<vmem>> -> memref<1x128x128xf32, #tpu.memory_space<vmem>>
      %dma_start3A_130 = tpu.memref_squeeze %dma_start3A_129 : memref<1x128x128xf32, #tpu.memory_space<vmem>> -> memref<128x128xf32, #tpu.memory_space<vmem>>
      %dma_start3A_131 = arith.constant 0 : i32
      %dma_start3A_132 = tpu.memref_slice %arg8[%add3A_114, %dma_start3A_131] : memref<40x128xi32, #tpu.memory_space<vmem>> -> memref<1x128xi32, #tpu.memory_space<vmem>>
      %dma_start3A_133 = tpu.memref_squeeze %dma_start3A_132 : memref<1x128xi32, #tpu.memory_space<vmem>> -> memref<128xi32, #tpu.memory_space<vmem>>
      %dma_start3A_134 = arith.constant 0 : i32
      %dma_start3A_135 = arith.constant 0 : i32
      %dma_start3A_136 = tpu.memref_slice %arg10[%dma_start3A_134, %dma_start3A_135] : memref<10240x128xf32, #tpu.memory_space<vmem_shared>> -> memref<10240x128xf32, #tpu.memory_space<vmem_shared>>
      tpu.enqueue_indirect_dma source(%dma_start3A_130 : memref<128x128xf32, #tpu.memory_space<vmem>>) target(%dma_start3A_136 : memref<10240x128xf32, #tpu.memory_space<vmem_shared>>) offsets(%dma_start3A_133 : memref<128xi32, #tpu.memory_space<vmem>>) semaphore(%arg14 : memref<!tpu.dma_semaphore, #tpu.memory_space<semaphore_mem>>) {add = true}
      %dma_wait3A_137 = arith.constant 1 : i32
      %dma_wait3A_138 = arith.constant 0 : i32
      %dma_wait3A_139 = arith.constant 0 : i32
      %dma_wait3A_140 = tpu.memref_slice %arg9[%dma_wait3A_137, %dma_wait3A_138, %dma_wait3A_139] : memref<2x128x128xf32, #tpu.memory_space<vmem>> -> memref<1x128x128xf32, #tpu.memory_space<vmem>>
      %dma_wait3A_141 = tpu.memref_squeeze %dma_wait3A_140 : memref<1x128x128xf32, #tpu.memory_space<vmem>> -> memref<128x128xf32, #tpu.memory_space<vmem>>
      %dma_wait3A_142 = arith.constant 0 : i32
      %dma_wait3A_143 = tpu.memref_slice %arg8[%add3A_114, %dma_wait3A_142] : memref<40x128xi32, #tpu.memory_space<vmem>> -> memref<1x128xi32, #tpu.memory_space<vmem>>
      %dma_wait3A_144 = tpu.memref_squeeze %dma_wait3A_143 : memref<1x128xi32, #tpu.memory_space<vmem>> -> memref<128xi32, #tpu.memory_space<vmem>>
      %dma_wait3A_145 = arith.constant 0 : i32
      %dma_wait3A_146 = arith.constant 0 : i32
      %dma_wait3A_147 = tpu.memref_slice %arg10[%dma_wait3A_145, %dma_wait3A_146] : memref<10240x128xf32, #tpu.memory_space<vmem_shared>> -> memref<10240x128xf32, #tpu.memory_space<vmem_shared>>
      tpu.wait_indirect_dma semaphore(%arg14 : memref<!tpu.dma_semaphore, #tpu.memory_space<semaphore_mem>>) src(%dma_wait3A_141 : memref<128x128xf32, #tpu.memory_space<vmem>>) dst(%dma_wait3A_147 : memref<10240x128xf32, #tpu.memory_space<vmem_shared>>)
      %add3A_148 = arith.constant 2 : i32
      %add3A_149 = arith.addi %add3A_114, %add3A_148 : i32
      %lt3A_150 = arith.constant 40 : i32
      %lt3A_151 = arith.cmpi slt, %add3A_149, %lt3A_150 : i32
      %convert_element_type3A_152 = arith.extui %lt3A_151 : i1 to i32
      %cond3A_153 = arith.constant 0 : i32
      %cond3A_154 = arith.cmpi ne, %convert_element_type3A_152, %cond3A_153 : i32
      scf.if %cond3A_154 {
        %dma_start3A_155 = arith.constant 1 : i32
        %dma_start3A_156 = arith.constant 0 : i32
        %dma_start3A_157 = arith.constant 0 : i32
        %dma_start3A_158 = tpu.memref_slice %arg9[%dma_start3A_155, %dma_start3A_156, %dma_start3A_157] : memref<2x128x128xf32, #tpu.memory_space<vmem>> -> memref<1x128x128xf32, #tpu.memory_space<vmem>>
        %dma_start3A_159 = tpu.memref_squeeze %dma_start3A_158 : memref<1x128x128xf32, #tpu.memory_space<vmem>> -> memref<128x128xf32, #tpu.memory_space<vmem>>
        %dma_start3A_160 = arith.constant 0 : i32
        %dma_start3A_161 = tpu.memref_slice %arg7[%add3A_149, %dma_start3A_160] : memref<40x128xi32, #tpu.memory_space<vmem>> -> memref<1x128xi32, #tpu.memory_space<vmem>>
        %dma_start3A_162 = tpu.memref_squeeze %dma_start3A_161 : memref<1x128xi32, #tpu.memory_space<vmem>> -> memref<128xi32, #tpu.memory_space<vmem>>
        %dma_start3A_163 = arith.constant 0 : i32
        %dma_start3A_164 = arith.constant 0 : i32
        %dma_start3A_165 = tpu.memref_slice %arg2[%dma_start3A_163, %dma_start3A_164] : memref<10240x128xf32, #tpu.memory_space<hbm>> -> memref<10240x128xf32, #tpu.memory_space<hbm>>
        tpu.enqueue_indirect_dma source(%dma_start3A_165 : memref<10240x128xf32, #tpu.memory_space<hbm>>) target(%dma_start3A_159 : memref<128x128xf32, #tpu.memory_space<vmem>>) offsets(%dma_start3A_162 : memref<128xi32, #tpu.memory_space<vmem>>) semaphore(%arg12 : memref<!tpu.dma_semaphore, #tpu.memory_space<semaphore_mem>>)
      } else {
      }
    }
    %scan3A_36 = arith.constant 20 : i32
    "tpu.region"() ({
      %run_scoped3A = tpu.sem_alloc : memref<!tpu.dma_semaphore, #tpu.memory_space<semaphore_mem>>
      %dma_start3A_68 = arith.constant 40 : i32
      %dma_start3A_69 = arith.constant 0 : i32
      %dma_start3A_70 = tpu.memref_slice %arg4[%add3A, %dma_start3A_68, %dma_start3A_69] : memref<32x80x128xi32, #tpu.memory_space<hbm>> -> memref<1x40x128xi32, #tpu.memory_space<hbm>>
      %dma_start3A_71 = tpu.memref_squeeze %dma_start3A_70 : memref<1x40x128xi32, #tpu.memory_space<hbm>> -> memref<40x128xi32, #tpu.memory_space<hbm>>
      %dma_start3A_72 = arith.constant 40 : i32
      %dma_start3A_73 = arith.constant 0 : i32
      %dma_start3A_74 = tpu.memref_slice %arg4[%add3A, %dma_start3A_72, %dma_start3A_73] : memref<32x80x128xi32, #tpu.memory_space<hbm>> -> memref<1x40x128xi32, #tpu.memory_space<hbm>>
      %dma_start3A_75 = tpu.memref_squeeze %dma_start3A_74 : memref<1x40x128xi32, #tpu.memory_space<hbm>> -> memref<40x128xi32, #tpu.memory_space<hbm>>
      tpu.enqueue_dma source(%dma_start3A_75 : memref<40x128xi32, #tpu.memory_space<hbm>>) target(%arg7 : memref<40x128xi32, #tpu.memory_space<vmem>>) target_semaphore(%run_scoped3A : memref<!tpu.dma_semaphore, #tpu.memory_space<semaphore_mem>>)
      %dma_wait3A = arith.constant 40 : i32
      %dma_wait3A_76 = arith.constant 0 : i32
      %dma_wait3A_77 = tpu.memref_slice %arg4[%add3A, %dma_wait3A, %dma_wait3A_76] : memref<32x80x128xi32, #tpu.memory_space<hbm>> -> memref<1x40x128xi32, #tpu.memory_space<hbm>>
      %dma_wait3A_78 = tpu.memref_squeeze %dma_wait3A_77 : memref<1x40x128xi32, #tpu.memory_space<hbm>> -> memref<40x128xi32, #tpu.memory_space<hbm>>
      %dma_wait3A_79 = arith.constant 40 : i32
      %dma_wait3A_80 = arith.constant 0 : i32
      %dma_wait3A_81 = tpu.memref_slice %arg4[%add3A, %dma_wait3A_79, %dma_wait3A_80] : memref<32x80x128xi32, #tpu.memory_space<hbm>> -> memref<1x40x128xi32, #tpu.memory_space<hbm>>
      %dma_wait3A_82 = tpu.memref_squeeze %dma_wait3A_81 : memref<1x40x128xi32, #tpu.memory_space<hbm>> -> memref<40x128xi32, #tpu.memory_space<hbm>>
      tpu.wait_dma2 semaphore(%run_scoped3A : memref<!tpu.dma_semaphore, #tpu.memory_space<semaphore_mem>>) src(%dma_wait3A_82 : memref<40x128xi32, #tpu.memory_space<hbm>>) dst(%arg7 : memref<40x128xi32, #tpu.memory_space<vmem>>)
      tpu.yield
    }) : () -> ()
    "tpu.region"() ({
      %run_scoped3A = tpu.sem_alloc : memref<!tpu.dma_semaphore, #tpu.memory_space<semaphore_mem>>
      %dma_start3A_68 = arith.constant 40 : i32
      %dma_start3A_69 = arith.constant 0 : i32
      %dma_start3A_70 = tpu.memref_slice %arg5[%add3A, %dma_start3A_68, %dma_start3A_69] : memref<32x80x128xi32, #tpu.memory_space<hbm>> -> memref<1x40x128xi32, #tpu.memory_space<hbm>>
      %dma_start3A_71 = tpu.memref_squeeze %dma_start3A_70 : memref<1x40x128xi32, #tpu.memory_space<hbm>> -> memref<40x128xi32, #tpu.memory_space<hbm>>
      %dma_start3A_72 = arith.constant 40 : i32
      %dma_start3A_73 = arith.constant 0 : i32
      %dma_start3A_74 = tpu.memref_slice %arg5[%add3A, %dma_start3A_72, %dma_start3A_73] : memref<32x80x128xi32, #tpu.memory_space<hbm>> -> memref<1x40x128xi32, #tpu.memory_space<hbm>>
      %dma_start3A_75 = tpu.memref_squeeze %dma_start3A_74 : memref<1x40x128xi32, #tpu.memory_space<hbm>> -> memref<40x128xi32, #tpu.memory_space<hbm>>
      tpu.enqueue_dma source(%dma_start3A_75 : memref<40x128xi32, #tpu.memory_space<hbm>>) target(%arg8 : memref<40x128xi32, #tpu.memory_space<vmem>>) target_semaphore(%run_scoped3A : memref<!tpu.dma_semaphore, #tpu.memory_space<semaphore_mem>>)
      %dma_wait3A = arith.constant 40 : i32
      %dma_wait3A_76 = arith.constant 0 : i32
      %dma_wait3A_77 = tpu.memref_slice %arg5[%add3A, %dma_wait3A, %dma_wait3A_76] : memref<32x80x128xi32, #tpu.memory_space<hbm>> -> memref<1x40x128xi32, #tpu.memory_space<hbm>>
      %dma_wait3A_78 = tpu.memref_squeeze %dma_wait3A_77 : memref<1x40x128xi32, #tpu.memory_space<hbm>> -> memref<40x128xi32, #tpu.memory_space<hbm>>
      %dma_wait3A_79 = arith.constant 40 : i32
      %dma_wait3A_80 = arith.constant 0 : i32
      %dma_wait3A_81 = tpu.memref_slice %arg5[%add3A, %dma_wait3A_79, %dma_wait3A_80] : memref<32x80x128xi32, #tpu.memory_space<hbm>> -> memref<1x40x128xi32, #tpu.memory_space<hbm>>
      %dma_wait3A_82 = tpu.memref_squeeze %dma_wait3A_81 : memref<1x40x128xi32, #tpu.memory_space<hbm>> -> memref<40x128xi32, #tpu.memory_space<hbm>>
      tpu.wait_dma2 semaphore(%run_scoped3A : memref<!tpu.dma_semaphore, #tpu.memory_space<semaphore_mem>>) src(%dma_wait3A_82 : memref<40x128xi32, #tpu.memory_space<hbm>>) dst(%arg8 : memref<40x128xi32, #tpu.memory_space<vmem>>)
      tpu.yield
    }) : () -> ()
    %dma_start3A_37 = arith.constant 0 : i32
    %dma_start3A_38 = arith.constant 0 : i32
    %dma_start3A_39 = arith.constant 0 : i32
    %dma_start3A_40 = arith.constant 0 : i32
    %dma_start3A_41 = tpu.memref_slice %arg9[%dma_start3A_38, %dma_start3A_39, %dma_start3A_40] : memref<2x128x128xf32, #tpu.memory_space<vmem>> -> memref<1x128x128xf32, #tpu.memory_space<vmem>>
    %dma_start3A_42 = tpu.memref_squeeze %dma_start3A_41 : memref<1x128x128xf32, #tpu.memory_space<vmem>> -> memref<128x128xf32, #tpu.memory_space<vmem>>
    %dma_start3A_43 = arith.constant 0 : i32
    %dma_start3A_44 = tpu.memref_slice %arg7[%dma_start3A_37, %dma_start3A_43] : memref<40x128xi32, #tpu.memory_space<vmem>> -> memref<1x128xi32, #tpu.memory_space<vmem>>
    %dma_start3A_45 = tpu.memref_squeeze %dma_start3A_44 : memref<1x128xi32, #tpu.memory_space<vmem>> -> memref<128xi32, #tpu.memory_space<vmem>>
    %dma_start3A_46 = arith.constant 0 : i32
    %dma_start3A_47 = arith.constant 0 : i32
    %dma_start3A_48 = tpu.memref_slice %arg2[%dma_start3A_46, %dma_start3A_47] : memref<10240x128xf32, #tpu.memory_space<hbm>> -> memref<10240x128xf32, #tpu.memory_space<hbm>>
    tpu.enqueue_indirect_dma source(%dma_start3A_48 : memref<10240x128xf32, #tpu.memory_space<hbm>>) target(%dma_start3A_42 : memref<128x128xf32, #tpu.memory_space<vmem>>) offsets(%dma_start3A_45 : memref<128xi32, #tpu.memory_space<vmem>>) semaphore(%arg11 : memref<!tpu.dma_semaphore, #tpu.memory_space<semaphore_mem>>)
    %dma_start3A_49 = arith.constant 1 : i32
    %dma_start3A_50 = arith.constant 1 : i32
    %dma_start3A_51 = arith.constant 0 : i32
    %dma_start3A_52 = arith.constant 0 : i32
    %dma_start3A_53 = tpu.memref_slice %arg9[%dma_start3A_50, %dma_start3A_51, %dma_start3A_52] : memref<2x128x128xf32, #tpu.memory_space<vmem>> -> memref<1x128x128xf32, #tpu.memory_space<vmem>>
    %dma_start3A_54 = tpu.memref_squeeze %dma_start3A_53 : memref<1x128x128xf32, #tpu.memory_space<vmem>> -> memref<128x128xf32, #tpu.memory_space<vmem>>
    %dma_start3A_55 = arith.constant 0 : i32
    %dma_start3A_56 = tpu.memref_slice %arg7[%dma_start3A_49, %dma_start3A_55] : memref<40x128xi32, #tpu.memory_space<vmem>> -> memref<1x128xi32, #tpu.memory_space<vmem>>
    %dma_start3A_57 = tpu.memref_squeeze %dma_start3A_56 : memref<1x128xi32, #tpu.memory_space<vmem>> -> memref<128xi32, #tpu.memory_space<vmem>>
    %dma_start3A_58 = arith.constant 0 : i32
    %dma_start3A_59 = arith.constant 0 : i32
    %dma_start3A_60 = tpu.memref_slice %arg2[%dma_start3A_58, %dma_start3A_59] : memref<10240x128xf32, #tpu.memory_space<hbm>> -> memref<10240x128xf32, #tpu.memory_space<hbm>>
    tpu.enqueue_indirect_dma source(%dma_start3A_60 : memref<10240x128xf32, #tpu.memory_space<hbm>>) target(%dma_start3A_54 : memref<128x128xf32, #tpu.memory_space<vmem>>) offsets(%dma_start3A_57 : memref<128xi32, #tpu.memory_space<vmem>>) semaphore(%arg12 : memref<!tpu.dma_semaphore, #tpu.memory_space<semaphore_mem>>)
    %scan3A_61 = arith.constant 0 : i32
    %scan3A_62 = arith.constant 0 : i32
    %scan3A_63 = arith.constant 20 : i32
    %scan3A_64 = arith.addi %scan3A_62, %scan3A_63 : i32
    %scan3A_65 = arith.constant 1 : i32
    scf.for %scan3A_68 = %scan3A_62 to %scan3A_64 step %scan3A_65  : i32 {
      %mul3A_69 = arith.constant 2 : i32
      %mul3A_70 = arith.muli %scan3A_68, %mul3A_69 : i32
      %add3A_71 = arith.constant 0 : i32
      %add3A_72 = arith.addi %mul3A_70, %add3A_71 : i32
      %dma_wait3A = arith.constant 0 : i32
      %dma_wait3A_73 = arith.constant 0 : i32
      %dma_wait3A_74 = arith.constant 0 : i32
      %dma_wait3A_75 = tpu.memref_slice %arg9[%dma_wait3A, %dma_wait3A_73, %dma_wait3A_74] : memref<2x128x128xf32, #tpu.memory_space<vmem>> -> memref<1x128x128xf32, #tpu.memory_space<vmem>>
      %dma_wait3A_76 = tpu.memref_squeeze %dma_wait3A_75 : memref<1x128x128xf32, #tpu.memory_space<vmem>> -> memref<128x128xf32, #tpu.memory_space<vmem>>
      %dma_wait3A_77 = arith.constant 0 : i32
      %dma_wait3A_78 = tpu.memref_slice %arg7[%add3A_72, %dma_wait3A_77] : memref<40x128xi32, #tpu.memory_space<vmem>> -> memref<1x128xi32, #tpu.memory_space<vmem>>
      %dma_wait3A_79 = tpu.memref_squeeze %dma_wait3A_78 : memref<1x128xi32, #tpu.memory_space<vmem>> -> memref<128xi32, #tpu.memory_space<vmem>>
      %dma_wait3A_80 = arith.constant 0 : i32
      %dma_wait3A_81 = arith.constant 0 : i32
      %dma_wait3A_82 = tpu.memref_slice %arg2[%dma_wait3A_80, %dma_wait3A_81] : memref<10240x128xf32, #tpu.memory_space<hbm>> -> memref<10240x128xf32, #tpu.memory_space<hbm>>
      tpu.wait_indirect_dma semaphore(%arg11 : memref<!tpu.dma_semaphore, #tpu.memory_space<semaphore_mem>>) src(%dma_wait3A_82 : memref<10240x128xf32, #tpu.memory_space<hbm>>) dst(%dma_wait3A_76 : memref<128x128xf32, #tpu.memory_space<vmem>>)
      %dma_start3A_83 = arith.constant 0 : i32
      %dma_start3A_84 = arith.constant 0 : i32
      %dma_start3A_85 = arith.constant 0 : i32
      %dma_start3A_86 = tpu.memref_slice %arg9[%dma_start3A_83, %dma_start3A_84, %dma_start3A_85] : memref<2x128x128xf32, #tpu.memory_space<vmem>> -> memref<1x128x128xf32, #tpu.memory_space<vmem>>
      %dma_start3A_87 = tpu.memref_squeeze %dma_start3A_86 : memref<1x128x128xf32, #tpu.memory_space<vmem>> -> memref<128x128xf32, #tpu.memory_space<vmem>>
      %dma_start3A_88 = arith.constant 0 : i32
      %dma_start3A_89 = tpu.memref_slice %arg8[%add3A_72, %dma_start3A_88] : memref<40x128xi32, #tpu.memory_space<vmem>> -> memref<1x128xi32, #tpu.memory_space<vmem>>
      %dma_start3A_90 = tpu.memref_squeeze %dma_start3A_89 : memref<1x128xi32, #tpu.memory_space<vmem>> -> memref<128xi32, #tpu.memory_space<vmem>>
      %dma_start3A_91 = arith.constant 0 : i32
      %dma_start3A_92 = arith.constant 0 : i32
      %dma_start3A_93 = tpu.memref_slice %arg10[%dma_start3A_91, %dma_start3A_92] : memref<10240x128xf32, #tpu.memory_space<vmem_shared>> -> memref<10240x128xf32, #tpu.memory_space<vmem_shared>>
      tpu.enqueue_indirect_dma source(%dma_start3A_87 : memref<128x128xf32, #tpu.memory_space<vmem>>) target(%dma_start3A_93 : memref<10240x128xf32, #tpu.memory_space<vmem_shared>>) offsets(%dma_start3A_90 : memref<128xi32, #tpu.memory_space<vmem>>) semaphore(%arg13 : memref<!tpu.dma_semaphore, #tpu.memory_space<semaphore_mem>>) {add = true}
      %dma_wait3A_94 = arith.constant 0 : i32
      %dma_wait3A_95 = arith.constant 0 : i32
      %dma_wait3A_96 = arith.constant 0 : i32
      %dma_wait3A_97 = tpu.memref_slice %arg9[%dma_wait3A_94, %dma_wait3A_95, %dma_wait3A_96] : memref<2x128x128xf32, #tpu.memory_space<vmem>> -> memref<1x128x128xf32, #tpu.memory_space<vmem>>
      %dma_wait3A_98 = tpu.memref_squeeze %dma_wait3A_97 : memref<1x128x128xf32, #tpu.memory_space<vmem>> -> memref<128x128xf32, #tpu.memory_space<vmem>>
      %dma_wait3A_99 = arith.constant 0 : i32
      %dma_wait3A_100 = tpu.memref_slice %arg8[%add3A_72, %dma_wait3A_99] : memref<40x128xi32, #tpu.memory_space<vmem>> -> memref<1x128xi32, #tpu.memory_space<vmem>>
      %dma_wait3A_101 = tpu.memref_squeeze %dma_wait3A_100 : memref<1x128xi32, #tpu.memory_space<vmem>> -> memref<128xi32, #tpu.memory_space<vmem>>
      %dma_wait3A_102 = arith.constant 0 : i32
      %dma_wait3A_103 = arith.constant 0 : i32
      %dma_wait3A_104 = tpu.memref_slice %arg10[%dma_wait3A_102, %dma_wait3A_103] : memref<10240x128xf32, #tpu.memory_space<vmem_shared>> -> memref<10240x128xf32, #tpu.memory_space<vmem_shared>>
      tpu.wait_indirect_dma semaphore(%arg13 : memref<!tpu.dma_semaphore, #tpu.memory_space<semaphore_mem>>) src(%dma_wait3A_98 : memref<128x128xf32, #tpu.memory_space<vmem>>) dst(%dma_wait3A_104 : memref<10240x128xf32, #tpu.memory_space<vmem_shared>>)
      %add3A_105 = arith.constant 2 : i32
      %add3A_106 = arith.addi %add3A_72, %add3A_105 : i32
      %lt3A = arith.constant 40 : i32
      %lt3A_107 = arith.cmpi slt, %add3A_106, %lt3A : i32
      %convert_element_type3A_108 = arith.extui %lt3A_107 : i1 to i32
      %cond3A_109 = arith.constant 0 : i32
      %cond3A_110 = arith.cmpi ne, %convert_element_type3A_108, %cond3A_109 : i32
      scf.if %cond3A_110 {
        %dma_start3A_155 = arith.constant 0 : i32
        %dma_start3A_156 = arith.constant 0 : i32
        %dma_start3A_157 = arith.constant 0 : i32
        %dma_start3A_158 = tpu.memref_slice %arg9[%dma_start3A_155, %dma_start3A_156, %dma_start3A_157] : memref<2x128x128xf32, #tpu.memory_space<vmem>> -> memref<1x128x128xf32, #tpu.memory_space<vmem>>
        %dma_start3A_159 = tpu.memref_squeeze %dma_start3A_158 : memref<1x128x128xf32, #tpu.memory_space<vmem>> -> memref<128x128xf32, #tpu.memory_space<vmem>>
        %dma_start3A_160 = arith.constant 0 : i32
        %dma_start3A_161 = tpu.memref_slice %arg7[%add3A_106, %dma_start3A_160] : memref<40x128xi32, #tpu.memory_space<vmem>> -> memref<1x128xi32, #tpu.memory_space<vmem>>
        %dma_start3A_162 = tpu.memref_squeeze %dma_start3A_161 : memref<1x128xi32, #tpu.memory_space<vmem>> -> memref<128xi32, #tpu.memory_space<vmem>>
        %dma_start3A_163 = arith.constant 0 : i32
        %dma_start3A_164 = arith.constant 0 : i32
        %dma_start3A_165 = tpu.memref_slice %arg2[%dma_start3A_163, %dma_start3A_164] : memref<10240x128xf32, #tpu.memory_space<hbm>> -> memref<10240x128xf32, #tpu.memory_space<hbm>>
        tpu.enqueue_indirect_dma source(%dma_start3A_165 : memref<10240x128xf32, #tpu.memory_space<hbm>>) target(%dma_start3A_159 : memref<128x128xf32, #tpu.memory_space<vmem>>) offsets(%dma_start3A_162 : memref<128xi32, #tpu.memory_space<vmem>>) semaphore(%arg11 : memref<!tpu.dma_semaphore, #tpu.memory_space<semaphore_mem>>)
      } else {
      }
      %mul3A_111 = arith.constant 2 : i32
      %mul3A_112 = arith.muli %scan3A_68, %mul3A_111 : i32
      %add3A_113 = arith.constant 1 : i32
      %add3A_114 = arith.addi %mul3A_112, %add3A_113 : i32
      %dma_wait3A_115 = arith.constant 1 : i32
      %dma_wait3A_116 = arith.constant 0 : i32
      %dma_wait3A_117 = arith.constant 0 : i32
      %dma_wait3A_118 = tpu.memref_slice %arg9[%dma_wait3A_115, %dma_wait3A_116, %dma_wait3A_117] : memref<2x128x128xf32, #tpu.memory_space<vmem>> -> memref<1x128x128xf32, #tpu.memory_space<vmem>>
      %dma_wait3A_119 = tpu.memref_squeeze %dma_wait3A_118 : memref<1x128x128xf32, #tpu.memory_space<vmem>> -> memref<128x128xf32, #tpu.memory_space<vmem>>
      %dma_wait3A_120 = arith.constant 0 : i32
      %dma_wait3A_121 = tpu.memref_slice %arg7[%add3A_114, %dma_wait3A_120] : memref<40x128xi32, #tpu.memory_space<vmem>> -> memref<1x128xi32, #tpu.memory_space<vmem>>
      %dma_wait3A_122 = tpu.memref_squeeze %dma_wait3A_121 : memref<1x128xi32, #tpu.memory_space<vmem>> -> memref<128xi32, #tpu.memory_space<vmem>>
      %dma_wait3A_123 = arith.constant 0 : i32
      %dma_wait3A_124 = arith.constant 0 : i32
      %dma_wait3A_125 = tpu.memref_slice %arg2[%dma_wait3A_123, %dma_wait3A_124] : memref<10240x128xf32, #tpu.memory_space<hbm>> -> memref<10240x128xf32, #tpu.memory_space<hbm>>
      tpu.wait_indirect_dma semaphore(%arg12 : memref<!tpu.dma_semaphore, #tpu.memory_space<semaphore_mem>>) src(%dma_wait3A_125 : memref<10240x128xf32, #tpu.memory_space<hbm>>) dst(%dma_wait3A_119 : memref<128x128xf32, #tpu.memory_space<vmem>>)
      %dma_start3A_126 = arith.constant 1 : i32
      %dma_start3A_127 = arith.constant 0 : i32
      %dma_start3A_128 = arith.constant 0 : i32
      %dma_start3A_129 = tpu.memref_slice %arg9[%dma_start3A_126, %dma_start3A_127, %dma_start3A_128] : memref<2x128x128xf32, #tpu.memory_space<vmem>> -> memref<1x128x128xf32, #tpu.memory_space<vmem>>
      %dma_start3A_130 = tpu.memref_squeeze %dma_start3A_129 : memref<1x128x128xf32, #tpu.memory_space<vmem>> -> memref<128x128xf32, #tpu.memory_space<vmem>>
      %dma_start3A_131 = arith.constant 0 : i32
      %dma_start3A_132 = tpu.memref_slice %arg8[%add3A_114, %dma_start3A_131] : memref<40x128xi32, #tpu.memory_space<vmem>> -> memref<1x128xi32, #tpu.memory_space<vmem>>
      %dma_start3A_133 = tpu.memref_squeeze %dma_start3A_132 : memref<1x128xi32, #tpu.memory_space<vmem>> -> memref<128xi32, #tpu.memory_space<vmem>>
      %dma_start3A_134 = arith.constant 0 : i32
      %dma_start3A_135 = arith.constant 0 : i32
      %dma_start3A_136 = tpu.memref_slice %arg10[%dma_start3A_134, %dma_start3A_135] : memref<10240x128xf32, #tpu.memory_space<vmem_shared>> -> memref<10240x128xf32, #tpu.memory_space<vmem_shared>>
      tpu.enqueue_indirect_dma source(%dma_start3A_130 : memref<128x128xf32, #tpu.memory_space<vmem>>) target(%dma_start3A_136 : memref<10240x128xf32, #tpu.memory_space<vmem_shared>>) offsets(%dma_start3A_133 : memref<128xi32, #tpu.memory_space<vmem>>) semaphore(%arg14 : memref<!tpu.dma_semaphore, #tpu.memory_space<semaphore_mem>>) {add = true}
      %dma_wait3A_137 = arith.constant 1 : i32
      %dma_wait3A_138 = arith.constant 0 : i32
      %dma_wait3A_139 = arith.constant 0 : i32
      %dma_wait3A_140 = tpu.memref_slice %arg9[%dma_wait3A_137, %dma_wait3A_138, %dma_wait3A_139] : memref<2x128x128xf32, #tpu.memory_space<vmem>> -> memref<1x128x128xf32, #tpu.memory_space<vmem>>
      %dma_wait3A_141 = tpu.memref_squeeze %dma_wait3A_140 : memref<1x128x128xf32, #tpu.memory_space<vmem>> -> memref<128x128xf32, #tpu.memory_space<vmem>>
      %dma_wait3A_142 = arith.constant 0 : i32
      %dma_wait3A_143 = tpu.memref_slice %arg8[%add3A_114, %dma_wait3A_142] : memref<40x128xi32, #tpu.memory_space<vmem>> -> memref<1x128xi32, #tpu.memory_space<vmem>>
      %dma_wait3A_144 = tpu.memref_squeeze %dma_wait3A_143 : memref<1x128xi32, #tpu.memory_space<vmem>> -> memref<128xi32, #tpu.memory_space<vmem>>
      %dma_wait3A_145 = arith.constant 0 : i32
      %dma_wait3A_146 = arith.constant 0 : i32
      %dma_wait3A_147 = tpu.memref_slice %arg10[%dma_wait3A_145, %dma_wait3A_146] : memref<10240x128xf32, #tpu.memory_space<vmem_shared>> -> memref<10240x128xf32, #tpu.memory_space<vmem_shared>>
      tpu.wait_indirect_dma semaphore(%arg14 : memref<!tpu.dma_semaphore, #tpu.memory_space<semaphore_mem>>) src(%dma_wait3A_141 : memref<128x128xf32, #tpu.memory_space<vmem>>) dst(%dma_wait3A_147 : memref<10240x128xf32, #tpu.memory_space<vmem_shared>>)
      %add3A_148 = arith.constant 2 : i32
      %add3A_149 = arith.addi %add3A_114, %add3A_148 : i32
      %lt3A_150 = arith.constant 40 : i32
      %lt3A_151 = arith.cmpi slt, %add3A_149, %lt3A_150 : i32
      %convert_element_type3A_152 = arith.extui %lt3A_151 : i1 to i32
      %cond3A_153 = arith.constant 0 : i32
      %cond3A_154 = arith.cmpi ne, %convert_element_type3A_152, %cond3A_153 : i32
      scf.if %cond3A_154 {
        %dma_start3A_155 = arith.constant 1 : i32
        %dma_start3A_156 = arith.constant 0 : i32
        %dma_start3A_157 = arith.constant 0 : i32
        %dma_start3A_158 = tpu.memref_slice %arg9[%dma_start3A_155, %dma_start3A_156, %dma_start3A_157] : memref<2x128x128xf32, #tpu.memory_space<vmem>> -> memref<1x128x128xf32, #tpu.memory_space<vmem>>
        %dma_start3A_159 = tpu.memref_squeeze %dma_start3A_158 : memref<1x128x128xf32, #tpu.memory_space<vmem>> -> memref<128x128xf32, #tpu.memory_space<vmem>>
        %dma_start3A_160 = arith.constant 0 : i32
        %dma_start3A_161 = tpu.memref_slice %arg7[%add3A_149, %dma_start3A_160] : memref<40x128xi32, #tpu.memory_space<vmem>> -> memref<1x128xi32, #tpu.memory_space<vmem>>
        %dma_start3A_162 = tpu.memref_squeeze %dma_start3A_161 : memref<1x128xi32, #tpu.memory_space<vmem>> -> memref<128xi32, #tpu.memory_space<vmem>>
        %dma_start3A_163 = arith.constant 0 : i32
        %dma_start3A_164 = arith.constant 0 : i32
        %dma_start3A_165 = tpu.memref_slice %arg2[%dma_start3A_163, %dma_start3A_164] : memref<10240x128xf32, #tpu.memory_space<hbm>> -> memref<10240x128xf32, #tpu.memory_space<hbm>>
        tpu.enqueue_indirect_dma source(%dma_start3A_165 : memref<10240x128xf32, #tpu.memory_space<hbm>>) target(%dma_start3A_159 : memref<128x128xf32, #tpu.memory_space<vmem>>) offsets(%dma_start3A_162 : memref<128xi32, #tpu.memory_space<vmem>>) semaphore(%arg12 : memref<!tpu.dma_semaphore, #tpu.memory_space<semaphore_mem>>)
      } else {
      }
    }
    %scan3A_66 = arith.constant 20 : i32
    %barrier3A_67 = arith.constant 0 : index
    tpu.barrier barrier_id(%barrier3A_67)
    "tpu.region"() ({
      %run_scoped3A = tpu.sem_alloc : memref<!tpu.dma_semaphore, #tpu.memory_space<semaphore_mem>>
      %dma_start3A_68 = arith.constant 0 : i32
      %dma_start3A_69 = tpu.memref_slice %arg6[%arg0, %mul3A_2, %dma_start3A_68] : memref<2x10240x128xf32, #tpu.memory_space<hbm>> -> memref<1x640x128xf32, #tpu.memory_space<hbm>>
      %dma_start3A_70 = tpu.memref_squeeze %dma_start3A_69 : memref<1x640x128xf32, #tpu.memory_space<hbm>> -> memref<640x128xf32, #tpu.memory_space<hbm>>
      %dma_start3A_71 = arith.constant 0 : i32
      %dma_start3A_72 = tpu.memref_slice %arg10[%mul3A_2, %dma_start3A_71] : memref<10240x128xf32, #tpu.memory_space<vmem_shared>> -> memref<640x128xf32, #tpu.memory_space<vmem_shared>>
      tpu.enqueue_dma source(%dma_start3A_72 : memref<640x128xf32, #tpu.memory_space<vmem_shared>>) target(%dma_start3A_70 : memref<640x128xf32, #tpu.memory_space<hbm>>) target_semaphore(%run_scoped3A : memref<!tpu.dma_semaphore, #tpu.memory_space<semaphore_mem>>)
      %dma_wait3A = arith.constant 0 : i32
      %dma_wait3A_73 = tpu.memref_slice %arg6[%arg0, %mul3A_2, %dma_wait3A] : memref<2x10240x128xf32, #tpu.memory_space<hbm>> -> memref<1x640x128xf32, #tpu.memory_space<hbm>>
      %dma_wait3A_74 = tpu.memref_squeeze %dma_wait3A_73 : memref<1x640x128xf32, #tpu.memory_space<hbm>> -> memref<640x128xf32, #tpu.memory_space<hbm>>
      %dma_wait3A_75 = arith.constant 0 : i32
      %dma_wait3A_76 = tpu.memref_slice %arg10[%mul3A_2, %dma_wait3A_75] : memref<10240x128xf32, #tpu.memory_space<vmem_shared>> -> memref<640x128xf32, #tpu.memory_space<vmem_shared>>
      tpu.wait_dma2 semaphore(%run_scoped3A : memref<!tpu.dma_semaphore, #tpu.memory_space<semaphore_mem>>) src(%dma_wait3A_76 : memref<640x128xf32, #tpu.memory_space<vmem_shared>>) dst(%dma_wait3A_74 : memref<640x128xf32, #tpu.memory_space<hbm>>)
      tpu.yield
    }) : () -> ()
    return
  }
}

module attributes {stable_mosaic.version = 14 : i64} {
  func.func @_encode_body(%arg0: i32, %arg1: memref<1024x4xf32, #tpu.memory_space<vmem>>, %arg2: memref<2x128xf32, #tpu.memory_space<vmem>>, %arg3: memref<1x128xf32, #tpu.memory_space<vmem>>, %arg4: memref<128x128xf32, #tpu.memory_space<vmem>>, %arg5: memref<1024x128xf32, #tpu.memory_space<vmem>>, %arg6: memref<1024x1xf32, #tpu.memory_space<vmem>>) attributes {dimension_semantics = [#tpu.dimension_semantics<arbitrary>], iteration_bounds = array<i64: 10>, scalar_prefetch = 0 : i64, scratch_operands = 0 : i64, tpu.core_type = #tpu.core_type<tc>, window_params = [{transform_indices = @transform_0, window_bounds = array<i64: 1024, 4>}, {pipeline_mode = #tpu.pipeline_mode<synchronous>, transform_indices = @transform_1, window_bounds = array<i64: 2, 128>}, {pipeline_mode = #tpu.pipeline_mode<synchronous>, transform_indices = @transform_2, window_bounds = array<i64: 1, 128>}, {pipeline_mode = #tpu.pipeline_mode<synchronous>, transform_indices = @transform_3, window_bounds = array<i64: 128, 128>}, {transform_indices = @transform_4, window_bounds = array<i64: 1024, 128>}, {transform_indices = @transform_5, window_bounds = array<i64: 1024, 1>}]} {
    %get3A = arith.constant 0 : index
    %get3A_0 = arith.constant 0 : index
    %get3A_1 = vector.load %arg1[%get3A, %get3A_0] : memref<1024x4xf32, #tpu.memory_space<vmem>>, vector<1024x4xf32>
    %slice3A = vector.extract_strided_slice %get3A_1 {offsets = [0, 2], sizes = [1024, 1], strides = [1, 1]} : vector<1024x4xf32> to vector<1024x1xf32>
    %slice3A_2 = vector.extract_strided_slice %get3A_1 {offsets = [0, 3], sizes = [1024, 1], strides = [1, 1]} : vector<1024x4xf32> to vector<1024x1xf32>
    %add3A = arith.addf %slice3A, %slice3A_2 : vector<1024x1xf32>
    %add3A_3 = arith.constant 1.000000e+00 : f32
    %add3A_4 = vector.broadcast %add3A_3 : f32 to vector<1024x1xf32>
    %add3A_5 = arith.addf %add3A, %add3A_4 : vector<1024x1xf32>
    %rsqrt3A = math.rsqrt %add3A_5 : vector<1024x1xf32>
    %slice3A_6 = vector.extract_strided_slice %get3A_1 {offsets = [0, 0], sizes = [1024, 1], strides = [1, 1]} : vector<1024x4xf32> to vector<1024x1xf32>
    %get3A_7 = arith.constant 0 : index
    %get3A_8 = arith.constant 0 : index
    %get3A_9 = vector.load %arg2[%get3A_7, %get3A_8] : memref<2x128xf32, #tpu.memory_space<vmem>>, vector<1x128xf32>
    %mul3A = vector.broadcast %slice3A_6 : vector<1024x1xf32> to vector<1024x128xf32>
    %mul3A_10 = vector.broadcast %get3A_9 : vector<1x128xf32> to vector<1024x128xf32>
    %mul3A_11 = arith.mulf %mul3A, %mul3A_10 : vector<1024x128xf32>
    %slice3A_12 = vector.extract_strided_slice %get3A_1 {offsets = [0, 1], sizes = [1024, 1], strides = [1, 1]} : vector<1024x4xf32> to vector<1024x1xf32>
    %get3A_13 = arith.constant 1 : index
    %get3A_14 = arith.constant 0 : index
    %get3A_15 = vector.load %arg2[%get3A_13, %get3A_14] : memref<2x128xf32, #tpu.memory_space<vmem>>, vector<1x128xf32>
    %mul3A_16 = vector.broadcast %slice3A_12 : vector<1024x1xf32> to vector<1024x128xf32>
    %mul3A_17 = vector.broadcast %get3A_15 : vector<1x128xf32> to vector<1024x128xf32>
    %mul3A_18 = arith.mulf %mul3A_16, %mul3A_17 : vector<1024x128xf32>
    %add3A_19 = arith.addf %mul3A_11, %mul3A_18 : vector<1024x128xf32>
    %get3A_20 = arith.constant 0 : index
    %get3A_21 = arith.constant 0 : index
    %get3A_22 = vector.load %arg3[%get3A_20, %get3A_21] : memref<1x128xf32, #tpu.memory_space<vmem>>, vector<1x128xf32>
    %add3A_23 = vector.broadcast %get3A_22 : vector<1x128xf32> to vector<1024x128xf32>
    %add3A_24 = arith.addf %add3A_19, %add3A_23 : vector<1024x128xf32>
    %mul3A_25 = vector.broadcast %rsqrt3A : vector<1024x1xf32> to vector<1024x128xf32>
    %mul3A_26 = arith.mulf %mul3A_25, %add3A_24 : vector<1024x128xf32>
    %get3A_27 = arith.constant 0 : index
    %get3A_28 = arith.constant 0 : index
    %get3A_29 = vector.load %arg4[%get3A_27, %get3A_28] : memref<128x128xf32, #tpu.memory_space<vmem>>, vector<128x128xf32>
    %dot_general3A = arith.constant dense<0.000000e+00> : vector<1024x128xf32>
    %dot_general3A_30 = tpu.matmul %mul3A_26, %get3A_29, %dot_general3A {dimension_numbers = #tpu.dot_dimension_numbers<[1], [0], [0], [1], [0, 0, 1, 1], [], []>, transpose_lhs_hint = false} : vector<1024x128xf32>, vector<128x128xf32>, vector<1024x128xf32> -> vector<1024x128xf32>
    %swap3A = arith.constant 0 : index
    %swap3A_31 = arith.constant 0 : index
    %swap3A_32 = vector.load %arg5[%swap3A, %swap3A_31] : memref<1024x128xf32, #tpu.memory_space<vmem>>, vector<1024x128xf32>
    tpu.vector_store %arg5[%swap3A, %swap3A_31], %dot_general3A_30 {strides = array<i32>} : memref<1024x128xf32, #tpu.memory_space<vmem>>, vector<1024x128xf32>,
    %swap3A_33 = arith.constant 0 : index
    %swap3A_34 = arith.constant 0 : index
    %swap3A_35 = vector.load %arg6[%swap3A_33, %swap3A_34] : memref<1024x1xf32, #tpu.memory_space<vmem>>, vector<1024x1xf32>
    tpu.vector_store %arg6[%swap3A_33, %swap3A_34], %rsqrt3A {strides = array<i32>} : memref<1024x1xf32, #tpu.memory_space<vmem>>, vector<1024x1xf32>,
    return
  }
  func.func @transform_0(%arg0: i32) -> (i32, i32) {
    %c0_i32 = arith.constant 0 : i32
    %c0_i32_0 = arith.constant 0 : i32
    return %arg0, %c0_i32 : i32, i32
  }
  func.func @transform_1(%arg0: i32) -> (i32, i32) {
    %c0_i32 = arith.constant 0 : i32
    %c0_i32_0 = arith.constant 0 : i32
    %c0_i32_1 = arith.constant 0 : i32
    return %c0_i32, %c0_i32_0 : i32, i32
  }
  func.func @transform_2(%arg0: i32) -> (i32, i32) {
    %c0_i32 = arith.constant 0 : i32
    %c0_i32_0 = arith.constant 0 : i32
    %c0_i32_1 = arith.constant 0 : i32
    return %c0_i32, %c0_i32_0 : i32, i32
  }
  func.func @transform_3(%arg0: i32) -> (i32, i32) {
    %c0_i32 = arith.constant 0 : i32
    %c0_i32_0 = arith.constant 0 : i32
    %c0_i32_1 = arith.constant 0 : i32
    return %c0_i32, %c0_i32_0 : i32, i32
  }
  func.func @transform_4(%arg0: i32) -> (i32, i32) {
    %c0_i32 = arith.constant 0 : i32
    %c0_i32_0 = arith.constant 0 : i32
    return %arg0, %c0_i32 : i32, i32
  }
  func.func @transform_5(%arg0: i32) -> (i32, i32) {
    %c0_i32 = arith.constant 0 : i32
    %c0_i32_0 = arith.constant 0 : i32
    return %arg0, %c0_i32 : i32, i32
  }
}

module attributes {stable_mosaic.version = 14 : i64} {
  func.func @_mid_body(%arg0: i32, %arg1: memref<1024x128xf32, #tpu.memory_space<vmem>>, %arg2: memref<1024x128xf32, #tpu.memory_space<vmem>>, %arg3: memref<1024x1xf32, #tpu.memory_space<vmem>>, %arg4: memref<1x128xf32, #tpu.memory_space<vmem>>, %arg5: memref<128x128xf32, #tpu.memory_space<vmem>>, %arg6: memref<1024x128xf32, #tpu.memory_space<vmem>>) attributes {dimension_semantics = [#tpu.dimension_semantics<arbitrary>], iteration_bounds = array<i64: 10>, scalar_prefetch = 0 : i64, scratch_operands = 0 : i64, tpu.core_type = #tpu.core_type<tc>, window_params = [{transform_indices = @transform_0, window_bounds = array<i64: 1024, 128>}, {transform_indices = @transform_1, window_bounds = array<i64: 1024, 128>}, {transform_indices = @transform_2, window_bounds = array<i64: 1024, 1>}, {pipeline_mode = #tpu.pipeline_mode<synchronous>, transform_indices = @transform_3, window_bounds = array<i64: 1, 128>}, {pipeline_mode = #tpu.pipeline_mode<synchronous>, transform_indices = @transform_4, window_bounds = array<i64: 128, 128>}, {transform_indices = @transform_5, window_bounds = array<i64: 1024, 128>}]} {
    %get3A = arith.constant 0 : index
    %get3A_0 = arith.constant 0 : index
    %get3A_1 = vector.load %arg3[%get3A, %get3A_0] : memref<1024x1xf32, #tpu.memory_space<vmem>>, vector<1024x1xf32>
    %get3A_2 = arith.constant 0 : index
    %get3A_3 = arith.constant 0 : index
    %get3A_4 = vector.load %arg1[%get3A_2, %get3A_3] : memref<1024x128xf32, #tpu.memory_space<vmem>>, vector<1024x128xf32>
    %get3A_5 = arith.constant 0 : index
    %get3A_6 = arith.constant 0 : index
    %get3A_7 = vector.load %arg2[%get3A_5, %get3A_6] : memref<1024x128xf32, #tpu.memory_space<vmem>>, vector<1024x128xf32>
    %add3A = arith.addf %get3A_4, %get3A_7 : vector<1024x128xf32>
    %mul3A = vector.broadcast %get3A_1 : vector<1024x1xf32> to vector<1024x128xf32>
    %mul3A_8 = arith.mulf %mul3A, %add3A : vector<1024x128xf32>
    %get3A_9 = arith.constant 0 : index
    %get3A_10 = arith.constant 0 : index
    %get3A_11 = vector.load %arg4[%get3A_9, %get3A_10] : memref<1x128xf32, #tpu.memory_space<vmem>>, vector<1x128xf32>
    %add3A_12 = vector.broadcast %get3A_11 : vector<1x128xf32> to vector<1024x128xf32>
    %add3A_13 = arith.addf %mul3A_8, %add3A_12 : vector<1024x128xf32>
    %max3A = arith.constant 0.000000e+00 : f32
    %max3A_14 = vector.broadcast %max3A : f32 to vector<1024x128xf32>
    %max3A_15 = arith.maximumf %add3A_13, %max3A_14 : vector<1024x128xf32>
    %mul3A_16 = vector.broadcast %get3A_1 : vector<1024x1xf32> to vector<1024x128xf32>
    %mul3A_17 = arith.mulf %mul3A_16, %max3A_15 : vector<1024x128xf32>
    %get3A_18 = arith.constant 0 : index
    %get3A_19 = arith.constant 0 : index
    %get3A_20 = vector.load %arg5[%get3A_18, %get3A_19] : memref<128x128xf32, #tpu.memory_space<vmem>>, vector<128x128xf32>
    %dot_general3A = arith.constant dense<0.000000e+00> : vector<1024x128xf32>
    %dot_general3A_21 = tpu.matmul %mul3A_17, %get3A_20, %dot_general3A {dimension_numbers = #tpu.dot_dimension_numbers<[1], [0], [0], [1], [0, 0, 1, 1], [], []>, transpose_lhs_hint = false} : vector<1024x128xf32>, vector<128x128xf32>, vector<1024x128xf32> -> vector<1024x128xf32>
    %swap3A = arith.constant 0 : index
    %swap3A_22 = arith.constant 0 : index
    %swap3A_23 = vector.load %arg6[%swap3A, %swap3A_22] : memref<1024x128xf32, #tpu.memory_space<vmem>>, vector<1024x128xf32>
    tpu.vector_store %arg6[%swap3A, %swap3A_22], %dot_general3A_21 {strides = array<i32>} : memref<1024x128xf32, #tpu.memory_space<vmem>>, vector<1024x128xf32>,
    return
  }
  func.func @transform_0(%arg0: i32) -> (i32, i32) {
    %c0_i32 = arith.constant 0 : i32
    %c0_i32_0 = arith.constant 0 : i32
    return %arg0, %c0_i32 : i32, i32
  }
  func.func @transform_1(%arg0: i32) -> (i32, i32) {
    %c0_i32 = arith.constant 0 : i32
    %c0_i32_0 = arith.constant 0 : i32
    return %arg0, %c0_i32 : i32, i32
  }
  func.func @transform_2(%arg0: i32) -> (i32, i32) {
    %c0_i32 = arith.constant 0 : i32
    %c0_i32_0 = arith.constant 0 : i32
    return %arg0, %c0_i32 : i32, i32
  }
  func.func @transform_3(%arg0: i32) -> (i32, i32) {
    %c0_i32 = arith.constant 0 : i32
    %c0_i32_0 = arith.constant 0 : i32
    %c0_i32_1 = arith.constant 0 : i32
    return %c0_i32, %c0_i32_0 : i32, i32
  }
  func.func @transform_4(%arg0: i32) -> (i32, i32) {
    %c0_i32 = arith.constant 0 : i32
    %c0_i32_0 = arith.constant 0 : i32
    %c0_i32_1 = arith.constant 0 : i32
    return %c0_i32, %c0_i32_0 : i32, i32
  }
  func.func @transform_5(%arg0: i32) -> (i32, i32) {
    %c0_i32 = arith.constant 0 : i32
    %c0_i32_0 = arith.constant 0 : i32
    return %arg0, %c0_i32 : i32, i32
  }
}

module attributes {stable_mosaic.version = 14 : i64} {
  func.func @_final_body(%arg0: i32, %arg1: memref<1024x128xf32, #tpu.memory_space<vmem>>, %arg2: memref<1024x128xf32, #tpu.memory_space<vmem>>, %arg3: memref<1024x1xf32, #tpu.memory_space<vmem>>, %arg4: memref<1x128xf32, #tpu.memory_space<vmem>>, %arg5: memref<1024x1xi32, #tpu.memory_space<vmem>>, %arg6: memref<16x128xf32, #tpu.memory_space<vmem>>, %arg7: memref<16x128xf32, #tpu.memory_space<vmem>>) attributes {dimension_semantics = [#tpu.dimension_semantics<arbitrary>], iteration_bounds = array<i64: 10>, scalar_prefetch = 0 : i64, scratch_operands = 0 : i64, tpu.core_type = #tpu.core_type<tc>, window_params = [{transform_indices = @transform_0, window_bounds = array<i64: 1024, 128>}, {transform_indices = @transform_1, window_bounds = array<i64: 1024, 128>}, {transform_indices = @transform_2, window_bounds = array<i64: 1024, 1>}, {pipeline_mode = #tpu.pipeline_mode<synchronous>, transform_indices = @transform_3, window_bounds = array<i64: 1, 128>}, {transform_indices = @transform_4, window_bounds = array<i64: 1024, 1>}, {pipeline_mode = #tpu.pipeline_mode<synchronous>, transform_indices = @transform_5, window_bounds = array<i64: 16, 128>}, {pipeline_mode = #tpu.pipeline_mode<synchronous>, transform_indices = @transform_6, window_bounds = array<i64: 16, 128>}]} {
    %get3A = arith.constant 0 : index
    %get3A_0 = arith.constant 0 : index
    %get3A_1 = vector.load %arg3[%get3A, %get3A_0] : memref<1024x1xf32, #tpu.memory_space<vmem>>, vector<1024x1xf32>
    %get3A_2 = arith.constant 0 : index
    %get3A_3 = arith.constant 0 : index
    %get3A_4 = vector.load %arg1[%get3A_2, %get3A_3] : memref<1024x128xf32, #tpu.memory_space<vmem>>, vector<1024x128xf32>
    %get3A_5 = arith.constant 0 : index
    %get3A_6 = arith.constant 0 : index
    %get3A_7 = vector.load %arg2[%get3A_5, %get3A_6] : memref<1024x128xf32, #tpu.memory_space<vmem>>, vector<1024x128xf32>
    %add3A = arith.addf %get3A_4, %get3A_7 : vector<1024x128xf32>
    %mul3A = vector.broadcast %get3A_1 : vector<1024x1xf32> to vector<1024x128xf32>
    %mul3A_8 = arith.mulf %mul3A, %add3A : vector<1024x128xf32>
    %get3A_9 = arith.constant 0 : index
    %get3A_10 = arith.constant 0 : index
    %get3A_11 = vector.load %arg4[%get3A_9, %get3A_10] : memref<1x128xf32, #tpu.memory_space<vmem>>, vector<1x128xf32>
    %add3A_12 = vector.broadcast %get3A_11 : vector<1x128xf32> to vector<1024x128xf32>
    %add3A_13 = arith.addf %mul3A_8, %add3A_12 : vector<1024x128xf32>
    %get3A_14 = arith.constant 0 : index
    %get3A_15 = arith.constant 0 : index
    %get3A_16 = vector.load %arg5[%get3A_14, %get3A_15] : memref<1024x1xi32, #tpu.memory_space<vmem>>, vector<1024x1xi32>
    %eq3A = arith.constant 0 : i32
    %eq3A_17 = arith.cmpi eq, %arg0, %eq3A : i32
    %convert_element_type3A = arith.extui %eq3A_17 : i1 to i32
    %cond3A = arith.constant 0 : i32
    %cond3A_18 = arith.cmpi ne, %convert_element_type3A, %cond3A : i32
    scf.if %cond3A_18 {
      %broadcast_in_dim3A_545 = arith.constant 0xFF800000 : f32
      %broadcast_in_dim3A_546 = vector.broadcast %broadcast_in_dim3A_545 : f32 to vector<16x128xf32>
      %swap3A_547 = arith.constant 0 : index
      %swap3A_548 = arith.constant 0 : index
      %swap3A_549 = vector.load %arg6[%swap3A_547, %swap3A_548] : memref<16x128xf32, #tpu.memory_space<vmem>>, vector<16x128xf32>
      tpu.vector_store %arg6[%swap3A_547, %swap3A_548], %broadcast_in_dim3A_546 {strides = array<i32>} : memref<16x128xf32, #tpu.memory_space<vmem>>, vector<16x128xf32>,
      %broadcast_in_dim3A_550 = arith.constant 0.000000e+00 : f32
      %broadcast_in_dim3A_551 = vector.broadcast %broadcast_in_dim3A_550 : f32 to vector<16x128xf32>
      %swap3A_552 = arith.constant 0 : index
      %swap3A_553 = arith.constant 0 : index
      %swap3A_554 = vector.load %arg7[%swap3A_552, %swap3A_553] : memref<16x128xf32, #tpu.memory_space<vmem>>, vector<16x128xf32>
      tpu.vector_store %arg7[%swap3A_552, %swap3A_553], %broadcast_in_dim3A_551 {strides = array<i32>} : memref<16x128xf32, #tpu.memory_space<vmem>>, vector<16x128xf32>,
    } else {
    }
    %eq3A_19 = arith.constant 0 : i32
    %eq3A_20 = vector.broadcast %eq3A_19 : i32 to vector<1024x1xi32>
    %eq3A_21 = arith.cmpi eq, %get3A_16, %eq3A_20 : vector<1024x1xi32>
    %jit3A = arith.constant 0xFF800000 : f32
    %broadcast_in_dim3A = vector.shape_cast %eq3A_21 : vector<1024x1xi1> to vector<1024x1xi1>
    %broadcast_in_dim3A_22 = vector.broadcast %broadcast_in_dim3A : vector<1024x1xi1> to vector<1024x128xi1>
    %broadcast_in_dim3A_23 = vector.broadcast %jit3A : f32 to vector<1024x128xf32>
    %select_n3A = arith.select %broadcast_in_dim3A_22, %add3A_13, %broadcast_in_dim3A_23 : vector<1024x128xi1>, vector<1024x128xf32>
    %reduce_max3A = arith.constant dense<0xFF800000> : vector<128xf32>
    %reduce_max3A_24 = vector.multi_reduction <maximumf>, %select_n3A, %reduce_max3A [0] : vector<1024x128xf32> to vector<128xf32>
    %broadcast_in_dim3A_25 = vector.shape_cast %reduce_max3A_24 : vector<128xf32> to vector<1x128xf32>
    %jit3A_26 = arith.constant 0.000000e+00 : f32
    %broadcast_in_dim3A_27 = vector.shape_cast %eq3A_21 : vector<1024x1xi1> to vector<1024x1xi1>
    %broadcast_in_dim3A_28 = vector.broadcast %broadcast_in_dim3A_27 : vector<1024x1xi1> to vector<1024x128xi1>
    %broadcast_in_dim3A_29 = vector.broadcast %jit3A_26 : f32 to vector<1024x128xf32>
    %select_n3A_30 = arith.select %broadcast_in_dim3A_28, %add3A_13, %broadcast_in_dim3A_29 : vector<1024x128xi1>, vector<1024x128xf32>
    %reduce_sum3A = arith.constant dense<0.000000e+00> : vector<128xf32>
    %reduce_sum3A_31 = vector.multi_reduction <add>, %select_n3A_30, %reduce_sum3A [0] : vector<1024x128xf32> to vector<128xf32>
    %broadcast_in_dim3A_32 = vector.shape_cast %reduce_sum3A_31 : vector<128xf32> to vector<1x128xf32>
    %get3A_33 = arith.constant 0 : index
    %get3A_34 = arith.constant 0 : index
    %get3A_35 = vector.load %arg6[%get3A_33, %get3A_34] : memref<16x128xf32, #tpu.memory_space<vmem>>, vector<1x128xf32>
    %max3A = arith.maximumf %get3A_35, %broadcast_in_dim3A_25 : vector<1x128xf32>
    %swap3A = arith.constant 0 : index
    %swap3A_36 = arith.constant 0 : index
    %swap3A_37 = vector.load %arg6[%swap3A, %swap3A_36] : memref<16x128xf32, #tpu.memory_space<vmem>>, vector<1x128xf32>
    tpu.vector_store %arg6[%swap3A, %swap3A_36], %max3A {strides = array<i32>} : memref<16x128xf32, #tpu.memory_space<vmem>>, vector<1x128xf32>,
    %get3A_38 = arith.constant 0 : index
    %get3A_39 = arith.constant 0 : index
    %get3A_40 = vector.load %arg7[%get3A_38, %get3A_39] : memref<16x128xf32, #tpu.memory_space<vmem>>, vector<1x128xf32>
    %add3A_41 = arith.addf %get3A_40, %broadcast_in_dim3A_32 : vector<1x128xf32>
    %swap3A_42 = arith.constant 0 : index
    %swap3A_43 = arith.constant 0 : index
    %swap3A_44 = vector.load %arg7[%swap3A_42, %swap3A_43] : memref<16x128xf32, #tpu.memory_space<vmem>>, vector<1x128xf32>
    tpu.vector_store %arg7[%swap3A_42, %swap3A_43], %add3A_41 {strides = array<i32>} : memref<16x128xf32, #tpu.memory_space<vmem>>, vector<1x128xf32>,
    %eq3A_45 = arith.constant 1 : i32
    %eq3A_46 = vector.broadcast %eq3A_45 : i32 to vector<1024x1xi32>
    %eq3A_47 = arith.cmpi eq, %get3A_16, %eq3A_46 : vector<1024x1xi32>
    %jit3A_48 = arith.constant 0xFF800000 : f32
    %broadcast_in_dim3A_49 = vector.shape_cast %eq3A_47 : vector<1024x1xi1> to vector<1024x1xi1>
    %broadcast_in_dim3A_50 = vector.broadcast %broadcast_in_dim3A_49 : vector<1024x1xi1> to vector<1024x128xi1>
    %broadcast_in_dim3A_51 = vector.broadcast %jit3A_48 : f32 to vector<1024x128xf32>
    %select_n3A_52 = arith.select %broadcast_in_dim3A_50, %add3A_13, %broadcast_in_dim3A_51 : vector<1024x128xi1>, vector<1024x128xf32>
    %reduce_max3A_53 = arith.constant dense<0xFF800000> : vector<128xf32>
    %reduce_max3A_54 = vector.multi_reduction <maximumf>, %select_n3A_52, %reduce_max3A_53 [0] : vector<1024x128xf32> to vector<128xf32>
    %broadcast_in_dim3A_55 = vector.shape_cast %reduce_max3A_54 : vector<128xf32> to vector<1x128xf32>
    %jit3A_56 = arith.constant 0.000000e+00 : f32
    %broadcast_in_dim3A_57 = vector.shape_cast %eq3A_47 : vector<1024x1xi1> to vector<1024x1xi1>
    %broadcast_in_dim3A_58 = vector.broadcast %broadcast_in_dim3A_57 : vector<1024x1xi1> to vector<1024x128xi1>
    %broadcast_in_dim3A_59 = vector.broadcast %jit3A_56 : f32 to vector<1024x128xf32>
    %select_n3A_60 = arith.select %broadcast_in_dim3A_58, %add3A_13, %broadcast_in_dim3A_59 : vector<1024x128xi1>, vector<1024x128xf32>
    %reduce_sum3A_61 = arith.constant dense<0.000000e+00> : vector<128xf32>
    %reduce_sum3A_62 = vector.multi_reduction <add>, %select_n3A_60, %reduce_sum3A_61 [0] : vector<1024x128xf32> to vector<128xf32>
    %broadcast_in_dim3A_63 = vector.shape_cast %reduce_sum3A_62 : vector<128xf32> to vector<1x128xf32>
    %get3A_64 = arith.constant 1 : index
    %get3A_65 = arith.constant 0 : index
    %get3A_66 = vector.load %arg6[%get3A_64, %get3A_65] : memref<16x128xf32, #tpu.memory_space<vmem>>, vector<1x128xf32>
    %max3A_67 = arith.maximumf %get3A_66, %broadcast_in_dim3A_55 : vector<1x128xf32>
    %swap3A_68 = arith.constant 1 : index
    %swap3A_69 = arith.constant 0 : index
    %swap3A_70 = vector.load %arg6[%swap3A_68, %swap3A_69] : memref<16x128xf32, #tpu.memory_space<vmem>>, vector<1x128xf32>
    tpu.vector_store %arg6[%swap3A_68, %swap3A_69], %max3A_67 {strides = array<i32>} : memref<16x128xf32, #tpu.memory_space<vmem>>, vector<1x128xf32>,
    %get3A_71 = arith.constant 1 : index
    %get3A_72 = arith.constant 0 : index
    %get3A_73 = vector.load %arg7[%get3A_71, %get3A_72] : memref<16x128xf32, #tpu.memory_space<vmem>>, vector<1x128xf32>
    %add3A_74 = arith.addf %get3A_73, %broadcast_in_dim3A_63 : vector<1x128xf32>
    %swap3A_75 = arith.constant 1 : index
    %swap3A_76 = arith.constant 0 : index
    %swap3A_77 = vector.load %arg7[%swap3A_75, %swap3A_76] : memref<16x128xf32, #tpu.memory_space<vmem>>, vector<1x128xf32>
    tpu.vector_store %arg7[%swap3A_75, %swap3A_76], %add3A_74 {strides = array<i32>} : memref<16x128xf32, #tpu.memory_space<vmem>>, vector<1x128xf32>,
    %eq3A_78 = arith.constant 2 : i32
    %eq3A_79 = vector.broadcast %eq3A_78 : i32 to vector<1024x1xi32>
    %eq3A_80 = arith.cmpi eq, %get3A_16, %eq3A_79 : vector<1024x1xi32>
    %jit3A_81 = arith.constant 0xFF800000 : f32
    %broadcast_in_dim3A_82 = vector.shape_cast %eq3A_80 : vector<1024x1xi1> to vector<1024x1xi1>
    %broadcast_in_dim3A_83 = vector.broadcast %broadcast_in_dim3A_82 : vector<1024x1xi1> to vector<1024x128xi1>
    %broadcast_in_dim3A_84 = vector.broadcast %jit3A_81 : f32 to vector<1024x128xf32>
    %select_n3A_85 = arith.select %broadcast_in_dim3A_83, %add3A_13, %broadcast_in_dim3A_84 : vector<1024x128xi1>, vector<1024x128xf32>
    %reduce_max3A_86 = arith.constant dense<0xFF800000> : vector<128xf32>
    %reduce_max3A_87 = vector.multi_reduction <maximumf>, %select_n3A_85, %reduce_max3A_86 [0] : vector<1024x128xf32> to vector<128xf32>
    %broadcast_in_dim3A_88 = vector.shape_cast %reduce_max3A_87 : vector<128xf32> to vector<1x128xf32>
    %jit3A_89 = arith.constant 0.000000e+00 : f32
    %broadcast_in_dim3A_90 = vector.shape_cast %eq3A_80 : vector<1024x1xi1> to vector<1024x1xi1>
    %broadcast_in_dim3A_91 = vector.broadcast %broadcast_in_dim3A_90 : vector<1024x1xi1> to vector<1024x128xi1>
    %broadcast_in_dim3A_92 = vector.broadcast %jit3A_89 : f32 to vector<1024x128xf32>
    %select_n3A_93 = arith.select %broadcast_in_dim3A_91, %add3A_13, %broadcast_in_dim3A_92 : vector<1024x128xi1>, vector<1024x128xf32>
    %reduce_sum3A_94 = arith.constant dense<0.000000e+00> : vector<128xf32>
    %reduce_sum3A_95 = vector.multi_reduction <add>, %select_n3A_93, %reduce_sum3A_94 [0] : vector<1024x128xf32> to vector<128xf32>
    %broadcast_in_dim3A_96 = vector.shape_cast %reduce_sum3A_95 : vector<128xf32> to vector<1x128xf32>
    %get3A_97 = arith.constant 2 : index
    %get3A_98 = arith.constant 0 : index
    %get3A_99 = vector.load %arg6[%get3A_97, %get3A_98] : memref<16x128xf32, #tpu.memory_space<vmem>>, vector<1x128xf32>
    %max3A_100 = arith.maximumf %get3A_99, %broadcast_in_dim3A_88 : vector<1x128xf32>
    %swap3A_101 = arith.constant 2 : index
    %swap3A_102 = arith.constant 0 : index
    %swap3A_103 = vector.load %arg6[%swap3A_101, %swap3A_102] : memref<16x128xf32, #tpu.memory_space<vmem>>, vector<1x128xf32>
    tpu.vector_store %arg6[%swap3A_101, %swap3A_102], %max3A_100 {strides = array<i32>} : memref<16x128xf32, #tpu.memory_space<vmem>>, vector<1x128xf32>,
    %get3A_104 = arith.constant 2 : index
    %get3A_105 = arith.constant 0 : index
    %get3A_106 = vector.load %arg7[%get3A_104, %get3A_105] : memref<16x128xf32, #tpu.memory_space<vmem>>, vector<1x128xf32>
    %add3A_107 = arith.addf %get3A_106, %broadcast_in_dim3A_96 : vector<1x128xf32>
    %swap3A_108 = arith.constant 2 : index
    %swap3A_109 = arith.constant 0 : index
    %swap3A_110 = vector.load %arg7[%swap3A_108, %swap3A_109] : memref<16x128xf32, #tpu.memory_space<vmem>>, vector<1x128xf32>
    tpu.vector_store %arg7[%swap3A_108, %swap3A_109], %add3A_107 {strides = array<i32>} : memref<16x128xf32, #tpu.memory_space<vmem>>, vector<1x128xf32>,
    %eq3A_111 = arith.constant 3 : i32
    %eq3A_112 = vector.broadcast %eq3A_111 : i32 to vector<1024x1xi32>
    %eq3A_113 = arith.cmpi eq, %get3A_16, %eq3A_112 : vector<1024x1xi32>
    %jit3A_114 = arith.constant 0xFF800000 : f32
    %broadcast_in_dim3A_115 = vector.shape_cast %eq3A_113 : vector<1024x1xi1> to vector<1024x1xi1>
    %broadcast_in_dim3A_116 = vector.broadcast %broadcast_in_dim3A_115 : vector<1024x1xi1> to vector<1024x128xi1>
    %broadcast_in_dim3A_117 = vector.broadcast %jit3A_114 : f32 to vector<1024x128xf32>
    %select_n3A_118 = arith.select %broadcast_in_dim3A_116, %add3A_13, %broadcast_in_dim3A_117 : vector<1024x128xi1>, vector<1024x128xf32>
    %reduce_max3A_119 = arith.constant dense<0xFF800000> : vector<128xf32>
    %reduce_max3A_120 = vector.multi_reduction <maximumf>, %select_n3A_118, %reduce_max3A_119 [0] : vector<1024x128xf32> to vector<128xf32>
    %broadcast_in_dim3A_121 = vector.shape_cast %reduce_max3A_120 : vector<128xf32> to vector<1x128xf32>
    %jit3A_122 = arith.constant 0.000000e+00 : f32
    %broadcast_in_dim3A_123 = vector.shape_cast %eq3A_113 : vector<1024x1xi1> to vector<1024x1xi1>
    %broadcast_in_dim3A_124 = vector.broadcast %broadcast_in_dim3A_123 : vector<1024x1xi1> to vector<1024x128xi1>
    %broadcast_in_dim3A_125 = vector.broadcast %jit3A_122 : f32 to vector<1024x128xf32>
    %select_n3A_126 = arith.select %broadcast_in_dim3A_124, %add3A_13, %broadcast_in_dim3A_125 : vector<1024x128xi1>, vector<1024x128xf32>
    %reduce_sum3A_127 = arith.constant dense<0.000000e+00> : vector<128xf32>
    %reduce_sum3A_128 = vector.multi_reduction <add>, %select_n3A_126, %reduce_sum3A_127 [0] : vector<1024x128xf32> to vector<128xf32>
    %broadcast_in_dim3A_129 = vector.shape_cast %reduce_sum3A_128 : vector<128xf32> to vector<1x128xf32>
    %get3A_130 = arith.constant 3 : index
    %get3A_131 = arith.constant 0 : index
    %get3A_132 = vector.load %arg6[%get3A_130, %get3A_131] : memref<16x128xf32, #tpu.memory_space<vmem>>, vector<1x128xf32>
    %max3A_133 = arith.maximumf %get3A_132, %broadcast_in_dim3A_121 : vector<1x128xf32>
    %swap3A_134 = arith.constant 3 : index
    %swap3A_135 = arith.constant 0 : index
    %swap3A_136 = vector.load %arg6[%swap3A_134, %swap3A_135] : memref<16x128xf32, #tpu.memory_space<vmem>>, vector<1x128xf32>
    tpu.vector_store %arg6[%swap3A_134, %swap3A_135], %max3A_133 {strides = array<i32>} : memref<16x128xf32, #tpu.memory_space<vmem>>, vector<1x128xf32>,
    %get3A_137 = arith.constant 3 : index
    %get3A_138 = arith.constant 0 : index
    %get3A_139 = vector.load %arg7[%get3A_137, %get3A_138] : memref<16x128xf32, #tpu.memory_space<vmem>>, vector<1x128xf32>
    %add3A_140 = arith.addf %get3A_139, %broadcast_in_dim3A_129 : vector<1x128xf32>
    %swap3A_141 = arith.constant 3 : index
    %swap3A_142 = arith.constant 0 : index
    %swap3A_143 = vector.load %arg7[%swap3A_141, %swap3A_142] : memref<16x128xf32, #tpu.memory_space<vmem>>, vector<1x128xf32>
    tpu.vector_store %arg7[%swap3A_141, %swap3A_142], %add3A_140 {strides = array<i32>} : memref<16x128xf32, #tpu.memory_space<vmem>>, vector<1x128xf32>,
    %eq3A_144 = arith.constant 4 : i32
    %eq3A_145 = vector.broadcast %eq3A_144 : i32 to vector<1024x1xi32>
    %eq3A_146 = arith.cmpi eq, %get3A_16, %eq3A_145 : vector<1024x1xi32>
    %jit3A_147 = arith.constant 0xFF800000 : f32
    %broadcast_in_dim3A_148 = vector.shape_cast %eq3A_146 : vector<1024x1xi1> to vector<1024x1xi1>
    %broadcast_in_dim3A_149 = vector.broadcast %broadcast_in_dim3A_148 : vector<1024x1xi1> to vector<1024x128xi1>
    %broadcast_in_dim3A_150 = vector.broadcast %jit3A_147 : f32 to vector<1024x128xf32>
    %select_n3A_151 = arith.select %broadcast_in_dim3A_149, %add3A_13, %broadcast_in_dim3A_150 : vector<1024x128xi1>, vector<1024x128xf32>
    %reduce_max3A_152 = arith.constant dense<0xFF800000> : vector<128xf32>
    %reduce_max3A_153 = vector.multi_reduction <maximumf>, %select_n3A_151, %reduce_max3A_152 [0] : vector<1024x128xf32> to vector<128xf32>
    %broadcast_in_dim3A_154 = vector.shape_cast %reduce_max3A_153 : vector<128xf32> to vector<1x128xf32>
    %jit3A_155 = arith.constant 0.000000e+00 : f32
    %broadcast_in_dim3A_156 = vector.shape_cast %eq3A_146 : vector<1024x1xi1> to vector<1024x1xi1>
    %broadcast_in_dim3A_157 = vector.broadcast %broadcast_in_dim3A_156 : vector<1024x1xi1> to vector<1024x128xi1>
    %broadcast_in_dim3A_158 = vector.broadcast %jit3A_155 : f32 to vector<1024x128xf32>
    %select_n3A_159 = arith.select %broadcast_in_dim3A_157, %add3A_13, %broadcast_in_dim3A_158 : vector<1024x128xi1>, vector<1024x128xf32>
    %reduce_sum3A_160 = arith.constant dense<0.000000e+00> : vector<128xf32>
    %reduce_sum3A_161 = vector.multi_reduction <add>, %select_n3A_159, %reduce_sum3A_160 [0] : vector<1024x128xf32> to vector<128xf32>
    %broadcast_in_dim3A_162 = vector.shape_cast %reduce_sum3A_161 : vector<128xf32> to vector<1x128xf32>
    %get3A_163 = arith.constant 4 : index
    %get3A_164 = arith.constant 0 : index
    %get3A_165 = vector.load %arg6[%get3A_163, %get3A_164] : memref<16x128xf32, #tpu.memory_space<vmem>>, vector<1x128xf32>
    %max3A_166 = arith.maximumf %get3A_165, %broadcast_in_dim3A_154 : vector<1x128xf32>
    %swap3A_167 = arith.constant 4 : index
    %swap3A_168 = arith.constant 0 : index
    %swap3A_169 = vector.load %arg6[%swap3A_167, %swap3A_168] : memref<16x128xf32, #tpu.memory_space<vmem>>, vector<1x128xf32>
    tpu.vector_store %arg6[%swap3A_167, %swap3A_168], %max3A_166 {strides = array<i32>} : memref<16x128xf32, #tpu.memory_space<vmem>>, vector<1x128xf32>,
    %get3A_170 = arith.constant 4 : index
    %get3A_171 = arith.constant 0 : index
    %get3A_172 = vector.load %arg7[%get3A_170, %get3A_171] : memref<16x128xf32, #tpu.memory_space<vmem>>, vector<1x128xf32>
    %add3A_173 = arith.addf %get3A_172, %broadcast_in_dim3A_162 : vector<1x128xf32>
    %swap3A_174 = arith.constant 4 : index
    %swap3A_175 = arith.constant 0 : index
    %swap3A_176 = vector.load %arg7[%swap3A_174, %swap3A_175] : memref<16x128xf32, #tpu.memory_space<vmem>>, vector<1x128xf32>
    tpu.vector_store %arg7[%swap3A_174, %swap3A_175], %add3A_173 {strides = array<i32>} : memref<16x128xf32, #tpu.memory_space<vmem>>, vector<1x128xf32>,
    %eq3A_177 = arith.constant 5 : i32
    %eq3A_178 = vector.broadcast %eq3A_177 : i32 to vector<1024x1xi32>
    %eq3A_179 = arith.cmpi eq, %get3A_16, %eq3A_178 : vector<1024x1xi32>
    %jit3A_180 = arith.constant 0xFF800000 : f32
    %broadcast_in_dim3A_181 = vector.shape_cast %eq3A_179 : vector<1024x1xi1> to vector<1024x1xi1>
    %broadcast_in_dim3A_182 = vector.broadcast %broadcast_in_dim3A_181 : vector<1024x1xi1> to vector<1024x128xi1>
    %broadcast_in_dim3A_183 = vector.broadcast %jit3A_180 : f32 to vector<1024x128xf32>
    %select_n3A_184 = arith.select %broadcast_in_dim3A_182, %add3A_13, %broadcast_in_dim3A_183 : vector<1024x128xi1>, vector<1024x128xf32>
    %reduce_max3A_185 = arith.constant dense<0xFF800000> : vector<128xf32>
    %reduce_max3A_186 = vector.multi_reduction <maximumf>, %select_n3A_184, %reduce_max3A_185 [0] : vector<1024x128xf32> to vector<128xf32>
    %broadcast_in_dim3A_187 = vector.shape_cast %reduce_max3A_186 : vector<128xf32> to vector<1x128xf32>
    %jit3A_188 = arith.constant 0.000000e+00 : f32
    %broadcast_in_dim3A_189 = vector.shape_cast %eq3A_179 : vector<1024x1xi1> to vector<1024x1xi1>
    %broadcast_in_dim3A_190 = vector.broadcast %broadcast_in_dim3A_189 : vector<1024x1xi1> to vector<1024x128xi1>
    %broadcast_in_dim3A_191 = vector.broadcast %jit3A_188 : f32 to vector<1024x128xf32>
    %select_n3A_192 = arith.select %broadcast_in_dim3A_190, %add3A_13, %broadcast_in_dim3A_191 : vector<1024x128xi1>, vector<1024x128xf32>
    %reduce_sum3A_193 = arith.constant dense<0.000000e+00> : vector<128xf32>
    %reduce_sum3A_194 = vector.multi_reduction <add>, %select_n3A_192, %reduce_sum3A_193 [0] : vector<1024x128xf32> to vector<128xf32>
    %broadcast_in_dim3A_195 = vector.shape_cast %reduce_sum3A_194 : vector<128xf32> to vector<1x128xf32>
    %get3A_196 = arith.constant 5 : index
    %get3A_197 = arith.constant 0 : index
    %get3A_198 = vector.load %arg6[%get3A_196, %get3A_197] : memref<16x128xf32, #tpu.memory_space<vmem>>, vector<1x128xf32>
    %max3A_199 = arith.maximumf %get3A_198, %broadcast_in_dim3A_187 : vector<1x128xf32>
    %swap3A_200 = arith.constant 5 : index
    %swap3A_201 = arith.constant 0 : index
    %swap3A_202 = vector.load %arg6[%swap3A_200, %swap3A_201] : memref<16x128xf32, #tpu.memory_space<vmem>>, vector<1x128xf32>
    tpu.vector_store %arg6[%swap3A_200, %swap3A_201], %max3A_199 {strides = array<i32>} : memref<16x128xf32, #tpu.memory_space<vmem>>, vector<1x128xf32>,
    %get3A_203 = arith.constant 5 : index
    %get3A_204 = arith.constant 0 : index
    %get3A_205 = vector.load %arg7[%get3A_203, %get3A_204] : memref<16x128xf32, #tpu.memory_space<vmem>>, vector<1x128xf32>
    %add3A_206 = arith.addf %get3A_205, %broadcast_in_dim3A_195 : vector<1x128xf32>
    %swap3A_207 = arith.constant 5 : index
    %swap3A_208 = arith.constant 0 : index
    %swap3A_209 = vector.load %arg7[%swap3A_207, %swap3A_208] : memref<16x128xf32, #tpu.memory_space<vmem>>, vector<1x128xf32>
    tpu.vector_store %arg7[%swap3A_207, %swap3A_208], %add3A_206 {strides = array<i32>} : memref<16x128xf32, #tpu.memory_space<vmem>>, vector<1x128xf32>,
    %eq3A_210 = arith.constant 6 : i32
    %eq3A_211 = vector.broadcast %eq3A_210 : i32 to vector<1024x1xi32>
    %eq3A_212 = arith.cmpi eq, %get3A_16, %eq3A_211 : vector<1024x1xi32>
    %jit3A_213 = arith.constant 0xFF800000 : f32
    %broadcast_in_dim3A_214 = vector.shape_cast %eq3A_212 : vector<1024x1xi1> to vector<1024x1xi1>
    %broadcast_in_dim3A_215 = vector.broadcast %broadcast_in_dim3A_214 : vector<1024x1xi1> to vector<1024x128xi1>
    %broadcast_in_dim3A_216 = vector.broadcast %jit3A_213 : f32 to vector<1024x128xf32>
    %select_n3A_217 = arith.select %broadcast_in_dim3A_215, %add3A_13, %broadcast_in_dim3A_216 : vector<1024x128xi1>, vector<1024x128xf32>
    %reduce_max3A_218 = arith.constant dense<0xFF800000> : vector<128xf32>
    %reduce_max3A_219 = vector.multi_reduction <maximumf>, %select_n3A_217, %reduce_max3A_218 [0] : vector<1024x128xf32> to vector<128xf32>
    %broadcast_in_dim3A_220 = vector.shape_cast %reduce_max3A_219 : vector<128xf32> to vector<1x128xf32>
    %jit3A_221 = arith.constant 0.000000e+00 : f32
    %broadcast_in_dim3A_222 = vector.shape_cast %eq3A_212 : vector<1024x1xi1> to vector<1024x1xi1>
    %broadcast_in_dim3A_223 = vector.broadcast %broadcast_in_dim3A_222 : vector<1024x1xi1> to vector<1024x128xi1>
    %broadcast_in_dim3A_224 = vector.broadcast %jit3A_221 : f32 to vector<1024x128xf32>
    %select_n3A_225 = arith.select %broadcast_in_dim3A_223, %add3A_13, %broadcast_in_dim3A_224 : vector<1024x128xi1>, vector<1024x128xf32>
    %reduce_sum3A_226 = arith.constant dense<0.000000e+00> : vector<128xf32>
    %reduce_sum3A_227 = vector.multi_reduction <add>, %select_n3A_225, %reduce_sum3A_226 [0] : vector<1024x128xf32> to vector<128xf32>
    %broadcast_in_dim3A_228 = vector.shape_cast %reduce_sum3A_227 : vector<128xf32> to vector<1x128xf32>
    %get3A_229 = arith.constant 6 : index
    %get3A_230 = arith.constant 0 : index
    %get3A_231 = vector.load %arg6[%get3A_229, %get3A_230] : memref<16x128xf32, #tpu.memory_space<vmem>>, vector<1x128xf32>
    %max3A_232 = arith.maximumf %get3A_231, %broadcast_in_dim3A_220 : vector<1x128xf32>
    %swap3A_233 = arith.constant 6 : index
    %swap3A_234 = arith.constant 0 : index
    %swap3A_235 = vector.load %arg6[%swap3A_233, %swap3A_234] : memref<16x128xf32, #tpu.memory_space<vmem>>, vector<1x128xf32>
    tpu.vector_store %arg6[%swap3A_233, %swap3A_234], %max3A_232 {strides = array<i32>} : memref<16x128xf32, #tpu.memory_space<vmem>>, vector<1x128xf32>,
    %get3A_236 = arith.constant 6 : index
    %get3A_237 = arith.constant 0 : index
    %get3A_238 = vector.load %arg7[%get3A_236, %get3A_237] : memref<16x128xf32, #tpu.memory_space<vmem>>, vector<1x128xf32>
    %add3A_239 = arith.addf %get3A_238, %broadcast_in_dim3A_228 : vector<1x128xf32>
    %swap3A_240 = arith.constant 6 : index
    %swap3A_241 = arith.constant 0 : index
    %swap3A_242 = vector.load %arg7[%swap3A_240, %swap3A_241] : memref<16x128xf32, #tpu.memory_space<vmem>>, vector<1x128xf32>
    tpu.vector_store %arg7[%swap3A_240, %swap3A_241], %add3A_239 {strides = array<i32>} : memref<16x128xf32, #tpu.memory_space<vmem>>, vector<1x128xf32>,
    %eq3A_243 = arith.constant 7 : i32
    %eq3A_244 = vector.broadcast %eq3A_243 : i32 to vector<1024x1xi32>
    %eq3A_245 = arith.cmpi eq, %get3A_16, %eq3A_244 : vector<1024x1xi32>
    %jit3A_246 = arith.constant 0xFF800000 : f32
    %broadcast_in_dim3A_247 = vector.shape_cast %eq3A_245 : vector<1024x1xi1> to vector<1024x1xi1>
    %broadcast_in_dim3A_248 = vector.broadcast %broadcast_in_dim3A_247 : vector<1024x1xi1> to vector<1024x128xi1>
    %broadcast_in_dim3A_249 = vector.broadcast %jit3A_246 : f32 to vector<1024x128xf32>
    %select_n3A_250 = arith.select %broadcast_in_dim3A_248, %add3A_13, %broadcast_in_dim3A_249 : vector<1024x128xi1>, vector<1024x128xf32>
    %reduce_max3A_251 = arith.constant dense<0xFF800000> : vector<128xf32>
    %reduce_max3A_252 = vector.multi_reduction <maximumf>, %select_n3A_250, %reduce_max3A_251 [0] : vector<1024x128xf32> to vector<128xf32>
    %broadcast_in_dim3A_253 = vector.shape_cast %reduce_max3A_252 : vector<128xf32> to vector<1x128xf32>
    %jit3A_254 = arith.constant 0.000000e+00 : f32
    %broadcast_in_dim3A_255 = vector.shape_cast %eq3A_245 : vector<1024x1xi1> to vector<1024x1xi1>
    %broadcast_in_dim3A_256 = vector.broadcast %broadcast_in_dim3A_255 : vector<1024x1xi1> to vector<1024x128xi1>
    %broadcast_in_dim3A_257 = vector.broadcast %jit3A_254 : f32 to vector<1024x128xf32>
    %select_n3A_258 = arith.select %broadcast_in_dim3A_256, %add3A_13, %broadcast_in_dim3A_257 : vector<1024x128xi1>, vector<1024x128xf32>
    %reduce_sum3A_259 = arith.constant dense<0.000000e+00> : vector<128xf32>
    %reduce_sum3A_260 = vector.multi_reduction <add>, %select_n3A_258, %reduce_sum3A_259 [0] : vector<1024x128xf32> to vector<128xf32>
    %broadcast_in_dim3A_261 = vector.shape_cast %reduce_sum3A_260 : vector<128xf32> to vector<1x128xf32>
    %get3A_262 = arith.constant 7 : index
    %get3A_263 = arith.constant 0 : index
    %get3A_264 = vector.load %arg6[%get3A_262, %get3A_263] : memref<16x128xf32, #tpu.memory_space<vmem>>, vector<1x128xf32>
    %max3A_265 = arith.maximumf %get3A_264, %broadcast_in_dim3A_253 : vector<1x128xf32>
    %swap3A_266 = arith.constant 7 : index
    %swap3A_267 = arith.constant 0 : index
    %swap3A_268 = vector.load %arg6[%swap3A_266, %swap3A_267] : memref<16x128xf32, #tpu.memory_space<vmem>>, vector<1x128xf32>
    tpu.vector_store %arg6[%swap3A_266, %swap3A_267], %max3A_265 {strides = array<i32>} : memref<16x128xf32, #tpu.memory_space<vmem>>, vector<1x128xf32>,
    %get3A_269 = arith.constant 7 : index
    %get3A_270 = arith.constant 0 : index
    %get3A_271 = vector.load %arg7[%get3A_269, %get3A_270] : memref<16x128xf32, #tpu.memory_space<vmem>>, vector<1x128xf32>
    %add3A_272 = arith.addf %get3A_271, %broadcast_in_dim3A_261 : vector<1x128xf32>
    %swap3A_273 = arith.constant 7 : index
    %swap3A_274 = arith.constant 0 : index
    %swap3A_275 = vector.load %arg7[%swap3A_273, %swap3A_274] : memref<16x128xf32, #tpu.memory_space<vmem>>, vector<1x128xf32>
    tpu.vector_store %arg7[%swap3A_273, %swap3A_274], %add3A_272 {strides = array<i32>} : memref<16x128xf32, #tpu.memory_space<vmem>>, vector<1x128xf32>,
    %eq3A_276 = arith.constant 8 : i32
    %eq3A_277 = vector.broadcast %eq3A_276 : i32 to vector<1024x1xi32>
    %eq3A_278 = arith.cmpi eq, %get3A_16, %eq3A_277 : vector<1024x1xi32>
    %jit3A_279 = arith.constant 0xFF800000 : f32
    %broadcast_in_dim3A_280 = vector.shape_cast %eq3A_278 : vector<1024x1xi1> to vector<1024x1xi1>
    %broadcast_in_dim3A_281 = vector.broadcast %broadcast_in_dim3A_280 : vector<1024x1xi1> to vector<1024x128xi1>
    %broadcast_in_dim3A_282 = vector.broadcast %jit3A_279 : f32 to vector<1024x128xf32>
    %select_n3A_283 = arith.select %broadcast_in_dim3A_281, %add3A_13, %broadcast_in_dim3A_282 : vector<1024x128xi1>, vector<1024x128xf32>
    %reduce_max3A_284 = arith.constant dense<0xFF800000> : vector<128xf32>
    %reduce_max3A_285 = vector.multi_reduction <maximumf>, %select_n3A_283, %reduce_max3A_284 [0] : vector<1024x128xf32> to vector<128xf32>
    %broadcast_in_dim3A_286 = vector.shape_cast %reduce_max3A_285 : vector<128xf32> to vector<1x128xf32>
    %jit3A_287 = arith.constant 0.000000e+00 : f32
    %broadcast_in_dim3A_288 = vector.shape_cast %eq3A_278 : vector<1024x1xi1> to vector<1024x1xi1>
    %broadcast_in_dim3A_289 = vector.broadcast %broadcast_in_dim3A_288 : vector<1024x1xi1> to vector<1024x128xi1>
    %broadcast_in_dim3A_290 = vector.broadcast %jit3A_287 : f32 to vector<1024x128xf32>
    %select_n3A_291 = arith.select %broadcast_in_dim3A_289, %add3A_13, %broadcast_in_dim3A_290 : vector<1024x128xi1>, vector<1024x128xf32>
    %reduce_sum3A_292 = arith.constant dense<0.000000e+00> : vector<128xf32>
    %reduce_sum3A_293 = vector.multi_reduction <add>, %select_n3A_291, %reduce_sum3A_292 [0] : vector<1024x128xf32> to vector<128xf32>
    %broadcast_in_dim3A_294 = vector.shape_cast %reduce_sum3A_293 : vector<128xf32> to vector<1x128xf32>
    %get3A_295 = arith.constant 8 : index
    %get3A_296 = arith.constant 0 : index
    %get3A_297 = vector.load %arg6[%get3A_295, %get3A_296] : memref<16x128xf32, #tpu.memory_space<vmem>>, vector<1x128xf32>
    %max3A_298 = arith.maximumf %get3A_297, %broadcast_in_dim3A_286 : vector<1x128xf32>
    %swap3A_299 = arith.constant 8 : index
    %swap3A_300 = arith.constant 0 : index
    %swap3A_301 = vector.load %arg6[%swap3A_299, %swap3A_300] : memref<16x128xf32, #tpu.memory_space<vmem>>, vector<1x128xf32>
    tpu.vector_store %arg6[%swap3A_299, %swap3A_300], %max3A_298 {strides = array<i32>} : memref<16x128xf32, #tpu.memory_space<vmem>>, vector<1x128xf32>,
    %get3A_302 = arith.constant 8 : index
    %get3A_303 = arith.constant 0 : index
    %get3A_304 = vector.load %arg7[%get3A_302, %get3A_303] : memref<16x128xf32, #tpu.memory_space<vmem>>, vector<1x128xf32>
    %add3A_305 = arith.addf %get3A_304, %broadcast_in_dim3A_294 : vector<1x128xf32>
    %swap3A_306 = arith.constant 8 : index
    %swap3A_307 = arith.constant 0 : index
    %swap3A_308 = vector.load %arg7[%swap3A_306, %swap3A_307] : memref<16x128xf32, #tpu.memory_space<vmem>>, vector<1x128xf32>
    tpu.vector_store %arg7[%swap3A_306, %swap3A_307], %add3A_305 {strides = array<i32>} : memref<16x128xf32, #tpu.memory_space<vmem>>, vector<1x128xf32>,
    %eq3A_309 = arith.constant 9 : i32
    %eq3A_310 = vector.broadcast %eq3A_309 : i32 to vector<1024x1xi32>
    %eq3A_311 = arith.cmpi eq, %get3A_16, %eq3A_310 : vector<1024x1xi32>
    %jit3A_312 = arith.constant 0xFF800000 : f32
    %broadcast_in_dim3A_313 = vector.shape_cast %eq3A_311 : vector<1024x1xi1> to vector<1024x1xi1>
    %broadcast_in_dim3A_314 = vector.broadcast %broadcast_in_dim3A_313 : vector<1024x1xi1> to vector<1024x128xi1>
    %broadcast_in_dim3A_315 = vector.broadcast %jit3A_312 : f32 to vector<1024x128xf32>
    %select_n3A_316 = arith.select %broadcast_in_dim3A_314, %add3A_13, %broadcast_in_dim3A_315 : vector<1024x128xi1>, vector<1024x128xf32>
    %reduce_max3A_317 = arith.constant dense<0xFF800000> : vector<128xf32>
    %reduce_max3A_318 = vector.multi_reduction <maximumf>, %select_n3A_316, %reduce_max3A_317 [0] : vector<1024x128xf32> to vector<128xf32>
    %broadcast_in_dim3A_319 = vector.shape_cast %reduce_max3A_318 : vector<128xf32> to vector<1x128xf32>
    %jit3A_320 = arith.constant 0.000000e+00 : f32
    %broadcast_in_dim3A_321 = vector.shape_cast %eq3A_311 : vector<1024x1xi1> to vector<1024x1xi1>
    %broadcast_in_dim3A_322 = vector.broadcast %broadcast_in_dim3A_321 : vector<1024x1xi1> to vector<1024x128xi1>
    %broadcast_in_dim3A_323 = vector.broadcast %jit3A_320 : f32 to vector<1024x128xf32>
    %select_n3A_324 = arith.select %broadcast_in_dim3A_322, %add3A_13, %broadcast_in_dim3A_323 : vector<1024x128xi1>, vector<1024x128xf32>
    %reduce_sum3A_325 = arith.constant dense<0.000000e+00> : vector<128xf32>
    %reduce_sum3A_326 = vector.multi_reduction <add>, %select_n3A_324, %reduce_sum3A_325 [0] : vector<1024x128xf32> to vector<128xf32>
    %broadcast_in_dim3A_327 = vector.shape_cast %reduce_sum3A_326 : vector<128xf32> to vector<1x128xf32>
    %get3A_328 = arith.constant 9 : index
    %get3A_329 = arith.constant 0 : index
    %get3A_330 = vector.load %arg6[%get3A_328, %get3A_329] : memref<16x128xf32, #tpu.memory_space<vmem>>, vector<1x128xf32>
    %max3A_331 = arith.maximumf %get3A_330, %broadcast_in_dim3A_319 : vector<1x128xf32>
    %swap3A_332 = arith.constant 9 : index
    %swap3A_333 = arith.constant 0 : index
    %swap3A_334 = vector.load %arg6[%swap3A_332, %swap3A_333] : memref<16x128xf32, #tpu.memory_space<vmem>>, vector<1x128xf32>
    tpu.vector_store %arg6[%swap3A_332, %swap3A_333], %max3A_331 {strides = array<i32>} : memref<16x128xf32, #tpu.memory_space<vmem>>, vector<1x128xf32>,
    %get3A_335 = arith.constant 9 : index
    %get3A_336 = arith.constant 0 : index
    %get3A_337 = vector.load %arg7[%get3A_335, %get3A_336] : memref<16x128xf32, #tpu.memory_space<vmem>>, vector<1x128xf32>
    %add3A_338 = arith.addf %get3A_337, %broadcast_in_dim3A_327 : vector<1x128xf32>
    %swap3A_339 = arith.constant 9 : index
    %swap3A_340 = arith.constant 0 : index
    %swap3A_341 = vector.load %arg7[%swap3A_339, %swap3A_340] : memref<16x128xf32, #tpu.memory_space<vmem>>, vector<1x128xf32>
    tpu.vector_store %arg7[%swap3A_339, %swap3A_340], %add3A_338 {strides = array<i32>} : memref<16x128xf32, #tpu.memory_space<vmem>>, vector<1x128xf32>,
    %eq3A_342 = arith.constant 10 : i32
    %eq3A_343 = vector.broadcast %eq3A_342 : i32 to vector<1024x1xi32>
    %eq3A_344 = arith.cmpi eq, %get3A_16, %eq3A_343 : vector<1024x1xi32>
    %jit3A_345 = arith.constant 0xFF800000 : f32
    %broadcast_in_dim3A_346 = vector.shape_cast %eq3A_344 : vector<1024x1xi1> to vector<1024x1xi1>
    %broadcast_in_dim3A_347 = vector.broadcast %broadcast_in_dim3A_346 : vector<1024x1xi1> to vector<1024x128xi1>
    %broadcast_in_dim3A_348 = vector.broadcast %jit3A_345 : f32 to vector<1024x128xf32>
    %select_n3A_349 = arith.select %broadcast_in_dim3A_347, %add3A_13, %broadcast_in_dim3A_348 : vector<1024x128xi1>, vector<1024x128xf32>
    %reduce_max3A_350 = arith.constant dense<0xFF800000> : vector<128xf32>
    %reduce_max3A_351 = vector.multi_reduction <maximumf>, %select_n3A_349, %reduce_max3A_350 [0] : vector<1024x128xf32> to vector<128xf32>
    %broadcast_in_dim3A_352 = vector.shape_cast %reduce_max3A_351 : vector<128xf32> to vector<1x128xf32>
    %jit3A_353 = arith.constant 0.000000e+00 : f32
    %broadcast_in_dim3A_354 = vector.shape_cast %eq3A_344 : vector<1024x1xi1> to vector<1024x1xi1>
    %broadcast_in_dim3A_355 = vector.broadcast %broadcast_in_dim3A_354 : vector<1024x1xi1> to vector<1024x128xi1>
    %broadcast_in_dim3A_356 = vector.broadcast %jit3A_353 : f32 to vector<1024x128xf32>
    %select_n3A_357 = arith.select %broadcast_in_dim3A_355, %add3A_13, %broadcast_in_dim3A_356 : vector<1024x128xi1>, vector<1024x128xf32>
    %reduce_sum3A_358 = arith.constant dense<0.000000e+00> : vector<128xf32>
    %reduce_sum3A_359 = vector.multi_reduction <add>, %select_n3A_357, %reduce_sum3A_358 [0] : vector<1024x128xf32> to vector<128xf32>
    %broadcast_in_dim3A_360 = vector.shape_cast %reduce_sum3A_359 : vector<128xf32> to vector<1x128xf32>
    %get3A_361 = arith.constant 10 : index
    %get3A_362 = arith.constant 0 : index
    %get3A_363 = vector.load %arg6[%get3A_361, %get3A_362] : memref<16x128xf32, #tpu.memory_space<vmem>>, vector<1x128xf32>
    %max3A_364 = arith.maximumf %get3A_363, %broadcast_in_dim3A_352 : vector<1x128xf32>
    %swap3A_365 = arith.constant 10 : index
    %swap3A_366 = arith.constant 0 : index
    %swap3A_367 = vector.load %arg6[%swap3A_365, %swap3A_366] : memref<16x128xf32, #tpu.memory_space<vmem>>, vector<1x128xf32>
    tpu.vector_store %arg6[%swap3A_365, %swap3A_366], %max3A_364 {strides = array<i32>} : memref<16x128xf32, #tpu.memory_space<vmem>>, vector<1x128xf32>,
    %get3A_368 = arith.constant 10 : index
    %get3A_369 = arith.constant 0 : index
    %get3A_370 = vector.load %arg7[%get3A_368, %get3A_369] : memref<16x128xf32, #tpu.memory_space<vmem>>, vector<1x128xf32>
    %add3A_371 = arith.addf %get3A_370, %broadcast_in_dim3A_360 : vector<1x128xf32>
    %swap3A_372 = arith.constant 10 : index
    %swap3A_373 = arith.constant 0 : index
    %swap3A_374 = vector.load %arg7[%swap3A_372, %swap3A_373] : memref<16x128xf32, #tpu.memory_space<vmem>>, vector<1x128xf32>
    tpu.vector_store %arg7[%swap3A_372, %swap3A_373], %add3A_371 {strides = array<i32>} : memref<16x128xf32, #tpu.memory_space<vmem>>, vector<1x128xf32>,
    %eq3A_375 = arith.constant 11 : i32
    %eq3A_376 = vector.broadcast %eq3A_375 : i32 to vector<1024x1xi32>
    %eq3A_377 = arith.cmpi eq, %get3A_16, %eq3A_376 : vector<1024x1xi32>
    %jit3A_378 = arith.constant 0xFF800000 : f32
    %broadcast_in_dim3A_379 = vector.shape_cast %eq3A_377 : vector<1024x1xi1> to vector<1024x1xi1>
    %broadcast_in_dim3A_380 = vector.broadcast %broadcast_in_dim3A_379 : vector<1024x1xi1> to vector<1024x128xi1>
    %broadcast_in_dim3A_381 = vector.broadcast %jit3A_378 : f32 to vector<1024x128xf32>
    %select_n3A_382 = arith.select %broadcast_in_dim3A_380, %add3A_13, %broadcast_in_dim3A_381 : vector<1024x128xi1>, vector<1024x128xf32>
    %reduce_max3A_383 = arith.constant dense<0xFF800000> : vector<128xf32>
    %reduce_max3A_384 = vector.multi_reduction <maximumf>, %select_n3A_382, %reduce_max3A_383 [0] : vector<1024x128xf32> to vector<128xf32>
    %broadcast_in_dim3A_385 = vector.shape_cast %reduce_max3A_384 : vector<128xf32> to vector<1x128xf32>
    %jit3A_386 = arith.constant 0.000000e+00 : f32
    %broadcast_in_dim3A_387 = vector.shape_cast %eq3A_377 : vector<1024x1xi1> to vector<1024x1xi1>
    %broadcast_in_dim3A_388 = vector.broadcast %broadcast_in_dim3A_387 : vector<1024x1xi1> to vector<1024x128xi1>
    %broadcast_in_dim3A_389 = vector.broadcast %jit3A_386 : f32 to vector<1024x128xf32>
    %select_n3A_390 = arith.select %broadcast_in_dim3A_388, %add3A_13, %broadcast_in_dim3A_389 : vector<1024x128xi1>, vector<1024x128xf32>
    %reduce_sum3A_391 = arith.constant dense<0.000000e+00> : vector<128xf32>
    %reduce_sum3A_392 = vector.multi_reduction <add>, %select_n3A_390, %reduce_sum3A_391 [0] : vector<1024x128xf32> to vector<128xf32>
    %broadcast_in_dim3A_393 = vector.shape_cast %reduce_sum3A_392 : vector<128xf32> to vector<1x128xf32>
    %get3A_394 = arith.constant 11 : index
    %get3A_395 = arith.constant 0 : index
    %get3A_396 = vector.load %arg6[%get3A_394, %get3A_395] : memref<16x128xf32, #tpu.memory_space<vmem>>, vector<1x128xf32>
    %max3A_397 = arith.maximumf %get3A_396, %broadcast_in_dim3A_385 : vector<1x128xf32>
    %swap3A_398 = arith.constant 11 : index
    %swap3A_399 = arith.constant 0 : index
    %swap3A_400 = vector.load %arg6[%swap3A_398, %swap3A_399] : memref<16x128xf32, #tpu.memory_space<vmem>>, vector<1x128xf32>
    tpu.vector_store %arg6[%swap3A_398, %swap3A_399], %max3A_397 {strides = array<i32>} : memref<16x128xf32, #tpu.memory_space<vmem>>, vector<1x128xf32>,
    %get3A_401 = arith.constant 11 : index
    %get3A_402 = arith.constant 0 : index
    %get3A_403 = vector.load %arg7[%get3A_401, %get3A_402] : memref<16x128xf32, #tpu.memory_space<vmem>>, vector<1x128xf32>
    %add3A_404 = arith.addf %get3A_403, %broadcast_in_dim3A_393 : vector<1x128xf32>
    %swap3A_405 = arith.constant 11 : index
    %swap3A_406 = arith.constant 0 : index
    %swap3A_407 = vector.load %arg7[%swap3A_405, %swap3A_406] : memref<16x128xf32, #tpu.memory_space<vmem>>, vector<1x128xf32>
    tpu.vector_store %arg7[%swap3A_405, %swap3A_406], %add3A_404 {strides = array<i32>} : memref<16x128xf32, #tpu.memory_space<vmem>>, vector<1x128xf32>,
    %eq3A_408 = arith.constant 12 : i32
    %eq3A_409 = vector.broadcast %eq3A_408 : i32 to vector<1024x1xi32>
    %eq3A_410 = arith.cmpi eq, %get3A_16, %eq3A_409 : vector<1024x1xi32>
    %jit3A_411 = arith.constant 0xFF800000 : f32
    %broadcast_in_dim3A_412 = vector.shape_cast %eq3A_410 : vector<1024x1xi1> to vector<1024x1xi1>
    %broadcast_in_dim3A_413 = vector.broadcast %broadcast_in_dim3A_412 : vector<1024x1xi1> to vector<1024x128xi1>
    %broadcast_in_dim3A_414 = vector.broadcast %jit3A_411 : f32 to vector<1024x128xf32>
    %select_n3A_415 = arith.select %broadcast_in_dim3A_413, %add3A_13, %broadcast_in_dim3A_414 : vector<1024x128xi1>, vector<1024x128xf32>
    %reduce_max3A_416 = arith.constant dense<0xFF800000> : vector<128xf32>
    %reduce_max3A_417 = vector.multi_reduction <maximumf>, %select_n3A_415, %reduce_max3A_416 [0] : vector<1024x128xf32> to vector<128xf32>
    %broadcast_in_dim3A_418 = vector.shape_cast %reduce_max3A_417 : vector<128xf32> to vector<1x128xf32>
    %jit3A_419 = arith.constant 0.000000e+00 : f32
    %broadcast_in_dim3A_420 = vector.shape_cast %eq3A_410 : vector<1024x1xi1> to vector<1024x1xi1>
    %broadcast_in_dim3A_421 = vector.broadcast %broadcast_in_dim3A_420 : vector<1024x1xi1> to vector<1024x128xi1>
    %broadcast_in_dim3A_422 = vector.broadcast %jit3A_419 : f32 to vector<1024x128xf32>
    %select_n3A_423 = arith.select %broadcast_in_dim3A_421, %add3A_13, %broadcast_in_dim3A_422 : vector<1024x128xi1>, vector<1024x128xf32>
    %reduce_sum3A_424 = arith.constant dense<0.000000e+00> : vector<128xf32>
    %reduce_sum3A_425 = vector.multi_reduction <add>, %select_n3A_423, %reduce_sum3A_424 [0] : vector<1024x128xf32> to vector<128xf32>
    %broadcast_in_dim3A_426 = vector.shape_cast %reduce_sum3A_425 : vector<128xf32> to vector<1x128xf32>
    %get3A_427 = arith.constant 12 : index
    %get3A_428 = arith.constant 0 : index
    %get3A_429 = vector.load %arg6[%get3A_427, %get3A_428] : memref<16x128xf32, #tpu.memory_space<vmem>>, vector<1x128xf32>
    %max3A_430 = arith.maximumf %get3A_429, %broadcast_in_dim3A_418 : vector<1x128xf32>
    %swap3A_431 = arith.constant 12 : index
    %swap3A_432 = arith.constant 0 : index
    %swap3A_433 = vector.load %arg6[%swap3A_431, %swap3A_432] : memref<16x128xf32, #tpu.memory_space<vmem>>, vector<1x128xf32>
    tpu.vector_store %arg6[%swap3A_431, %swap3A_432], %max3A_430 {strides = array<i32>} : memref<16x128xf32, #tpu.memory_space<vmem>>, vector<1x128xf32>,
    %get3A_434 = arith.constant 12 : index
    %get3A_435 = arith.constant 0 : index
    %get3A_436 = vector.load %arg7[%get3A_434, %get3A_435] : memref<16x128xf32, #tpu.memory_space<vmem>>, vector<1x128xf32>
    %add3A_437 = arith.addf %get3A_436, %broadcast_in_dim3A_426 : vector<1x128xf32>
    %swap3A_438 = arith.constant 12 : index
    %swap3A_439 = arith.constant 0 : index
    %swap3A_440 = vector.load %arg7[%swap3A_438, %swap3A_439] : memref<16x128xf32, #tpu.memory_space<vmem>>, vector<1x128xf32>
    tpu.vector_store %arg7[%swap3A_438, %swap3A_439], %add3A_437 {strides = array<i32>} : memref<16x128xf32, #tpu.memory_space<vmem>>, vector<1x128xf32>,
    %eq3A_441 = arith.constant 13 : i32
    %eq3A_442 = vector.broadcast %eq3A_441 : i32 to vector<1024x1xi32>
    %eq3A_443 = arith.cmpi eq, %get3A_16, %eq3A_442 : vector<1024x1xi32>
    %jit3A_444 = arith.constant 0xFF800000 : f32
    %broadcast_in_dim3A_445 = vector.shape_cast %eq3A_443 : vector<1024x1xi1> to vector<1024x1xi1>
    %broadcast_in_dim3A_446 = vector.broadcast %broadcast_in_dim3A_445 : vector<1024x1xi1> to vector<1024x128xi1>
    %broadcast_in_dim3A_447 = vector.broadcast %jit3A_444 : f32 to vector<1024x128xf32>
    %select_n3A_448 = arith.select %broadcast_in_dim3A_446, %add3A_13, %broadcast_in_dim3A_447 : vector<1024x128xi1>, vector<1024x128xf32>
    %reduce_max3A_449 = arith.constant dense<0xFF800000> : vector<128xf32>
    %reduce_max3A_450 = vector.multi_reduction <maximumf>, %select_n3A_448, %reduce_max3A_449 [0] : vector<1024x128xf32> to vector<128xf32>
    %broadcast_in_dim3A_451 = vector.shape_cast %reduce_max3A_450 : vector<128xf32> to vector<1x128xf32>
    %jit3A_452 = arith.constant 0.000000e+00 : f32
    %broadcast_in_dim3A_453 = vector.shape_cast %eq3A_443 : vector<1024x1xi1> to vector<1024x1xi1>
    %broadcast_in_dim3A_454 = vector.broadcast %broadcast_in_dim3A_453 : vector<1024x1xi1> to vector<1024x128xi1>
    %broadcast_in_dim3A_455 = vector.broadcast %jit3A_452 : f32 to vector<1024x128xf32>
    %select_n3A_456 = arith.select %broadcast_in_dim3A_454, %add3A_13, %broadcast_in_dim3A_455 : vector<1024x128xi1>, vector<1024x128xf32>
    %reduce_sum3A_457 = arith.constant dense<0.000000e+00> : vector<128xf32>
    %reduce_sum3A_458 = vector.multi_reduction <add>, %select_n3A_456, %reduce_sum3A_457 [0] : vector<1024x128xf32> to vector<128xf32>
    %broadcast_in_dim3A_459 = vector.shape_cast %reduce_sum3A_458 : vector<128xf32> to vector<1x128xf32>
    %get3A_460 = arith.constant 13 : index
    %get3A_461 = arith.constant 0 : index
    %get3A_462 = vector.load %arg6[%get3A_460, %get3A_461] : memref<16x128xf32, #tpu.memory_space<vmem>>, vector<1x128xf32>
    %max3A_463 = arith.maximumf %get3A_462, %broadcast_in_dim3A_451 : vector<1x128xf32>
    %swap3A_464 = arith.constant 13 : index
    %swap3A_465 = arith.constant 0 : index
    %swap3A_466 = vector.load %arg6[%swap3A_464, %swap3A_465] : memref<16x128xf32, #tpu.memory_space<vmem>>, vector<1x128xf32>
    tpu.vector_store %arg6[%swap3A_464, %swap3A_465], %max3A_463 {strides = array<i32>} : memref<16x128xf32, #tpu.memory_space<vmem>>, vector<1x128xf32>,
    %get3A_467 = arith.constant 13 : index
    %get3A_468 = arith.constant 0 : index
    %get3A_469 = vector.load %arg7[%get3A_467, %get3A_468] : memref<16x128xf32, #tpu.memory_space<vmem>>, vector<1x128xf32>
    %add3A_470 = arith.addf %get3A_469, %broadcast_in_dim3A_459 : vector<1x128xf32>
    %swap3A_471 = arith.constant 13 : index
    %swap3A_472 = arith.constant 0 : index
    %swap3A_473 = vector.load %arg7[%swap3A_471, %swap3A_472] : memref<16x128xf32, #tpu.memory_space<vmem>>, vector<1x128xf32>
    tpu.vector_store %arg7[%swap3A_471, %swap3A_472], %add3A_470 {strides = array<i32>} : memref<16x128xf32, #tpu.memory_space<vmem>>, vector<1x128xf32>,
    %eq3A_474 = arith.constant 14 : i32
    %eq3A_475 = vector.broadcast %eq3A_474 : i32 to vector<1024x1xi32>
    %eq3A_476 = arith.cmpi eq, %get3A_16, %eq3A_475 : vector<1024x1xi32>
    %jit3A_477 = arith.constant 0xFF800000 : f32
    %broadcast_in_dim3A_478 = vector.shape_cast %eq3A_476 : vector<1024x1xi1> to vector<1024x1xi1>
    %broadcast_in_dim3A_479 = vector.broadcast %broadcast_in_dim3A_478 : vector<1024x1xi1> to vector<1024x128xi1>
    %broadcast_in_dim3A_480 = vector.broadcast %jit3A_477 : f32 to vector<1024x128xf32>
    %select_n3A_481 = arith.select %broadcast_in_dim3A_479, %add3A_13, %broadcast_in_dim3A_480 : vector<1024x128xi1>, vector<1024x128xf32>
    %reduce_max3A_482 = arith.constant dense<0xFF800000> : vector<128xf32>
    %reduce_max3A_483 = vector.multi_reduction <maximumf>, %select_n3A_481, %reduce_max3A_482 [0] : vector<1024x128xf32> to vector<128xf32>
    %broadcast_in_dim3A_484 = vector.shape_cast %reduce_max3A_483 : vector<128xf32> to vector<1x128xf32>
    %jit3A_485 = arith.constant 0.000000e+00 : f32
    %broadcast_in_dim3A_486 = vector.shape_cast %eq3A_476 : vector<1024x1xi1> to vector<1024x1xi1>
    %broadcast_in_dim3A_487 = vector.broadcast %broadcast_in_dim3A_486 : vector<1024x1xi1> to vector<1024x128xi1>
    %broadcast_in_dim3A_488 = vector.broadcast %jit3A_485 : f32 to vector<1024x128xf32>
    %select_n3A_489 = arith.select %broadcast_in_dim3A_487, %add3A_13, %broadcast_in_dim3A_488 : vector<1024x128xi1>, vector<1024x128xf32>
    %reduce_sum3A_490 = arith.constant dense<0.000000e+00> : vector<128xf32>
    %reduce_sum3A_491 = vector.multi_reduction <add>, %select_n3A_489, %reduce_sum3A_490 [0] : vector<1024x128xf32> to vector<128xf32>
    %broadcast_in_dim3A_492 = vector.shape_cast %reduce_sum3A_491 : vector<128xf32> to vector<1x128xf32>
    %get3A_493 = arith.constant 14 : index
    %get3A_494 = arith.constant 0 : index
    %get3A_495 = vector.load %arg6[%get3A_493, %get3A_494] : memref<16x128xf32, #tpu.memory_space<vmem>>, vector<1x128xf32>
    %max3A_496 = arith.maximumf %get3A_495, %broadcast_in_dim3A_484 : vector<1x128xf32>
    %swap3A_497 = arith.constant 14 : index
    %swap3A_498 = arith.constant 0 : index
    %swap3A_499 = vector.load %arg6[%swap3A_497, %swap3A_498] : memref<16x128xf32, #tpu.memory_space<vmem>>, vector<1x128xf32>
    tpu.vector_store %arg6[%swap3A_497, %swap3A_498], %max3A_496 {strides = array<i32>} : memref<16x128xf32, #tpu.memory_space<vmem>>, vector<1x128xf32>,
    %get3A_500 = arith.constant 14 : index
    %get3A_501 = arith.constant 0 : index
    %get3A_502 = vector.load %arg7[%get3A_500, %get3A_501] : memref<16x128xf32, #tpu.memory_space<vmem>>, vector<1x128xf32>
    %add3A_503 = arith.addf %get3A_502, %broadcast_in_dim3A_492 : vector<1x128xf32>
    %swap3A_504 = arith.constant 14 : index
    %swap3A_505 = arith.constant 0 : index
    %swap3A_506 = vector.load %arg7[%swap3A_504, %swap3A_505] : memref<16x128xf32, #tpu.memory_space<vmem>>, vector<1x128xf32>
    tpu.vector_store %arg7[%swap3A_504, %swap3A_505], %add3A_503 {strides = array<i32>} : memref<16x128xf32, #tpu.memory_space<vmem>>, vector<1x128xf32>,
    %eq3A_507 = arith.constant 15 : i32
    %eq3A_508 = vector.broadcast %eq3A_507 : i32 to vector<1024x1xi32>
    %eq3A_509 = arith.cmpi eq, %get3A_16, %eq3A_508 : vector<1024x1xi32>
    %jit3A_510 = arith.constant 0xFF800000 : f32
    %broadcast_in_dim3A_511 = vector.shape_cast %eq3A_509 : vector<1024x1xi1> to vector<1024x1xi1>
    %broadcast_in_dim3A_512 = vector.broadcast %broadcast_in_dim3A_511 : vector<1024x1xi1> to vector<1024x128xi1>
    %broadcast_in_dim3A_513 = vector.broadcast %jit3A_510 : f32 to vector<1024x128xf32>
    %select_n3A_514 = arith.select %broadcast_in_dim3A_512, %add3A_13, %broadcast_in_dim3A_513 : vector<1024x128xi1>, vector<1024x128xf32>
    %reduce_max3A_515 = arith.constant dense<0xFF800000> : vector<128xf32>
    %reduce_max3A_516 = vector.multi_reduction <maximumf>, %select_n3A_514, %reduce_max3A_515 [0] : vector<1024x128xf32> to vector<128xf32>
    %broadcast_in_dim3A_517 = vector.shape_cast %reduce_max3A_516 : vector<128xf32> to vector<1x128xf32>
    %jit3A_518 = arith.constant 0.000000e+00 : f32
    %broadcast_in_dim3A_519 = vector.shape_cast %eq3A_509 : vector<1024x1xi1> to vector<1024x1xi1>
    %broadcast_in_dim3A_520 = vector.broadcast %broadcast_in_dim3A_519 : vector<1024x1xi1> to vector<1024x128xi1>
    %broadcast_in_dim3A_521 = vector.broadcast %jit3A_518 : f32 to vector<1024x128xf32>
    %select_n3A_522 = arith.select %broadcast_in_dim3A_520, %add3A_13, %broadcast_in_dim3A_521 : vector<1024x128xi1>, vector<1024x128xf32>
    %reduce_sum3A_523 = arith.constant dense<0.000000e+00> : vector<128xf32>
    %reduce_sum3A_524 = vector.multi_reduction <add>, %select_n3A_522, %reduce_sum3A_523 [0] : vector<1024x128xf32> to vector<128xf32>
    %broadcast_in_dim3A_525 = vector.shape_cast %reduce_sum3A_524 : vector<128xf32> to vector<1x128xf32>
    %get3A_526 = arith.constant 15 : index
    %get3A_527 = arith.constant 0 : index
    %get3A_528 = vector.load %arg6[%get3A_526, %get3A_527] : memref<16x128xf32, #tpu.memory_space<vmem>>, vector<1x128xf32>
    %max3A_529 = arith.maximumf %get3A_528, %broadcast_in_dim3A_517 : vector<1x128xf32>
    %swap3A_530 = arith.constant 15 : index
    %swap3A_531 = arith.constant 0 : index
    %swap3A_532 = vector.load %arg6[%swap3A_530, %swap3A_531] : memref<16x128xf32, #tpu.memory_space<vmem>>, vector<1x128xf32>
    tpu.vector_store %arg6[%swap3A_530, %swap3A_531], %max3A_529 {strides = array<i32>} : memref<16x128xf32, #tpu.memory_space<vmem>>, vector<1x128xf32>,
    %get3A_533 = arith.constant 15 : index
    %get3A_534 = arith.constant 0 : index
    %get3A_535 = vector.load %arg7[%get3A_533, %get3A_534] : memref<16x128xf32, #tpu.memory_space<vmem>>, vector<1x128xf32>
    %add3A_536 = arith.addf %get3A_535, %broadcast_in_dim3A_525 : vector<1x128xf32>
    %swap3A_537 = arith.constant 15 : index
    %swap3A_538 = arith.constant 0 : index
    %swap3A_539 = vector.load %arg7[%swap3A_537, %swap3A_538] : memref<16x128xf32, #tpu.memory_space<vmem>>, vector<1x128xf32>
    tpu.vector_store %arg7[%swap3A_537, %swap3A_538], %add3A_536 {strides = array<i32>} : memref<16x128xf32, #tpu.memory_space<vmem>>, vector<1x128xf32>,
    %eq3A_540 = arith.constant 9 : i32
    %eq3A_541 = arith.cmpi eq, %arg0, %eq3A_540 : i32
    %convert_element_type3A_542 = arith.extui %eq3A_541 : i1 to i32
    %cond3A_543 = arith.constant 0 : i32
    %cond3A_544 = arith.cmpi ne, %convert_element_type3A_542, %cond3A_543 : i32
    scf.if %cond3A_544 {
      %get3A_545 = arith.constant 0 : index
      %get3A_546 = arith.constant 0 : index
      %get3A_547 = vector.load %arg6[%get3A_545, %get3A_546] : memref<16x128xf32, #tpu.memory_space<vmem>>, vector<16x128xf32>
      %mul3A_548 = arith.constant 1.000000e+03 : f32
      %mul3A_549 = vector.broadcast %mul3A_548 : f32 to vector<16x128xf32>
      %mul3A_550 = arith.mulf %get3A_547, %mul3A_549 : vector<16x128xf32>
      %round3A = math.roundeven %mul3A_550 : vector<16x128xf32>
      %div3A = arith.constant 1.000000e+03 : f32
      %div3A_551 = vector.broadcast %div3A : f32 to vector<16x128xf32>
      %div3A_552 = arith.divf %round3A, %div3A_551 : vector<16x128xf32>
      %swap3A_553 = arith.constant 0 : index
      %swap3A_554 = arith.constant 0 : index
      %swap3A_555 = vector.load %arg6[%swap3A_553, %swap3A_554] : memref<16x128xf32, #tpu.memory_space<vmem>>, vector<16x128xf32>
      tpu.vector_store %arg6[%swap3A_553, %swap3A_554], %div3A_552 {strides = array<i32>} : memref<16x128xf32, #tpu.memory_space<vmem>>, vector<16x128xf32>,
      %get3A_556 = arith.constant 0 : index
      %get3A_557 = arith.constant 0 : index
      %get3A_558 = vector.load %arg7[%get3A_556, %get3A_557] : memref<16x128xf32, #tpu.memory_space<vmem>>, vector<16x128xf32>
      %mul3A_559 = arith.constant 1.000000e+03 : f32
      %mul3A_560 = vector.broadcast %mul3A_559 : f32 to vector<16x128xf32>
      %mul3A_561 = arith.mulf %get3A_558, %mul3A_560 : vector<16x128xf32>
      %round3A_562 = math.roundeven %mul3A_561 : vector<16x128xf32>
      %div3A_563 = arith.constant 1.000000e+03 : f32
      %div3A_564 = vector.broadcast %div3A_563 : f32 to vector<16x128xf32>
      %div3A_565 = arith.divf %round3A_562, %div3A_564 : vector<16x128xf32>
      %swap3A_566 = arith.constant 0 : index
      %swap3A_567 = arith.constant 0 : index
      %swap3A_568 = vector.load %arg7[%swap3A_566, %swap3A_567] : memref<16x128xf32, #tpu.memory_space<vmem>>, vector<16x128xf32>
      tpu.vector_store %arg7[%swap3A_566, %swap3A_567], %div3A_565 {strides = array<i32>} : memref<16x128xf32, #tpu.memory_space<vmem>>, vector<16x128xf32>,
    } else {
    }
    return
  }
  func.func @transform_0(%arg0: i32) -> (i32, i32) {
    %c0_i32 = arith.constant 0 : i32
    %c0_i32_0 = arith.constant 0 : i32
    return %arg0, %c0_i32 : i32, i32
  }
  func.func @transform_1(%arg0: i32) -> (i32, i32) {
    %c0_i32 = arith.constant 0 : i32
    %c0_i32_0 = arith.constant 0 : i32
    return %arg0, %c0_i32 : i32, i32
  }
  func.func @transform_2(%arg0: i32) -> (i32, i32) {
    %c0_i32 = arith.constant 0 : i32
    %c0_i32_0 = arith.constant 0 : i32
    return %arg0, %c0_i32 : i32, i32
  }
  func.func @transform_3(%arg0: i32) -> (i32, i32) {
    %c0_i32 = arith.constant 0 : i32
    %c0_i32_0 = arith.constant 0 : i32
    %c0_i32_1 = arith.constant 0 : i32
    return %c0_i32, %c0_i32_0 : i32, i32
  }
  func.func @transform_4(%arg0: i32) -> (i32, i32) {
    %c0_i32 = arith.constant 0 : i32
    %c0_i32_0 = arith.constant 0 : i32
    return %arg0, %c0_i32 : i32, i32
  }
  func.func @transform_5(%arg0: i32) -> (i32, i32) {
    %c0_i32 = arith.constant 0 : i32
    %c0_i32_0 = arith.constant 0 : i32
    %c0_i32_1 = arith.constant 0 : i32
    return %c0_i32, %c0_i32_0 : i32, i32
  }
  func.func @transform_6(%arg0: i32) -> (i32, i32) {
    %c0_i32 = arith.constant 0 : i32
    %c0_i32_0 = arith.constant 0 : i32
    %c0_i32_1 = arith.constant 0 : i32
    return %c0_i32, %c0_i32_0 : i32, i32
  }
}

</mosaic_0001>

<sc_bundles>
// kernel: kernel.11.cloned.1.call-start
scs
__scs_entry_jumppad:
0x0: {  	(pc) =	sbr.rel $0x88, $3  }
0x1: {  	(tag) =	ssettag $0x0;
	lr =	simm.s32 $0x1  }
0x2: {  	[smem:$0x3F97] =	sst lr;
	_ =	strace $0xD0000000  }
0x3: {  	_ = 	snop  }
0x4: {  	_ = 	snop  }
0x5: {  	_ = 	snop  }
0x6: {  	_ = 	snop  }
0x7: {  	_ = 	snop  }
__scs_overlays_trampoline_lowered:
0x8: {  	[smem:$0x3FA6] =	sst s0  }
0x9: {  	[smem:$0x3FA7] =	sst s1  }
0xa: {  	[smem:$0x3FA8] =	sst s2  }
0xb: {  	[smem:$0x3FA9] =	sst s3  }
0xc: {  	[smem:$0x3FAA] =	sst s4  }
0xd: {  	[smem:$0x3FAB] =	sst s5  }
0xe: {  	[smem:$0x3FAC] =	sst s6  }
0xf: {  	[smem:$0x3FAD] =	sst s7  }
0x10: {  	[smem:$0x3FAE] =	sst s8  }
0x11: {  	[smem:$0x3FAF] =	sst s9;
	s0 =	simm.s32 @!p0 $0x0  }
0x12: {  	s1 =	sld [smem:$0x3F95];
	s0 =	simm.s32 @p0 $0x1  }
0x13: {  	[smem:$0x3FB0] =	sst s0;
	s0 =	simm.s32 @!p1 $0x0  }
0x14: {  	s2 =	sld [smem:$0x3F94];
	s0 =	simm.s32 @p1 $0x1  }
0x15: {  	[smem:$0x3FB1] =	sst s0;
	s0 =	simm.s32 @!p2 $0x0  }
0x16: {  	s3 =	sld [smem:$0x3FDB];
	s0 =	simm.s32 @p2 $0x1  }
0x17: {  	s4 =	simm.s32 $0x1BF5;
	[smem:$0x3FB3] =	sst s0  }
0x18: {  	s0 =	sld [smem:$0x3F96];
	_ =	swait.ge [sflag:s4], $0x0  }
0x19: {  	s7 =	sld [smem:$0x3F97]  }
0x1a: {  	s8 =	sadd.s32 $0xFFFFE003, lr  }
0x1b: {  	s9 =	sadd.s32 $0xFFFFFEF7, lr;
	s5 =	simm.s32 $0xFFFFFFFF;
	p2 =	slt.u32 s8, $0xFFFFF086  }
0x1c: {  	p1 =	slt.u32 s9, $0xF7A;
	s5 =	simm.s32 @!p2 $0x0  }
0x1d: {  	s5 =	simm.s32 @p1 $0x1;
	p0 =	seq.s32 s7, s2  }
0x1e: {  	s7 =	smul.u32 @!p0 $0xF7A, s2;
	p2 =	seq.s32 @!p0 s5, $0x0  }
0x1f: {  	s9 =	smul.u32 $0xF7A, s1;
	s8 =	simm.s32 @!p0 $0x1BF5;
	p2 =	por !p2, p0  }
0x20: {  	[sflag:s8] =	ssyncset.s32 @!p0 $0xFFFFF086;
	s6 =	sadd.s32 @!p0 s3, s7;
	s7 =	simm.s32 @!p0 $0x108  }
0x21: {  	s3 =	sadd.s32 s3, s9;
	s6 =	sadd.s32 @!p0 $0x88, s6;
	s7 =	simm.s32 @p2 $0x1082  }
0x22: {  	[simem:s7], [sflag:s8] =	dma.local @!p0 [hbm:s6], $0xF7A  }
0x23: {  	s9 =	sor.u32 $0xD0000000, s2;
	s6 =	simm.s32 $0x108;
	_ =	swait.ge @!p0 [sflag:s8], $0x0  }
0x24: {  	s3 =	sadd.s32 $0x88, s3;
	s6 =	simm.s32 @!p1 $0x1082;
	[sflag:s4] =	ssyncset.s32 $0xFFFFF086  }
0x25: {  	[simem:s6], [sflag:s4] =	dma.local [hbm:s3], $0xF7A  }
0x26: {  	[smem:$0x3F97] =	sst s1;
	(tag) =	ssettag s2;
	_ =	strace s9  }
0x27: {  	s1 =	sld [smem:$0x3FA7]  }
0x28: {  	s2 =	sld [smem:$0x3FA8]  }
0x29: {  	s4 =	sld [smem:$0x3FAA]  }
0x2a: {  	p0 =	seq.s32 s5, $0x0;
	s5 =	sld [smem:$0x3FAB]  }
0x2b: {  	s6 =	sld [smem:$0x3FAC]  }
0x2c: {  	s7 =	sld [smem:$0x3FAD]  }
0x2d: {  	s3 =	simm.s32 $0x108;
	s8 =	sld [smem:$0x3FAE]  }
0x2e: {  	s3 =	simm.s32 @!p0 $0x1082;
	s9 =	sld [smem:$0x3FAF]  }
0x2f: {  	lr =	sadd.s32 s0, s3;
	s0 =	sld [smem:$0x3FA6]  }
0x30: {  	s3 =	sld [smem:$0x3FA9]  }
0x31: {  	[smem:$0x3FB2] =	sst s10  }
0x32: {  	s10 =	sld [smem:$0x3FB0];
	_ =	sdelay $0x3  }
0x33: {  	p0 =	seq.s32 s10, $0x1;
	s10 =	sld [smem:$0x3FB2];
	_ =	sdelay $0x3  }
0x34: {  	[smem:$0x3FB2] =	sst s10  }
0x35: {  	s10 =	sld [smem:$0x3FB1];
	_ =	sdelay $0x3  }
0x36: {  	p1 =	seq.s32 s10, $0x1;
	s10 =	sld [smem:$0x3FB2];
	_ =	sdelay $0x3  }
0x37: {  	[smem:$0x3FB2] =	sst s10  }
0x38: {  	s10 =	sld [smem:$0x3FB3]  }
0x39: {  	_ = 	snop;
	(pc) =	sbr.ind lr, $3  }
0x3a: {  	_ = 	snop  }
0x3b: {  	_ = 	snop  }
0x3c: {  	p2 =	seq.s32 s10, $0x1;
	s10 =	sld [smem:$0x3FB2]  }
0x3d: {  	_ =	shalt  }
0x3e: {  	_ =	shalt  }
0x3f: {  	_ =	shalt  }
0x40: {  	_ =	shalt  }
0x41: {  	_ =	shalt  }
0x42: {  	_ =	shalt  }
0x43: {  	_ =	shalt  }
0x44: {  	_ =	shalt  }
0x45: {  	_ =	shalt  }
0x46: {  	_ =	shalt  }
0x47: {  	_ =	shalt  }
0x48: {  	_ =	shalt  }
0x49: {  	_ =	shalt  }
0x4a: {  	_ =	shalt  }
0x4b: {  	_ =	shalt  }
0x4c: {  	_ =	shalt  }
0x4d: {  	_ =	shalt  }
0x4e: {  	_ =	shalt  }
0x4f: {  	_ =	shalt  }
0x50: {  	_ =	shalt  }
0x51: {  	_ =	shalt  }
0x52: {  	_ =	shalt  }
0x53: {  	_ =	shalt  }
0x54: {  	_ =	shalt  }
0x55: {  	_ =	shalt  }
0x56: {  	_ =	shalt  }
0x57: {  	_ =	shalt  }
0x58: {  	_ =	shalt  }
0x59: {  	_ =	shalt  }
0x5a: {  	_ =	shalt  }
0x5b: {  	_ =	shalt  }
0x5c: {  	_ =	shalt  }
0x5d: {  	_ =	shalt  }
0x5e: {  	_ =	shalt  }
0x5f: {  	_ =	shalt  }
0x60: {  	_ =	shalt  }
0x61: {  	_ =	shalt  }
0x62: {  	_ =	shalt  }
0x63: {  	_ =	shalt  }
0x64: {  	_ =	shalt  }
0x65: {  	_ =	shalt  }
0x66: {  	_ =	shalt  }
0x67: {  	_ =	shalt  }
0x68: {  	_ =	shalt  }
0x69: {  	_ =	shalt  }
0x6a: {  	_ =	shalt  }
0x6b: {  	_ =	shalt  }
0x6c: {  	_ =	shalt  }
0x6d: {  	_ =	shalt  }
0x6e: {  	_ =	shalt  }
0x6f: {  	_ =	shalt  }
0x70: {  	_ =	shalt  }
0x71: {  	_ =	shalt  }
0x72: {  	_ =	shalt  }
0x73: {  	_ =	shalt  }
0x74: {  	_ =	shalt  }
0x75: {  	_ =	shalt  }
0x76: {  	_ =	shalt  }
0x77: {  	_ =	shalt  }
0x78: {  	_ =	shalt  }
0x79: {  	_ =	shalt  }
0x7a: {  	_ =	shalt  }
0x7b: {  	_ =	shalt  }
0x7c: {  	_ =	shalt  }
0x7d: {  	_ =	shalt  }
0x7e: {  	_ =	shalt  }
0x7f: {  	_ =	shalt  }
0x80: {  	_ =	shalt  }
0x81: {  	_ =	shalt  }
0x82: {  	_ =	shalt  }
0x83: {  	_ =	shalt  }
0x84: {  	_ =	shalt  }
0x85: {  	_ =	shalt  }
0x86: {  	_ =	shalt  }
0x87: {  	_ =	shalt  }
.Lfunc_end0:
.L_simem_size_0:
called_computation.1_lowered:
.L_overlay_start_0:
0x88: {  	s2 =	sld [smem:$0x3FD9]  }
0x89: {  	s3 =	sld [smem:$0x3FFE];
	_ =	sdelay $0x1  }
0x8a: {  	s1 =	srdreg.scid  }
0x8b: {  	s0 =	sand.u32 $0x1, s1  }
0x8c: {  	s16 =	sshll.u32 s0, $0xA;
	s2 =	sadd.s32 s3, s2  }
0x8d: {  	s2 =	sadd.s32 s2, s16  }
0x8e: {  	[smem:$0x3FBE] =	sst s2  }
0x8f: {  	_ = 	snop  }
0x90: {  	(tm) =	ssettm $0x1  }
0x91: {  	s17 =	sld [smem:$0x3FFB];
	_ =	sdelay $0x3  }
0x92: {  	_ =	strace s17  }
0x93: {  	s2 =	sld [smem:$0x3FFC];
	_ =	sdelay $0x3  }
0x94: {  	_ =	strace s2  }
0x95: {  	s2 =	sld [smem:$0x3FFD];
	_ =	sdelay $0x3  }
0x96: {  	_ =	strace s2  }
0x97: {  	_ =	strace $0x8FFFFFFF  }
0x98: {  	s18 =	sld [smem:$0x3FDB];
	_ =	sdelay $0x1  }
0x99: {  	s19 =	simm.s32 $_scs_section_size  }
0x9a: {  	s4 =	simm.s32 $_size__tile_overlayer_lowered;
	s5 =	simm.s32 $_tile_overlayer_lowered  }
0x9b: {  	s22 =	simm.s32 $0x1BFF;
	s21 =	sshll.u32 s5, $0x1;
	s2 =	sadd.s32 s19, s18  }
0x9c: {  	s6 =	simm.s32 $0x0;
	s20 =	sshll.u32 s4, $0x1;
	s4 =	sadd.s32 s21, s2  }
0x9d: {  	[timem:s6], [sflag:s22] =	dma.local [hbm:s4], s20  }
0x9e: {  	_ =	swait.ge [sflag:s22], s20  }
0x9f: {  	s3 =	ssub.s32 $0x0, s20;
	[sflag:s22] =	ssyncset.done $0x0  }
0xa0: {  	[sflag:s22] =	ssyncadd.s32 s3;
	_ =	sdelay $0x1  }
0xa1: {  	s23 =	simm.s32 $0x1B8B  }
0xa2: {  	_ =	swait.ge [sflag:s23], $0x1  }
0xa3: {  	[sflag:s23] =	ssyncset.done $0x0  }
0xa4: {  	s25 =	simm.s32 $0x1B8E;
	s24 =	sld [smem:$0x3FFE];
	[sflag:s23] =	ssyncadd.s32 $0xFFFFFFFF  }
0xa5: {  	s26 =	simm.s32 $execute0_lowered;
	[smem:$0x3FD2] =	sst s25  }
0xa6: {  	s4 =	sshll.u32 s26, $0x1;
	_ =	strace $0x80000049;
	[dreg:$0x1] =	wrdreg $0xFFFFFFFF  }
0xa7: {  	s28 =	simm.s32 $_size_execute0_lowered;
	s2 =	sadd.s32 s2, s4;
	[dreg:$0x0] =	wrdreg $0x0  }
0xa8: {  	s4 =	sshll.u32 s28, $0x1;
	[dreg:$0x2] =	wrdreg s2  }
0xa9: {  	[dreg:$0x3] =	wrdreg s4  }
0xaa: {  	[dreg:$0x4] =	wrdreg $0xC0  }
0xab: {  	_ =	task [dreg:s6], $0x5FFFF  }
0xac: {  	[dreg:$0x1] =	wrdreg $0xFFFFFFFF  }
0xad: {  	[dreg:$0x0] =	wrdreg $0x60  }
0xae: {  	[dreg:$0x2] =	wrdreg s24  }
0xaf: {  	[dreg:$0x3] =	wrdreg $0xA8000  }
0xb0: {  	[dreg:$0x4] =	wrdreg $0x9  }
0xb1: {  	_ =	task.clear_ibuf [dreg:s6], $0x5FFFF;
	_ =	strace $0x90000049  }
0xb2: {  	s29 =	simm.s32 $0x9;
	_ =	strace $0x8000004B  }
0xb3: {  	_ =	swait.ge [sflag:s29], $0x1  }
0xb4: {  	[sflag:s29] =	ssyncadd.s32 $0xFFFFFFFF  }
0xb5: {  	_ =	strace $0x9000004B  }
0xb6: {  	_ =	sfence  }
0xb7: {  	s30 =	sld [smem:$0x0];
	_ =	sdelay $0x2  }
0xb8: {  	s31 =	sshll.u32 s1, $0xD;
	s1 =	sshrl.u32 s1, $0x2  }
0xb9: {  	s3 =	sand.u32 $0x4000, s31;
	s1 =	sadd.s32 s1, s30  }
0xba: {  	s0 =	sor.u32 s3, s0;
	s1 =	sshll.u32 s1, $0x11  }
0xbb: {  	s0 =	sor.u32 s1, s0  }
0xbc: {  	s0 =	sadd.s32 $0x8F2B, s0  }
0xbd: {  	[sflag:s0] =	ssyncadd.remote.s32 $0x1  }
0xbe: {  	_ =	sfence.sel $0xFFFF  }
0xbf: {  	[dreg:$0x0] =	wrdreg $0xFFFFFFFF;
	(pc) =	sbr.abs _section_cstart, $3  }
0xc0: {  	[dreg:$0x1] =	wrdreg $0xFFFFFFFF  }
0xc1: {  	_ =	task.clear_ibuf [dreg:s6], $0x2FFFF;
	_ =	strace $0x9FFFFFFF  }
0xc2: {  	(tm) =	ssettm $0x7FFFFFFF  }
0xc3: {  	_ =	shalt  }
tec
execute0_lowered:
.L_overlay_start_1:
0x0: {  	(tag) =	ssettag $0x1  }
0x1: {  	s5 =	rddreg [dreg:$0x0]  }
0x2: {  	s1 =	rddreg [dreg:$0x1];
	s2 =	srdreg.scid  }
0x3: {  	s0 =	rddreg [dreg:$0x2];
	s3 =	simm.s32 $0x0;
	s16 =	simm.s32 $0x80  }
0x4: {  	s17 =	simm.s32 $0x2800;
	s18 =	simm.s32 $0x6800;
	s19 =	simm.s32 $0x1  }
0x5: {  	s20 =	simm.s32 $0x3;
	s21 =	simm.s32 $0x2;
	s22 =	simm.s32 $0x4  }
0x6: {  	s23 =	simm.s32 $0x2700;
	s6 =	sand.u32 $0x1, s2;
	s2 =	stileid.u32  }
0x7: {  	[smem:$0x7FF] =	sst s3;
	s4 =	sadd.s32 $0x16E00, s5;
	s11 =	sadd.s32 $0x3EE00, s5  }
0x8: {  	s9 =	sadd.s32 $0xCE00, s5;
	s24 =	sadd.s32 $0x2400, s5;
	s7 =	smul.u32 $0x140000, s6  }
0x9: {  	s8 =	smul.u32 $0x14000, s2;
	_ =	strace $0x8000004A;
	s10 =	sshll.u32 s2, $0x1  }
0xa: {  	s12 =	ssub.s32 $0x2, s6;
	s13 =	smul.u32 $0x50000, s2;
	p0 =	seq.s32 s6, $0x0  }
0xb: {  	s30 =	smul.u32 $0x2800, s2;
	s31 =	sshll.u32 s2, $0x6;
	s10 =	sor.u32 s6, s10  }
0xc: {  	s25 =	sshrl.u32 s12, $0x1;
	s11 =	smov.u32 @p0 s4;
	s7 =	sadd.s32 s8, s7  }
0xd: {  	s26 =	smul.u32 $0x2800, s10;
	s28 =	ssub.s32 s12, s25;
	s29 =	sshrl.u32 s13, $0x2  }
0xe: {  	s11 =	sadd.s32 s11, s30;
	s12 =	sor.u32 $0x1C05, s31;
	s25 =	simm.s32 $0x0  }
0xf: {  	s7 =	sshrl.u32 s7, $0x3;
	s13 =	sadd.s32 s29, s1;
	s10 =	smax.u32 s28, $0x1  }
0x10: {  	s14 =	sadd.s32 s7, s5;
	s7 =	sshrl.u32 s26, $0x3;
	s13 =	sshrl.u32 s13, $0x3  }
0x11: {  	s5 =	sadd.s32 s9, s7;
	s6 =	sadd.s32 s24, s7;
	s15 =	sadd.s32 $0x280, s7  }
0x12: {  	s7 =	sadd.s32 s9, s15;
	s8 =	sadd.s32 s24, s15;
	s9 =	sadd.s32 $0x66E00, s14  }
0x13: {  	s14 =	simm.s32 $0x5;
	s15 =	simm.s32 $0x1400;
	s24 =	simm.s32 $0x2780  }
.LBB2_1:
0x14: {  	[spmem:s13], [sflag:s12] =	dma.local [hbm:s11], $0x2800  }
0x15: {  	_ =	swait.ge [sflag:s14], $0x2800  }
0x16: {  	[sflag:s14] =	ssyncset.done $0x0  }
0x17: {  	[sflag:s14] =	ssyncadd.s32 $0xFFFFD800  }
0x18: {  	[bflag:$0x0] =	sbarrier.arrive $0xFFFF  }
0x19: {  	[tilespmem:s3], [sflag:$0x5] =	stream.linear.gather [hbm4b:s5+s3], $0x1400, $0x38;
	[tilespmem:$0x1E800] =	vst v63  }
0x1a: {  	_ =	swait.ge [sflag:s14], $0x1400  }
0x1b: {  	[sflag:s14] =	ssyncset.done $0x0  }
0x1c: {  	[sflag:s14] =	ssyncadd.s32 $0xFFFFEC00  }
0x1d: {  	[tilespmem:s15], [sflag:$0x5] =	stream.linear.gather [hbm4b:s6+s3], $0x1400, $0x38;
	[tilespmem:$0x1E800] =	vst v63  }
0x1e: {  	_ =	swait.ge [sflag:s14], $0x1400  }
0x1f: {  	[sflag:s14] =	ssyncset.done $0x0  }
0x20: {  	[sflag:s14] =	ssyncadd.s32 $0xFFFFEC00  }
0x21: {  	[tilespmem:s17], [sflag:$0x1] =	stream.indirect.gather [hbm4b:s4+s16], $0x80, s3, s16, $0xb8;
	[tilespmem:$0x1E800] =	vst v63  }
0x22: {  	_ = 	snop  }
0x23: {  	[tilespmem:s18], [sflag:$0x2] =	stream.indirect.gather [hbm4b:s4+s16], $0x80, s16, s16, $0xb8;
	[tilespmem:$0x1E800] =	vst v63  }
0x24: {  	_ =	swait.ge [sflag:s19], $0x4000  }
0x25: {  	[sflag:s19] =	ssyncset.done $0x0  }
0x26: {  	s26 =	simm.s32 $0x1400;
	[sflag:s19] =	ssyncadd.s32 $0xFFFFC000  }
0x27: {  	[spmem:s1] =	stream.indirect.scatter.add.f32 [tilespmem:s17], [sflag:$0x3], $0x80, s26, s16, $0xb8;
	[tilespmem:$0x1E800] =	vst v63  }
0x28: {  	_ =	swait.ge [sflag:s20], $0x4000  }
0x29: {  	[sflag:s20] =	ssyncset.done $0x0  }
0x2a: {  	s30 =	simm.s32 $0x100;
	[sflag:s20] =	ssyncadd.s32 $0xFFFFC000  }
0x2b: {  	[tilespmem:s17], [sflag:$0x1] =	stream.indirect.gather [hbm4b:s4+s16], $0x80, s30, s16, $0xb8;
	[tilespmem:$0x1E800] =	vst v63  }
0x2c: {  	_ =	swait.ge [sflag:s21], $0x4000  }
0x2d: {  	[sflag:s21] =	ssyncset.done $0x0  }
0x2e: {  	s31 =	simm.s32 $0x1480;
	[sflag:s21] =	ssyncadd.s32 $0xFFFFC000  }
0x2f: {  	[spmem:s1] =	stream.indirect.scatter.add.f32 [tilespmem:s18], [sflag:$0x4], $0x80, s31, s16, $0xb8;
	[tilespmem:$0x1E800] =	vst v63  }
0x30: {  	_ =	swait.ge [sflag:s22], $0x4000  }
0x31: {  	[sflag:s22] =	ssyncset.done $0x0  }
0x32: {  	s28 =	simm.s32 $0x180;
	s26 =	simm.s32 $0x400;
	[sflag:s22] =	ssyncadd.s32 $0xFFFFC000  }
.LBB2_2:
0x33: {  	[tilespmem:s18], [sflag:$0x2] =	stream.indirect.gather [hbm4b:s4+s16], $0x80, s28, s16, $0xb8;
	[tilespmem:$0x1E800] =	vst v63  }
0x34: {  	s28 =	smov.u32 s26  }
0x35: {  	p0 =	sne.s32 s26, $0x4800;
	s26 =	sadd.s32 $0x400, s26;
	_ =	swait.ge [sflag:s19], $0x4000  }
0x36: {  	s28 =	sshra.s32 s28, $0x2;
	[sflag:s19] =	ssyncset.done $0x0  }
0x37: {  	s29 =	sadd.s32 $0x1400, s28;
	[sflag:s19] =	ssyncadd.s32 $0xFFFFC000  }
0x38: {  	[spmem:s1] =	stream.indirect.scatter.add.f32 [tilespmem:s17], [sflag:$0x3], $0x80, s29, s16, $0xb8;
	[tilespmem:$0x1E800] =	vst v63  }
0x39: {  	_ =	swait.ge [sflag:s20], $0x4000  }
0x3a: {  	[sflag:s20] =	ssyncset.done $0x0  }
0x3b: {  	s29 =	sadd.s32 $0x100, s28;
	[sflag:s20] =	ssyncadd.s32 $0xFFFFC000  }
0x3c: {  	[tilespmem:s17], [sflag:$0x1] =	stream.indirect.gather [hbm4b:s4+s16], $0x80, s29, s16, $0xb8;
	[tilespmem:$0x1E800] =	vst v63  }
0x3d: {  	_ =	swait.ge [sflag:s21], $0x4000  }
0x3e: {  	[sflag:s21] =	ssyncset.done $0x0  }
.Ltmp0:
0x3f: {  	s29 =	sadd.s32 $0x1480, s28;
	[sflag:s21] =	ssyncadd.s32 $0xFFFFC000;
	(pc) =	sbr.rel @p0 .LBB2_2-.Ltmp0, $4  }
0x40: {  	[spmem:s1] =	stream.indirect.scatter.add.f32 [tilespmem:s18], [sflag:$0x4], $0x80, s29, s16, $0xb8;
	[tilespmem:$0x1E800] =	vst v63  }
0x41: {  	_ =	swait.ge [sflag:s22], $0x4000  }
0x42: {  	[sflag:s22] =	ssyncset.done $0x0  }
0x43: {  	s28 =	sadd.s32 $0x180, s28;
	[sflag:s22] =	ssyncadd.s32 $0xFFFFC000  }
0x44: {  	[tilespmem:s18], [sflag:$0x2] =	stream.indirect.gather [hbm4b:s4+s16], $0x80, s28, s16, $0xb8;
	[tilespmem:$0x1E800] =	vst v63  }
0x45: {  	_ =	swait.ge [sflag:s19], $0x4000  }
0x46: {  	[sflag:s19] =	ssyncset.done $0x0  }
0x47: {  	[sflag:s19] =	ssyncadd.s32 $0xFFFFC000  }
0x48: {  	[spmem:s1] =	stream.indirect.scatter.add.f32 [tilespmem:s17], [sflag:$0x3], $0x80, s23, s16, $0xb8;
	[tilespmem:$0x1E800] =	vst v63  }
0x49: {  	_ =	swait.ge [sflag:s20], $0x4000  }
0x4a: {  	[sflag:s20] =	ssyncset.done $0x0  }
0x4b: {  	[sflag:s20] =	ssyncadd.s32 $0xFFFFC000  }
0x4c: {  	_ =	swait.ge [sflag:s21], $0x4000  }
0x4d: {  	[sflag:s21] =	ssyncset.done $0x0  }
0x4e: {  	[sflag:s21] =	ssyncadd.s32 $0xFFFFC000  }
0x4f: {  	[spmem:s1] =	stream.indirect.scatter.add.f32 [tilespmem:s18], [sflag:$0x4], $0x80, s24, s16, $0xb8;
	[tilespmem:$0x1E800] =	vst v63  }
0x50: {  	_ =	swait.ge [sflag:s22], $0x4000  }
0x51: {  	[sflag:s22] =	ssyncset.done $0x0  }
0x52: {  	s26 =	simm.s32 $0x0;
	[sflag:s22] =	ssyncadd.s32 $0xFFFFC000  }
0x53: {  	[tilespmem:s26], [sflag:$0x5] =	stream.linear.gather [hbm4b:s7+s26], $0x1400, $0x38;
	[tilespmem:$0x1E800] =	vst v63  }
0x54: {  	_ =	swait.ge [sflag:s14], $0x1400  }
0x55: {  	[sflag:s14] =	ssyncset.done $0x0  }
0x56: {  	[sflag:s14] =	ssyncadd.s32 $0xFFFFEC00  }
0x57: {  	[tilespmem:s15], [sflag:$0x5] =	stream.linear.gather [hbm4b:s8+s26], $0x1400, $0x38;
	[tilespmem:$0x1E800] =	vst v63  }
0x58: {  	_ =	swait.ge [sflag:s14], $0x1400  }
0x59: {  	[sflag:s14] =	ssyncset.done $0x0  }
0x5a: {  	[sflag:s14] =	ssyncadd.s32 $0xFFFFEC00  }
0x5b: {  	[tilespmem:s17], [sflag:$0x1] =	stream.indirect.gather [hbm4b:s4+s16], $0x80, s26, s16, $0xb8;
	[tilespmem:$0x1E800] =	vst v63  }
0x5c: {  	_ = 	snop  }
0x5d: {  	[tilespmem:s18], [sflag:$0x2] =	stream.indirect.gather [hbm4b:s4+s16], $0x80, s16, s16, $0xb8;
	[tilespmem:$0x1E800] =	vst v63  }
0x5e: {  	_ =	swait.ge [sflag:s19], $0x4000  }
0x5f: {  	[sflag:s19] =	ssyncset.done $0x0  }
0x60: {  	s29 =	simm.s32 $0x1400;
	[sflag:s19] =	ssyncadd.s32 $0xFFFFC000  }
0x61: {  	[spmem:s1] =	stream.indirect.scatter.add.f32 [tilespmem:s17], [sflag:$0x3], $0x80, s29, s16, $0xb8;
	[tilespmem:$0x1E800] =	vst v63  }
0x62: {  	_ =	swait.ge [sflag:s20], $0x4000  }
0x63: {  	[sflag:s20] =	ssyncset.done $0x0  }
0x64: {  	s30 =	simm.s32 $0x100;
	[sflag:s20] =	ssyncadd.s32 $0xFFFFC000  }
0x65: {  	[tilespmem:s17], [sflag:$0x1] =	stream.indirect.gather [hbm4b:s4+s16], $0x80, s30, s16, $0xb8;
	[tilespmem:$0x1E800] =	vst v63  }
0x66: {  	_ =	swait.ge [sflag:s21], $0x4000  }
0x67: {  	[sflag:s21] =	ssyncset.done $0x0  }
0x68: {  	s31 =	simm.s32 $0x1480;
	[sflag:s21] =	ssyncadd.s32 $0xFFFFC000  }
0x69: {  	[spmem:s1] =	stream.indirect.scatter.add.f32 [tilespmem:s18], [sflag:$0x4], $0x80, s31, s16, $0xb8;
	[tilespmem:$0x1E800] =	vst v63  }
0x6a: {  	_ =	swait.ge [sflag:s22], $0x4000  }
0x6b: {  	[sflag:s22] =	ssyncset.done $0x0  }
0x6c: {  	s28 =	simm.s32 $0x180;
	s26 =	simm.s32 $0x400;
	[sflag:s22] =	ssyncadd.s32 $0xFFFFC000  }
.LBB2_4:
0x6d: {  	[tilespmem:s18], [sflag:$0x2] =	stream.indirect.gather [hbm4b:s4+s16], $0x80, s28, s16, $0xb8;
	[tilespmem:$0x1E800] =	vst v63  }
0x6e: {  	s28 =	smov.u32 s26  }
0x6f: {  	p0 =	sne.s32 s26, $0x4800;
	s26 =	sadd.s32 $0x400, s26;
	_ =	swait.ge [sflag:s19], $0x4000  }
0x70: {  	s28 =	sshra.s32 s28, $0x2;
	[sflag:s19] =	ssyncset.done $0x0  }
0x71: {  	s29 =	sadd.s32 $0x1400, s28;
	[sflag:s19] =	ssyncadd.s32 $0xFFFFC000  }
0x72: {  	[spmem:s1] =	stream.indirect.scatter.add.f32 [tilespmem:s17], [sflag:$0x3], $0x80, s29, s16, $0xb8;
	[tilespmem:$0x1E800] =	vst v63  }
0x73: {  	_ =	swait.ge [sflag:s20], $0x4000  }
0x74: {  	[sflag:s20] =	ssyncset.done $0x0  }
0x75: {  	s29 =	sadd.s32 $0x100, s28;
	[sflag:s20] =	ssyncadd.s32 $0xFFFFC000  }
0x76: {  	[tilespmem:s17], [sflag:$0x1] =	stream.indirect.gather [hbm4b:s4+s16], $0x80, s29, s16, $0xb8;
	[tilespmem:$0x1E800] =	vst v63  }
0x77: {  	_ =	swait.ge [sflag:s21], $0x4000  }
0x78: {  	[sflag:s21] =	ssyncset.done $0x0  }
.Ltmp1:
0x79: {  	s29 =	sadd.s32 $0x1480, s28;
	[sflag:s21] =	ssyncadd.s32 $0xFFFFC000;
	(pc) =	sbr.rel @p0 .LBB2_4-.Ltmp1, $4  }
0x7a: {  	[spmem:s1] =	stream.indirect.scatter.add.f32 [tilespmem:s18], [sflag:$0x4], $0x80, s29, s16, $0xb8;
	[tilespmem:$0x1E800] =	vst v63  }
0x7b: {  	_ =	swait.ge [sflag:s22], $0x4000  }
0x7c: {  	[sflag:s22] =	ssyncset.done $0x0  }
0x7d: {  	s28 =	sadd.s32 $0x180, s28;
	[sflag:s22] =	ssyncadd.s32 $0xFFFFC000  }
0x7e: {  	[tilespmem:s18], [sflag:$0x2] =	stream.indirect.gather [hbm4b:s4+s16], $0x80, s28, s16, $0xb8;
	[tilespmem:$0x1E800] =	vst v63  }
0x7f: {  	_ =	swait.ge [sflag:s19], $0x4000  }
0x80: {  	[sflag:s19] =	ssyncset.done $0x0  }
0x81: {  	[sflag:s19] =	ssyncadd.s32 $0xFFFFC000  }
0x82: {  	[spmem:s1] =	stream.indirect.scatter.add.f32 [tilespmem:s17], [sflag:$0x3], $0x80, s23, s16, $0xb8;
	[tilespmem:$0x1E800] =	vst v63  }
0x83: {  	_ =	swait.ge [sflag:s20], $0x4000  }
0x84: {  	[sflag:s20] =	ssyncset.done $0x0  }
0x85: {  	[sflag:s20] =	ssyncadd.s32 $0xFFFFC000  }
0x86: {  	_ =	swait.ge [sflag:s21], $0x4000  }
0x87: {  	[sflag:s21] =	ssyncset.done $0x0  }
0x88: {  	[sflag:s21] =	ssyncadd.s32 $0xFFFFC000  }
0x89: {  	[spmem:s1] =	stream.indirect.scatter.add.f32 [tilespmem:s18], [sflag:$0x4], $0x80, s24, s16, $0xb8;
	[tilespmem:$0x1E800] =	vst v63  }
0x8a: {  	_ =	swait.ge [sflag:s22], $0x4000  }
0x8b: {  	s25 =	sadd.s32 $0x1, s25;
	[sflag:s22] =	ssyncset.done $0x0  }
0x8c: {  	p0 =	sne.s32 s25, s10;
	[sflag:s22] =	ssyncadd.s32 $0xFFFFC000  }
.Ltmp2:
0x8d: {  	[bflag:$0x0] =	sbarrier.arrive $0xFFFF;
	(pc) =	sbr.rel @p0 .LBB2_1-.Ltmp2, $4  }
0x8e: {  	[hbm:s9], [sflag:s12] =	dma.local [spmem:s13], $0x2800  }
0x8f: {  	_ =	swait.ge [sflag:s14], $0x2800  }
0x90: {  	[sflag:s14] =	ssyncset.done $0x0  }
0x91: {  	[sflag:s14] =	ssyncadd.s32 $0xFFFFD800  }
0x92: {  	_ =	sfence.sel $0x180000  }
0x93: {  	[bflag:$0x0] =	sbarrier.arrive $0xFFFF  }
0x94: {  	p0 =	sne.s32 s2, $0x0;
	_ =	strace $0x9000004A  }
0x95: {  	s0 =	sadd.s32 @!p0 $0x100000, s0;
	[bflag:$0x2] =	sbarrier.arrive $0xFFFF  }
0x96: {  	[sflag:s0] =	ssyncadd.tile.s32 @!p0 $0x1;
	_ =	shalt  }
.Lfunc_end2:
_tile_overlayer_lowered:
.L_overlay_start_2:
0x97: {  	(tag) =	ssettag $0x2  }
0x98: {  	s0 =	rddreg [dreg:$0x0];
	s2 =	stileid.u32  }
0x99: {  	s1 =	rddreg [dreg:$0x1];
	p0 =	sne.s32 s2, $0x0  }
0x9a: {  	s3 =	rddreg [dreg:$0x2];
	[bflag:$0x3] =	sbarrier.arrive $0xFFFF;
	s2 =	simm.s32 @!p0 $0x1C05  }
0x9b: {  	[timem:s3], [sflag:s2] =	dma.local @!p0 [hbm:s0], s1  }
0x9c: {  	s0 =	simm.s32 @!p0 $0x5  }
0x9d: {  	_ =	swait.ge @!p0 [sflag:s0], s1  }
0x9e: {  	s1 =	ssub.s32 @!p0 $0x0, s1;
	[sflag:s0] =	ssyncset.done @!p0 $0x0  }
0x9f: {  	[sflag:s0] =	ssyncadd.s32 @!p0 s1  }
0xa0: {  	[bflag:$0x3] =	sbarrier.arrive $0xFFFF  }
0xa1: {  	_ =	shalt  }

// kernel: kernel.14.cloned.1.call-start
scs
__scs_entry_jumppad:
0x0: {  	(pc) =	sbr.rel $0x88, $3  }
0x1: {  	(tag) =	ssettag $0x0;
	lr =	simm.s32 $0x1  }
0x2: {  	[smem:$0x3F97] =	sst lr;
	_ =	strace $0xD0000000  }
0x3: {  	_ = 	snop  }
0x4: {  	_ = 	snop  }
0x5: {  	_ = 	snop  }
0x6: {  	_ = 	snop  }
0x7: {  	_ = 	snop  }
__scs_overlays_trampoline_lowered:
0x8: {  	[smem:$0x3FA6] =	sst s0  }
0x9: {  	[smem:$0x3FA7] =	sst s1  }
0xa: {  	[smem:$0x3FA8] =	sst s2  }
0xb: {  	[smem:$0x3FA9] =	sst s3  }
0xc: {  	[smem:$0x3FAA] =	sst s4  }
0xd: {  	[smem:$0x3FAB] =	sst s5  }
0xe: {  	[smem:$0x3FAC] =	sst s6  }
0xf: {  	[smem:$0x3FAD] =	sst s7  }
0x10: {  	[smem:$0x3FAE] =	sst s8  }
0x11: {  	[smem:$0x3FAF] =	sst s9;
	s0 =	simm.s32 @!p0 $0x0  }
0x12: {  	s1 =	sld [smem:$0x3F95];
	s0 =	simm.s32 @p0 $0x1  }
0x13: {  	[smem:$0x3FB0] =	sst s0;
	s0 =	simm.s32 @!p1 $0x0  }
0x14: {  	s2 =	sld [smem:$0x3F94];
	s0 =	simm.s32 @p1 $0x1  }
0x15: {  	[smem:$0x3FB1] =	sst s0;
	s0 =	simm.s32 @!p2 $0x0  }
0x16: {  	s3 =	sld [smem:$0x3FDB];
	s0 =	simm.s32 @p2 $0x1  }
0x17: {  	s4 =	simm.s32 $0x1BF5;
	[smem:$0x3FB3] =	sst s0  }
0x18: {  	s0 =	sld [smem:$0x3F96];
	_ =	swait.ge [sflag:s4], $0x0  }
0x19: {  	s7 =	sld [smem:$0x3F97]  }
0x1a: {  	s8 =	sadd.s32 $0xFFFFE003, lr  }
0x1b: {  	s9 =	sadd.s32 $0xFFFFFEF7, lr;
	s5 =	simm.s32 $0xFFFFFFFF;
	p2 =	slt.u32 s8, $0xFFFFF086  }
0x1c: {  	p1 =	slt.u32 s9, $0xF7A;
	s5 =	simm.s32 @!p2 $0x0  }
0x1d: {  	s5 =	simm.s32 @p1 $0x1;
	p0 =	seq.s32 s7, s2  }
0x1e: {  	s7 =	smul.u32 @!p0 $0xF7A, s2;
	p2 =	seq.s32 @!p0 s5, $0x0  }
0x1f: {  	s9 =	smul.u32 $0xF7A, s1;
	s8 =	simm.s32 @!p0 $0x1BF5;
	p2 =	por !p2, p0  }
0x20: {  	[sflag:s8] =	ssyncset.s32 @!p0 $0xFFFFF086;
	s6 =	sadd.s32 @!p0 s3, s7;
	s7 =	simm.s32 @!p0 $0x108  }
0x21: {  	s3 =	sadd.s32 s3, s9;
	s6 =	sadd.s32 @!p0 $0x88, s6;
	s7 =	simm.s32 @p2 $0x1082  }
0x22: {  	[simem:s7], [sflag:s8] =	dma.local @!p0 [hbm:s6], $0xF7A  }
0x23: {  	s9 =	sor.u32 $0xD0000000, s2;
	s6 =	simm.s32 $0x108;
	_ =	swait.ge @!p0 [sflag:s8], $0x0  }
0x24: {  	s3 =	sadd.s32 $0x88, s3;
	s6 =	simm.s32 @!p1 $0x1082;
	[sflag:s4] =	ssyncset.s32 $0xFFFFF086  }
0x25: {  	[simem:s6], [sflag:s4] =	dma.local [hbm:s3], $0xF7A  }
0x26: {  	[smem:$0x3F97] =	sst s1;
	(tag) =	ssettag s2;
	_ =	strace s9  }
0x27: {  	s1 =	sld [smem:$0x3FA7]  }
0x28: {  	s2 =	sld [smem:$0x3FA8]  }
0x29: {  	s4 =	sld [smem:$0x3FAA]  }
0x2a: {  	p0 =	seq.s32 s5, $0x0;
	s5 =	sld [smem:$0x3FAB]  }
0x2b: {  	s6 =	sld [smem:$0x3FAC]  }
0x2c: {  	s7 =	sld [smem:$0x3FAD]  }
0x2d: {  	s3 =	simm.s32 $0x108;
	s8 =	sld [smem:$0x3FAE]  }
0x2e: {  	s3 =	simm.s32 @!p0 $0x1082;
	s9 =	sld [smem:$0x3FAF]  }
0x2f: {  	lr =	sadd.s32 s0, s3;
	s0 =	sld [smem:$0x3FA6]  }
0x30: {  	s3 =	sld [smem:$0x3FA9]  }
0x31: {  	[smem:$0x3FB2] =	sst s10  }
0x32: {  	s10 =	sld [smem:$0x3FB0];
	_ =	sdelay $0x3  }
0x33: {  	p0 =	seq.s32 s10, $0x1;
	s10 =	sld [smem:$0x3FB2];
	_ =	sdelay $0x3  }
0x34: {  	[smem:$0x3FB2] =	sst s10  }
0x35: {  	s10 =	sld [smem:$0x3FB1];
	_ =	sdelay $0x3  }
0x36: {  	p1 =	seq.s32 s10, $0x1;
	s10 =	sld [smem:$0x3FB2];
	_ =	sdelay $0x3  }
0x37: {  	[smem:$0x3FB2] =	sst s10  }
0x38: {  	s10 =	sld [smem:$0x3FB3]  }
0x39: {  	_ = 	snop;
	(pc) =	sbr.ind lr, $3  }
0x3a: {  	_ = 	snop  }
0x3b: {  	_ = 	snop  }
0x3c: {  	p2 =	seq.s32 s10, $0x1;
	s10 =	sld [smem:$0x3FB2]  }
0x3d: {  	_ =	shalt  }
0x3e: {  	_ =	shalt  }
0x3f: {  	_ =	shalt  }
0x40: {  	_ =	shalt  }
0x41: {  	_ =	shalt  }
0x42: {  	_ =	shalt  }
0x43: {  	_ =	shalt  }
0x44: {  	_ =	shalt  }
0x45: {  	_ =	shalt  }
0x46: {  	_ =	shalt  }
0x47: {  	_ =	shalt  }
0x48: {  	_ =	shalt  }
0x49: {  	_ =	shalt  }
0x4a: {  	_ =	shalt  }
0x4b: {  	_ =	shalt  }
0x4c: {  	_ =	shalt  }
0x4d: {  	_ =	shalt  }
0x4e: {  	_ =	shalt  }
0x4f: {  	_ =	shalt  }
0x50: {  	_ =	shalt  }
0x51: {  	_ =	shalt  }
0x52: {  	_ =	shalt  }
0x53: {  	_ =	shalt  }
0x54: {  	_ =	shalt  }
0x55: {  	_ =	shalt  }
0x56: {  	_ =	shalt  }
0x57: {  	_ =	shalt  }
0x58: {  	_ =	shalt  }
0x59: {  	_ =	shalt  }
0x5a: {  	_ =	shalt  }
0x5b: {  	_ =	shalt  }
0x5c: {  	_ =	shalt  }
0x5d: {  	_ =	shalt  }
0x5e: {  	_ =	shalt  }
0x5f: {  	_ =	shalt  }
0x60: {  	_ =	shalt  }
0x61: {  	_ =	shalt  }
0x62: {  	_ =	shalt  }
0x63: {  	_ =	shalt  }
0x64: {  	_ =	shalt  }
0x65: {  	_ =	shalt  }
0x66: {  	_ =	shalt  }
0x67: {  	_ =	shalt  }
0x68: {  	_ =	shalt  }
0x69: {  	_ =	shalt  }
0x6a: {  	_ =	shalt  }
0x6b: {  	_ =	shalt  }
0x6c: {  	_ =	shalt  }
0x6d: {  	_ =	shalt  }
0x6e: {  	_ =	shalt  }
0x6f: {  	_ =	shalt  }
0x70: {  	_ =	shalt  }
0x71: {  	_ =	shalt  }
0x72: {  	_ =	shalt  }
0x73: {  	_ =	shalt  }
0x74: {  	_ =	shalt  }
0x75: {  	_ =	shalt  }
0x76: {  	_ =	shalt  }
0x77: {  	_ =	shalt  }
0x78: {  	_ =	shalt  }
0x79: {  	_ =	shalt  }
0x7a: {  	_ =	shalt  }
0x7b: {  	_ =	shalt  }
0x7c: {  	_ =	shalt  }
0x7d: {  	_ =	shalt  }
0x7e: {  	_ =	shalt  }
0x7f: {  	_ =	shalt  }
0x80: {  	_ =	shalt  }
0x81: {  	_ =	shalt  }
0x82: {  	_ =	shalt  }
0x83: {  	_ =	shalt  }
0x84: {  	_ =	shalt  }
0x85: {  	_ =	shalt  }
0x86: {  	_ =	shalt  }
0x87: {  	_ =	shalt  }
.Lfunc_end0:
.L_simem_size_0:
called_computation.2_lowered:
.L_overlay_start_0:
0x88: {  	s2 =	sld [smem:$0x3FD9]  }
0x89: {  	s3 =	sld [smem:$0x3FFE];
	_ =	sdelay $0x1  }
0x8a: {  	s1 =	srdreg.scid  }
0x8b: {  	s0 =	sand.u32 $0x1, s1  }
0x8c: {  	s16 =	sshll.u32 s0, $0xA;
	s2 =	sadd.s32 s3, s2  }
0x8d: {  	s2 =	sadd.s32 s2, s16  }
0x8e: {  	[smem:$0x3FBE] =	sst s2  }
0x8f: {  	_ = 	snop  }
0x90: {  	(tm) =	ssettm $0x1  }
0x91: {  	s17 =	sld [smem:$0x3FFB];
	_ =	sdelay $0x3  }
0x92: {  	_ =	strace s17  }
0x93: {  	s2 =	sld [smem:$0x3FFC];
	_ =	sdelay $0x3  }
0x94: {  	_ =	strace s2  }
0x95: {  	s2 =	sld [smem:$0x3FFD];
	_ =	sdelay $0x3  }
0x96: {  	_ =	strace s2  }
0x97: {  	_ =	strace $0x8FFFFFFF  }
0x98: {  	s18 =	sld [smem:$0x3FDB];
	_ =	sdelay $0x1  }
0x99: {  	s19 =	simm.s32 $_scs_section_size  }
0x9a: {  	s4 =	simm.s32 $_size__tile_overlayer_lowered;
	s5 =	simm.s32 $_tile_overlayer_lowered  }
0x9b: {  	s22 =	simm.s32 $0x1BFF;
	s21 =	sshll.u32 s5, $0x1;
	s2 =	sadd.s32 s19, s18  }
0x9c: {  	s6 =	simm.s32 $0x0;
	s20 =	sshll.u32 s4, $0x1;
	s4 =	sadd.s32 s21, s2  }
0x9d: {  	[timem:s6], [sflag:s22] =	dma.local [hbm:s4], s20  }
0x9e: {  	_ =	swait.ge [sflag:s22], s20  }
0x9f: {  	s3 =	ssub.s32 $0x0, s20;
	[sflag:s22] =	ssyncset.done $0x0  }
0xa0: {  	[sflag:s22] =	ssyncadd.s32 s3;
	_ =	sdelay $0x1  }
0xa1: {  	s23 =	simm.s32 $0x1B8B  }
0xa2: {  	_ =	swait.ge [sflag:s23], $0x1  }
0xa3: {  	[sflag:s23] =	ssyncset.done $0x0  }
0xa4: {  	s25 =	simm.s32 $0x1B8E;
	s24 =	sld [smem:$0x3FFE];
	[sflag:s23] =	ssyncadd.s32 $0xFFFFFFFF  }
0xa5: {  	s26 =	simm.s32 $execute0_lowered;
	[smem:$0x3FD2] =	sst s25  }
0xa6: {  	s4 =	sshll.u32 s26, $0x1;
	_ =	strace $0x8000004C;
	[dreg:$0x1] =	wrdreg $0xFFFFFFFF  }
0xa7: {  	s28 =	simm.s32 $_size_execute0_lowered;
	s2 =	sadd.s32 s2, s4;
	[dreg:$0x0] =	wrdreg $0x0  }
0xa8: {  	s4 =	sshll.u32 s28, $0x1;
	[dreg:$0x2] =	wrdreg s2  }
0xa9: {  	[dreg:$0x3] =	wrdreg s4  }
0xaa: {  	[dreg:$0x4] =	wrdreg $0xC0  }
0xab: {  	_ =	task [dreg:s6], $0x5FFFF  }
0xac: {  	[dreg:$0x1] =	wrdreg $0xFFFFFFFF  }
0xad: {  	[dreg:$0x0] =	wrdreg $0x60  }
0xae: {  	[dreg:$0x2] =	wrdreg s24  }
0xaf: {  	[dreg:$0x3] =	wrdreg $0xA8000  }
0xb0: {  	[dreg:$0x4] =	wrdreg $0x9  }
0xb1: {  	_ =	task.clear_ibuf [dreg:s6], $0x5FFFF;
	_ =	strace $0x9000004C  }
0xb2: {  	s29 =	simm.s32 $0x9;
	_ =	strace $0x8000004E  }
0xb3: {  	_ =	swait.ge [sflag:s29], $0x1  }
0xb4: {  	[sflag:s29] =	ssyncadd.s32 $0xFFFFFFFF  }
0xb5: {  	_ =	strace $0x9000004E  }
0xb6: {  	_ =	sfence  }
0xb7: {  	s30 =	sld [smem:$0x0];
	_ =	sdelay $0x2  }
0xb8: {  	s31 =	sshll.u32 s1, $0xD;
	s1 =	sshrl.u32 s1, $0x2  }
0xb9: {  	s3 =	sand.u32 $0x4000, s31;
	s1 =	sadd.s32 s1, s30  }
0xba: {  	s0 =	sor.u32 s3, s0;
	s1 =	sshll.u32 s1, $0x11  }
0xbb: {  	s0 =	sor.u32 s1, s0  }
0xbc: {  	s0 =	sadd.s32 $0x8F2B, s0  }
0xbd: {  	[sflag:s0] =	ssyncadd.remote.s32 $0x1  }
0xbe: {  	_ =	sfence.sel $0xFFFF  }
0xbf: {  	[dreg:$0x0] =	wrdreg $0xFFFFFFFF;
	(pc) =	sbr.abs _section_cstart, $3  }
0xc0: {  	[dreg:$0x1] =	wrdreg $0xFFFFFFFF  }
0xc1: {  	_ =	task.clear_ibuf [dreg:s6], $0x2FFFF;
	_ =	strace $0x9FFFFFFF  }
0xc2: {  	(tm) =	ssettm $0x7FFFFFFF  }
0xc3: {  	_ =	shalt  }
tec
execute0_lowered:
.L_overlay_start_1:
0x0: {  	(tag) =	ssettag $0x1  }
0x1: {  	s5 =	rddreg [dreg:$0x0]  }
0x2: {  	s1 =	rddreg [dreg:$0x1];
	s2 =	srdreg.scid  }
0x3: {  	s0 =	rddreg [dreg:$0x2];
	s3 =	simm.s32 $0x0;
	s16 =	simm.s32 $0x80  }
0x4: {  	s17 =	simm.s32 $0x2800;
	s18 =	simm.s32 $0x6800;
	s19 =	simm.s32 $0x1  }
0x5: {  	s20 =	simm.s32 $0x3;
	s21 =	simm.s32 $0x2;
	s22 =	simm.s32 $0x4  }
0x6: {  	s23 =	simm.s32 $0x2700;
	s6 =	sand.u32 $0x1, s2;
	s2 =	stileid.u32  }
0x7: {  	[smem:$0x7FF] =	sst s3;
	s4 =	sadd.s32 $0x16E00, s5;
	s11 =	sadd.s32 $0x3EE00, s5  }
0x8: {  	s9 =	sadd.s32 $0xCE00, s5;
	s24 =	sadd.s32 $0x2400, s5;
	s7 =	smul.u32 $0x140000, s6  }
0x9: {  	s8 =	smul.u32 $0x14000, s2;
	_ =	strace $0x8000004D;
	s10 =	sshll.u32 s2, $0x1  }
0xa: {  	s12 =	ssub.s32 $0x2, s6;
	s13 =	smul.u32 $0x50000, s2;
	p0 =	seq.s32 s6, $0x0  }
0xb: {  	s30 =	smul.u32 $0x2800, s2;
	s31 =	sshll.u32 s2, $0x6;
	s10 =	sor.u32 s6, s10  }
0xc: {  	s25 =	sshrl.u32 s12, $0x1;
	s11 =	smov.u32 @p0 s4;
	s7 =	sadd.s32 s8, s7  }
0xd: {  	s26 =	smul.u32 $0x2800, s10;
	s28 =	ssub.s32 s12, s25;
	s29 =	sshrl.u32 s13, $0x2  }
0xe: {  	s11 =	sadd.s32 s11, s30;
	s12 =	sor.u32 $0x1C05, s31;
	s25 =	simm.s32 $0x0  }
0xf: {  	s7 =	sshrl.u32 s7, $0x3;
	s13 =	sadd.s32 s29, s1;
	s10 =	smax.u32 s28, $0x1  }
0x10: {  	s14 =	sadd.s32 s7, s5;
	s7 =	sshrl.u32 s26, $0x3;
	s13 =	sshrl.u32 s13, $0x3  }
0x11: {  	s5 =	sadd.s32 s9, s7;
	s6 =	sadd.s32 s24, s7;
	s15 =	sadd.s32 $0x280, s7  }
0x12: {  	s7 =	sadd.s32 s9, s15;
	s8 =	sadd.s32 s24, s15;
	s9 =	sadd.s32 $0x66E00, s14  }
0x13: {  	s14 =	simm.s32 $0x5;
	s15 =	simm.s32 $0x1400;
	s24 =	simm.s32 $0x2780  }
.LBB2_1:
0x14: {  	[spmem:s13], [sflag:s12] =	dma.local [hbm:s11], $0x2800  }
0x15: {  	_ =	swait.ge [sflag:s14], $0x2800  }
0x16: {  	[sflag:s14] =	ssyncset.done $0x0  }
0x17: {  	[sflag:s14] =	ssyncadd.s32 $0xFFFFD800  }
0x18: {  	[bflag:$0x0] =	sbarrier.arrive $0xFFFF  }
0x19: {  	[tilespmem:s3], [sflag:$0x5] =	stream.linear.gather [hbm4b:s5+s3], $0x1400, $0x38;
	[tilespmem:$0x1E800] =	vst v63  }
0x1a: {  	_ =	swait.ge [sflag:s14], $0x1400  }
0x1b: {  	[sflag:s14] =	ssyncset.done $0x0  }
0x1c: {  	[sflag:s14] =	ssyncadd.s32 $0xFFFFEC00  }
0x1d: {  	[tilespmem:s15], [sflag:$0x5] =	stream.linear.gather [hbm4b:s6+s3], $0x1400, $0x38;
	[tilespmem:$0x1E800] =	vst v63  }
0x1e: {  	_ =	swait.ge [sflag:s14], $0x1400  }
0x1f: {  	[sflag:s14] =	ssyncset.done $0x0  }
0x20: {  	[sflag:s14] =	ssyncadd.s32 $0xFFFFEC00  }
0x21: {  	[tilespmem:s17], [sflag:$0x1] =	stream.indirect.gather [hbm4b:s4+s16], $0x80, s3, s16, $0xb8;
	[tilespmem:$0x1E800] =	vst v63  }
0x22: {  	_ = 	snop  }
0x23: {  	[tilespmem:s18], [sflag:$0x2] =	stream.indirect.gather [hbm4b:s4+s16], $0x80, s16, s16, $0xb8;
	[tilespmem:$0x1E800] =	vst v63  }
0x24: {  	_ =	swait.ge [sflag:s19], $0x4000  }
0x25: {  	[sflag:s19] =	ssyncset.done $0x0  }
0x26: {  	s26 =	simm.s32 $0x1400;
	[sflag:s19] =	ssyncadd.s32 $0xFFFFC000  }
0x27: {  	[spmem:s1] =	stream.indirect.scatter.add.f32 [tilespmem:s17], [sflag:$0x3], $0x80, s26, s16, $0xb8;
	[tilespmem:$0x1E800] =	vst v63  }
0x28: {  	_ =	swait.ge [sflag:s20], $0x4000  }
0x29: {  	[sflag:s20] =	ssyncset.done $0x0  }
0x2a: {  	s30 =	simm.s32 $0x100;
	[sflag:s20] =	ssyncadd.s32 $0xFFFFC000  }
0x2b: {  	[tilespmem:s17], [sflag:$0x1] =	stream.indirect.gather [hbm4b:s4+s16], $0x80, s30, s16, $0xb8;
	[tilespmem:$0x1E800] =	vst v63  }
0x2c: {  	_ =	swait.ge [sflag:s21], $0x4000  }
0x2d: {  	[sflag:s21] =	ssyncset.done $0x0  }
0x2e: {  	s31 =	simm.s32 $0x1480;
	[sflag:s21] =	ssyncadd.s32 $0xFFFFC000  }
0x2f: {  	[spmem:s1] =	stream.indirect.scatter.add.f32 [tilespmem:s18], [sflag:$0x4], $0x80, s31, s16, $0xb8;
	[tilespmem:$0x1E800] =	vst v63  }
0x30: {  	_ =	swait.ge [sflag:s22], $0x4000  }
0x31: {  	[sflag:s22] =	ssyncset.done $0x0  }
0x32: {  	s28 =	simm.s32 $0x180;
	s26 =	simm.s32 $0x400;
	[sflag:s22] =	ssyncadd.s32 $0xFFFFC000  }
.LBB2_2:
0x33: {  	[tilespmem:s18], [sflag:$0x2] =	stream.indirect.gather [hbm4b:s4+s16], $0x80, s28, s16, $0xb8;
	[tilespmem:$0x1E800] =	vst v63  }
0x34: {  	s28 =	smov.u32 s26  }
0x35: {  	p0 =	sne.s32 s26, $0x4800;
	s26 =	sadd.s32 $0x400, s26;
	_ =	swait.ge [sflag:s19], $0x4000  }
0x36: {  	s28 =	sshra.s32 s28, $0x2;
	[sflag:s19] =	ssyncset.done $0x0  }
0x37: {  	s29 =	sadd.s32 $0x1400, s28;
	[sflag:s19] =	ssyncadd.s32 $0xFFFFC000  }
0x38: {  	[spmem:s1] =	stream.indirect.scatter.add.f32 [tilespmem:s17], [sflag:$0x3], $0x80, s29, s16, $0xb8;
	[tilespmem:$0x1E800] =	vst v63  }
0x39: {  	_ =	swait.ge [sflag:s20], $0x4000  }
0x3a: {  	[sflag:s20] =	ssyncset.done $0x0  }
0x3b: {  	s29 =	sadd.s32 $0x100, s28;
	[sflag:s20] =	ssyncadd.s32 $0xFFFFC000  }
0x3c: {  	[tilespmem:s17], [sflag:$0x1] =	stream.indirect.gather [hbm4b:s4+s16], $0x80, s29, s16, $0xb8;
	[tilespmem:$0x1E800] =	vst v63  }
0x3d: {  	_ =	swait.ge [sflag:s21], $0x4000  }
0x3e: {  	[sflag:s21] =	ssyncset.done $0x0  }
.Ltmp0:
0x3f: {  	s29 =	sadd.s32 $0x1480, s28;
	[sflag:s21] =	ssyncadd.s32 $0xFFFFC000;
	(pc) =	sbr.rel @p0 .LBB2_2-.Ltmp0, $4  }
0x40: {  	[spmem:s1] =	stream.indirect.scatter.add.f32 [tilespmem:s18], [sflag:$0x4], $0x80, s29, s16, $0xb8;
	[tilespmem:$0x1E800] =	vst v63  }
0x41: {  	_ =	swait.ge [sflag:s22], $0x4000  }
0x42: {  	[sflag:s22] =	ssyncset.done $0x0  }
0x43: {  	s28 =	sadd.s32 $0x180, s28;
	[sflag:s22] =	ssyncadd.s32 $0xFFFFC000  }
0x44: {  	[tilespmem:s18], [sflag:$0x2] =	stream.indirect.gather [hbm4b:s4+s16], $0x80, s28, s16, $0xb8;
	[tilespmem:$0x1E800] =	vst v63  }
0x45: {  	_ =	swait.ge [sflag:s19], $0x4000  }
0x46: {  	[sflag:s19] =	ssyncset.done $0x0  }
0x47: {  	[sflag:s19] =	ssyncadd.s32 $0xFFFFC000  }
0x48: {  	[spmem:s1] =	stream.indirect.scatter.add.f32 [tilespmem:s17], [sflag:$0x3], $0x80, s23, s16, $0xb8;
	[tilespmem:$0x1E800] =	vst v63  }
0x49: {  	_ =	swait.ge [sflag:s20], $0x4000  }
0x4a: {  	[sflag:s20] =	ssyncset.done $0x0  }
0x4b: {  	[sflag:s20] =	ssyncadd.s32 $0xFFFFC000  }
0x4c: {  	_ =	swait.ge [sflag:s21], $0x4000  }
0x4d: {  	[sflag:s21] =	ssyncset.done $0x0  }
0x4e: {  	[sflag:s21] =	ssyncadd.s32 $0xFFFFC000  }
0x4f: {  	[spmem:s1] =	stream.indirect.scatter.add.f32 [tilespmem:s18], [sflag:$0x4], $0x80, s24, s16, $0xb8;
	[tilespmem:$0x1E800] =	vst v63  }
0x50: {  	_ =	swait.ge [sflag:s22], $0x4000  }
0x51: {  	[sflag:s22] =	ssyncset.done $0x0  }
0x52: {  	s26 =	simm.s32 $0x0;
	[sflag:s22] =	ssyncadd.s32 $0xFFFFC000  }
0x53: {  	[tilespmem:s26], [sflag:$0x5] =	stream.linear.gather [hbm4b:s7+s26], $0x1400, $0x38;
	[tilespmem:$0x1E800] =	vst v63  }
0x54: {  	_ =	swait.ge [sflag:s14], $0x1400  }
0x55: {  	[sflag:s14] =	ssyncset.done $0x0  }
0x56: {  	[sflag:s14] =	ssyncadd.s32 $0xFFFFEC00  }
0x57: {  	[tilespmem:s15], [sflag:$0x5] =	stream.linear.gather [hbm4b:s8+s26], $0x1400, $0x38;
	[tilespmem:$0x1E800] =	vst v63  }
0x58: {  	_ =	swait.ge [sflag:s14], $0x1400  }
0x59: {  	[sflag:s14] =	ssyncset.done $0x0  }
0x5a: {  	[sflag:s14] =	ssyncadd.s32 $0xFFFFEC00  }
0x5b: {  	[tilespmem:s17], [sflag:$0x1] =	stream.indirect.gather [hbm4b:s4+s16], $0x80, s26, s16, $0xb8;
	[tilespmem:$0x1E800] =	vst v63  }
0x5c: {  	_ = 	snop  }
0x5d: {  	[tilespmem:s18], [sflag:$0x2] =	stream.indirect.gather [hbm4b:s4+s16], $0x80, s16, s16, $0xb8;
	[tilespmem:$0x1E800] =	vst v63  }
0x5e: {  	_ =	swait.ge [sflag:s19], $0x4000  }
0x5f: {  	[sflag:s19] =	ssyncset.done $0x0  }
0x60: {  	s29 =	simm.s32 $0x1400;
	[sflag:s19] =	ssyncadd.s32 $0xFFFFC000  }
0x61: {  	[spmem:s1] =	stream.indirect.scatter.add.f32 [tilespmem:s17], [sflag:$0x3], $0x80, s29, s16, $0xb8;
	[tilespmem:$0x1E800] =	vst v63  }
0x62: {  	_ =	swait.ge [sflag:s20], $0x4000  }
0x63: {  	[sflag:s20] =	ssyncset.done $0x0  }
0x64: {  	s30 =	simm.s32 $0x100;
	[sflag:s20] =	ssyncadd.s32 $0xFFFFC000  }
0x65: {  	[tilespmem:s17], [sflag:$0x1] =	stream.indirect.gather [hbm4b:s4+s16], $0x80, s30, s16, $0xb8;
	[tilespmem:$0x1E800] =	vst v63  }
0x66: {  	_ =	swait.ge [sflag:s21], $0x4000  }
0x67: {  	[sflag:s21] =	ssyncset.done $0x0  }
0x68: {  	s31 =	simm.s32 $0x1480;
	[sflag:s21] =	ssyncadd.s32 $0xFFFFC000  }
0x69: {  	[spmem:s1] =	stream.indirect.scatter.add.f32 [tilespmem:s18], [sflag:$0x4], $0x80, s31, s16, $0xb8;
	[tilespmem:$0x1E800] =	vst v63  }
0x6a: {  	_ =	swait.ge [sflag:s22], $0x4000  }
0x6b: {  	[sflag:s22] =	ssyncset.done $0x0  }
0x6c: {  	s28 =	simm.s32 $0x180;
	s26 =	simm.s32 $0x400;
	[sflag:s22] =	ssyncadd.s32 $0xFFFFC000  }
.LBB2_4:
0x6d: {  	[tilespmem:s18], [sflag:$0x2] =	stream.indirect.gather [hbm4b:s4+s16], $0x80, s28, s16, $0xb8;
	[tilespmem:$0x1E800] =	vst v63  }
0x6e: {  	s28 =	smov.u32 s26  }
0x6f: {  	p0 =	sne.s32 s26, $0x4800;
	s26 =	sadd.s32 $0x400, s26;
	_ =	swait.ge [sflag:s19], $0x4000  }
0x70: {  	s28 =	sshra.s32 s28, $0x2;
	[sflag:s19] =	ssyncset.done $0x0  }
0x71: {  	s29 =	sadd.s32 $0x1400, s28;
	[sflag:s19] =	ssyncadd.s32 $0xFFFFC000  }
0x72: {  	[spmem:s1] =	stream.indirect.scatter.add.f32 [tilespmem:s17], [sflag:$0x3], $0x80, s29, s16, $0xb8;
	[tilespmem:$0x1E800] =	vst v63  }
0x73: {  	_ =	swait.ge [sflag:s20], $0x4000  }
0x74: {  	[sflag:s20] =	ssyncset.done $0x0  }
0x75: {  	s29 =	sadd.s32 $0x100, s28;
	[sflag:s20] =	ssyncadd.s32 $0xFFFFC000  }
0x76: {  	[tilespmem:s17], [sflag:$0x1] =	stream.indirect.gather [hbm4b:s4+s16], $0x80, s29, s16, $0xb8;
	[tilespmem:$0x1E800] =	vst v63  }
0x77: {  	_ =	swait.ge [sflag:s21], $0x4000  }
0x78: {  	[sflag:s21] =	ssyncset.done $0x0  }
.Ltmp1:
0x79: {  	s29 =	sadd.s32 $0x1480, s28;
	[sflag:s21] =	ssyncadd.s32 $0xFFFFC000;
	(pc) =	sbr.rel @p0 .LBB2_4-.Ltmp1, $4  }
0x7a: {  	[spmem:s1] =	stream.indirect.scatter.add.f32 [tilespmem:s18], [sflag:$0x4], $0x80, s29, s16, $0xb8;
	[tilespmem:$0x1E800] =	vst v63  }
0x7b: {  	_ =	swait.ge [sflag:s22], $0x4000  }
0x7c: {  	[sflag:s22] =	ssyncset.done $0x0  }
0x7d: {  	s28 =	sadd.s32 $0x180, s28;
	[sflag:s22] =	ssyncadd.s32 $0xFFFFC000  }
0x7e: {  	[tilespmem:s18], [sflag:$0x2] =	stream.indirect.gather [hbm4b:s4+s16], $0x80, s28, s16, $0xb8;
	[tilespmem:$0x1E800] =	vst v63  }
0x7f: {  	_ =	swait.ge [sflag:s19], $0x4000  }
0x80: {  	[sflag:s19] =	ssyncset.done $0x0  }
0x81: {  	[sflag:s19] =	ssyncadd.s32 $0xFFFFC000  }
0x82: {  	[spmem:s1] =	stream.indirect.scatter.add.f32 [tilespmem:s17], [sflag:$0x3], $0x80, s23, s16, $0xb8;
	[tilespmem:$0x1E800] =	vst v63  }
0x83: {  	_ =	swait.ge [sflag:s20], $0x4000  }
0x84: {  	[sflag:s20] =	ssyncset.done $0x0  }
0x85: {  	[sflag:s20] =	ssyncadd.s32 $0xFFFFC000  }
0x86: {  	_ =	swait.ge [sflag:s21], $0x4000  }
0x87: {  	[sflag:s21] =	ssyncset.done $0x0  }
0x88: {  	[sflag:s21] =	ssyncadd.s32 $0xFFFFC000  }
0x89: {  	[spmem:s1] =	stream.indirect.scatter.add.f32 [tilespmem:s18], [sflag:$0x4], $0x80, s24, s16, $0xb8;
	[tilespmem:$0x1E800] =	vst v63  }
0x8a: {  	_ =	swait.ge [sflag:s22], $0x4000  }
0x8b: {  	s25 =	sadd.s32 $0x1, s25;
	[sflag:s22] =	ssyncset.done $0x0  }
0x8c: {  	p0 =	sne.s32 s25, s10;
	[sflag:s22] =	ssyncadd.s32 $0xFFFFC000  }
.Ltmp2:
0x8d: {  	[bflag:$0x0] =	sbarrier.arrive $0xFFFF;
	(pc) =	sbr.rel @p0 .LBB2_1-.Ltmp2, $4  }
0x8e: {  	[hbm:s9], [sflag:s12] =	dma.local [spmem:s13], $0x2800  }
0x8f: {  	_ =	swait.ge [sflag:s14], $0x2800  }
0x90: {  	[sflag:s14] =	ssyncset.done $0x0  }
0x91: {  	[sflag:s14] =	ssyncadd.s32 $0xFFFFD800  }
0x92: {  	_ =	sfence.sel $0x180000  }
0x93: {  	[bflag:$0x0] =	sbarrier.arrive $0xFFFF  }
0x94: {  	p0 =	sne.s32 s2, $0x0;
	_ =	strace $0x9000004D  }
0x95: {  	s0 =	sadd.s32 @!p0 $0x100000, s0;
	[bflag:$0x2] =	sbarrier.arrive $0xFFFF  }
0x96: {  	[sflag:s0] =	ssyncadd.tile.s32 @!p0 $0x1;
	_ =	shalt  }
.Lfunc_end2:
_tile_overlayer_lowered:
.L_overlay_start_2:
0x97: {  	(tag) =	ssettag $0x2  }
0x98: {  	s0 =	rddreg [dreg:$0x0];
	s2 =	stileid.u32  }
0x99: {  	s1 =	rddreg [dreg:$0x1];
	p0 =	sne.s32 s2, $0x0  }
0x9a: {  	s3 =	rddreg [dreg:$0x2];
	[bflag:$0x3] =	sbarrier.arrive $0xFFFF;
	s2 =	simm.s32 @!p0 $0x1C05  }
0x9b: {  	[timem:s3], [sflag:s2] =	dma.local @!p0 [hbm:s0], s1  }
0x9c: {  	s0 =	simm.s32 @!p0 $0x5  }
0x9d: {  	_ =	swait.ge @!p0 [sflag:s0], s1  }
0x9e: {  	s1 =	ssub.s32 @!p0 $0x0, s1;
	[sflag:s0] =	ssyncset.done @!p0 $0x0  }
0x9f: {  	[sflag:s0] =	ssyncadd.s32 @!p0 s1  }
0xa0: {  	[bflag:$0x3] =	sbarrier.arrive $0xFFFF  }
0xa1: {  	_ =	shalt  }

// kernel: kernel.8.cloned.1.call-start
scs
__scs_entry_jumppad:
0x0: {  	(pc) =	sbr.rel $0x88, $3  }
0x1: {  	(tag) =	ssettag $0x0;
	lr =	simm.s32 $0x1  }
0x2: {  	[smem:$0x3F97] =	sst lr;
	_ =	strace $0xD0000000  }
0x3: {  	_ = 	snop  }
0x4: {  	_ = 	snop  }
0x5: {  	_ = 	snop  }
0x6: {  	_ = 	snop  }
0x7: {  	_ = 	snop  }
__scs_overlays_trampoline_lowered:
0x8: {  	[smem:$0x3FA6] =	sst s0  }
0x9: {  	[smem:$0x3FA7] =	sst s1  }
0xa: {  	[smem:$0x3FA8] =	sst s2  }
0xb: {  	[smem:$0x3FA9] =	sst s3  }
0xc: {  	[smem:$0x3FAA] =	sst s4  }
0xd: {  	[smem:$0x3FAB] =	sst s5  }
0xe: {  	[smem:$0x3FAC] =	sst s6  }
0xf: {  	[smem:$0x3FAD] =	sst s7  }
0x10: {  	[smem:$0x3FAE] =	sst s8  }
0x11: {  	[smem:$0x3FAF] =	sst s9;
	s0 =	simm.s32 @!p0 $0x0  }
0x12: {  	s1 =	sld [smem:$0x3F95];
	s0 =	simm.s32 @p0 $0x1  }
0x13: {  	[smem:$0x3FB0] =	sst s0;
	s0 =	simm.s32 @!p1 $0x0  }
0x14: {  	s2 =	sld [smem:$0x3F94];
	s0 =	simm.s32 @p1 $0x1  }
0x15: {  	[smem:$0x3FB1] =	sst s0;
	s0 =	simm.s32 @!p2 $0x0  }
0x16: {  	s3 =	sld [smem:$0x3FDB];
	s0 =	simm.s32 @p2 $0x1  }
0x17: {  	s4 =	simm.s32 $0x1BF5;
	[smem:$0x3FB3] =	sst s0  }
0x18: {  	s0 =	sld [smem:$0x3F96];
	_ =	swait.ge [sflag:s4], $0x0  }
0x19: {  	s7 =	sld [smem:$0x3F97]  }
0x1a: {  	s8 =	sadd.s32 $0xFFFFE003, lr  }
0x1b: {  	s9 =	sadd.s32 $0xFFFFFEF7, lr;
	s5 =	simm.s32 $0xFFFFFFFF;
	p2 =	slt.u32 s8, $0xFFFFF086  }
0x1c: {  	p1 =	slt.u32 s9, $0xF7A;
	s5 =	simm.s32 @!p2 $0x0  }
0x1d: {  	s5 =	simm.s32 @p1 $0x1;
	p0 =	seq.s32 s7, s2  }
0x1e: {  	s7 =	smul.u32 @!p0 $0xF7A, s2;
	p2 =	seq.s32 @!p0 s5, $0x0  }
0x1f: {  	s9 =	smul.u32 $0xF7A, s1;
	s8 =	simm.s32 @!p0 $0x1BF5;
	p2 =	por !p2, p0  }
0x20: {  	[sflag:s8] =	ssyncset.s32 @!p0 $0xFFFFF086;
	s6 =	sadd.s32 @!p0 s3, s7;
	s7 =	simm.s32 @!p0 $0x108  }
0x21: {  	s3 =	sadd.s32 s3, s9;
	s6 =	sadd.s32 @!p0 $0x88, s6;
	s7 =	simm.s32 @p2 $0x1082  }
0x22: {  	[simem:s7], [sflag:s8] =	dma.local @!p0 [hbm:s6], $0xF7A  }
0x23: {  	s9 =	sor.u32 $0xD0000000, s2;
	s6 =	simm.s32 $0x108;
	_ =	swait.ge @!p0 [sflag:s8], $0x0  }
0x24: {  	s3 =	sadd.s32 $0x88, s3;
	s6 =	simm.s32 @!p1 $0x1082;
	[sflag:s4] =	ssyncset.s32 $0xFFFFF086  }
0x25: {  	[simem:s6], [sflag:s4] =	dma.local [hbm:s3], $0xF7A  }
0x26: {  	[smem:$0x3F97] =	sst s1;
	(tag) =	ssettag s2;
	_ =	strace s9  }
0x27: {  	s1 =	sld [smem:$0x3FA7]  }
0x28: {  	s2 =	sld [smem:$0x3FA8]  }
0x29: {  	s4 =	sld [smem:$0x3FAA]  }
0x2a: {  	p0 =	seq.s32 s5, $0x0;
	s5 =	sld [smem:$0x3FAB]  }
0x2b: {  	s6 =	sld [smem:$0x3FAC]  }
0x2c: {  	s7 =	sld [smem:$0x3FAD]  }
0x2d: {  	s3 =	simm.s32 $0x108;
	s8 =	sld [smem:$0x3FAE]  }
0x2e: {  	s3 =	simm.s32 @!p0 $0x1082;
	s9 =	sld [smem:$0x3FAF]  }
0x2f: {  	lr =	sadd.s32 s0, s3;
	s0 =	sld [smem:$0x3FA6]  }
0x30: {  	s3 =	sld [smem:$0x3FA9]  }
0x31: {  	[smem:$0x3FB2] =	sst s10  }
0x32: {  	s10 =	sld [smem:$0x3FB0];
	_ =	sdelay $0x3  }
0x33: {  	p0 =	seq.s32 s10, $0x1;
	s10 =	sld [smem:$0x3FB2];
	_ =	sdelay $0x3  }
0x34: {  	[smem:$0x3FB2] =	sst s10  }
0x35: {  	s10 =	sld [smem:$0x3FB1];
	_ =	sdelay $0x3  }
0x36: {  	p1 =	seq.s32 s10, $0x1;
	s10 =	sld [smem:$0x3FB2];
	_ =	sdelay $0x3  }
0x37: {  	[smem:$0x3FB2] =	sst s10  }
0x38: {  	s10 =	sld [smem:$0x3FB3]  }
0x39: {  	_ = 	snop;
	(pc) =	sbr.ind lr, $3  }
0x3a: {  	_ = 	snop  }
0x3b: {  	_ = 	snop  }
0x3c: {  	p2 =	seq.s32 s10, $0x1;
	s10 =	sld [smem:$0x3FB2]  }
0x3d: {  	_ =	shalt  }
0x3e: {  	_ =	shalt  }
0x3f: {  	_ =	shalt  }
0x40: {  	_ =	shalt  }
0x41: {  	_ =	shalt  }
0x42: {  	_ =	shalt  }
0x43: {  	_ =	shalt  }
0x44: {  	_ =	shalt  }
0x45: {  	_ =	shalt  }
0x46: {  	_ =	shalt  }
0x47: {  	_ =	shalt  }
0x48: {  	_ =	shalt  }
0x49: {  	_ =	shalt  }
0x4a: {  	_ =	shalt  }
0x4b: {  	_ =	shalt  }
0x4c: {  	_ =	shalt  }
0x4d: {  	_ =	shalt  }
0x4e: {  	_ =	shalt  }
0x4f: {  	_ =	shalt  }
0x50: {  	_ =	shalt  }
0x51: {  	_ =	shalt  }
0x52: {  	_ =	shalt  }
0x53: {  	_ =	shalt  }
0x54: {  	_ =	shalt  }
0x55: {  	_ =	shalt  }
0x56: {  	_ =	shalt  }
0x57: {  	_ =	shalt  }
0x58: {  	_ =	shalt  }
0x59: {  	_ =	shalt  }
0x5a: {  	_ =	shalt  }
0x5b: {  	_ =	shalt  }
0x5c: {  	_ =	shalt  }
0x5d: {  	_ =	shalt  }
0x5e: {  	_ =	shalt  }
0x5f: {  	_ =	shalt  }
0x60: {  	_ =	shalt  }
0x61: {  	_ =	shalt  }
0x62: {  	_ =	shalt  }
0x63: {  	_ =	shalt  }
0x64: {  	_ =	shalt  }
0x65: {  	_ =	shalt  }
0x66: {  	_ =	shalt  }
0x67: {  	_ =	shalt  }
0x68: {  	_ =	shalt  }
0x69: {  	_ =	shalt  }
0x6a: {  	_ =	shalt  }
0x6b: {  	_ =	shalt  }
0x6c: {  	_ =	shalt  }
0x6d: {  	_ =	shalt  }
0x6e: {  	_ =	shalt  }
0x6f: {  	_ =	shalt  }
0x70: {  	_ =	shalt  }
0x71: {  	_ =	shalt  }
0x72: {  	_ =	shalt  }
0x73: {  	_ =	shalt  }
0x74: {  	_ =	shalt  }
0x75: {  	_ =	shalt  }
0x76: {  	_ =	shalt  }
0x77: {  	_ =	shalt  }
0x78: {  	_ =	shalt  }
0x79: {  	_ =	shalt  }
0x7a: {  	_ =	shalt  }
0x7b: {  	_ =	shalt  }
0x7c: {  	_ =	shalt  }
0x7d: {  	_ =	shalt  }
0x7e: {  	_ =	shalt  }
0x7f: {  	_ =	shalt  }
0x80: {  	_ =	shalt  }
0x81: {  	_ =	shalt  }
0x82: {  	_ =	shalt  }
0x83: {  	_ =	shalt  }
0x84: {  	_ =	shalt  }
0x85: {  	_ =	shalt  }
0x86: {  	_ =	shalt  }
0x87: {  	_ =	shalt  }
.Lfunc_end0:
.L_simem_size_0:
called_computation_lowered:
.L_overlay_start_0:
0x88: {  	s2 =	sld [smem:$0x3FD9]  }
0x89: {  	s3 =	sld [smem:$0x3FFE];
	_ =	sdelay $0x1  }
0x8a: {  	s1 =	srdreg.scid  }
0x8b: {  	s0 =	sand.u32 $0x1, s1  }
0x8c: {  	s16 =	sshll.u32 s0, $0xA;
	s2 =	sadd.s32 s3, s2  }
0x8d: {  	s2 =	sadd.s32 s2, s16  }
0x8e: {  	[smem:$0x3FBE] =	sst s2  }
0x8f: {  	_ = 	snop  }
0x90: {  	(tm) =	ssettm $0x1  }
0x91: {  	s17 =	sld [smem:$0x3FFB];
	_ =	sdelay $0x3  }
0x92: {  	_ =	strace s17  }
0x93: {  	s2 =	sld [smem:$0x3FFC];
	_ =	sdelay $0x3  }
0x94: {  	_ =	strace s2  }
0x95: {  	s2 =	sld [smem:$0x3FFD];
	_ =	sdelay $0x3  }
0x96: {  	_ =	strace s2  }
0x97: {  	_ =	strace $0x8FFFFFFF  }
0x98: {  	s18 =	sld [smem:$0x3FDB];
	_ =	sdelay $0x1  }
0x99: {  	s19 =	simm.s32 $_scs_section_size  }
0x9a: {  	s4 =	simm.s32 $_size__tile_overlayer_lowered;
	s5 =	simm.s32 $_tile_overlayer_lowered  }
0x9b: {  	s22 =	simm.s32 $0x1BFF;
	s21 =	sshll.u32 s5, $0x1;
	s2 =	sadd.s32 s19, s18  }
0x9c: {  	s6 =	simm.s32 $0x0;
	s20 =	sshll.u32 s4, $0x1;
	s4 =	sadd.s32 s21, s2  }
0x9d: {  	[timem:s6], [sflag:s22] =	dma.local [hbm:s4], s20  }
0x9e: {  	_ =	swait.ge [sflag:s22], s20  }
0x9f: {  	s3 =	ssub.s32 $0x0, s20;
	[sflag:s22] =	ssyncset.done $0x0  }
0xa0: {  	[sflag:s22] =	ssyncadd.s32 s3;
	_ =	sdelay $0x1  }
0xa1: {  	s23 =	simm.s32 $0x1B8B  }
0xa2: {  	_ =	swait.ge [sflag:s23], $0x1  }
0xa3: {  	[sflag:s23] =	ssyncset.done $0x0  }
0xa4: {  	s25 =	simm.s32 $0x1B8E;
	s24 =	sld [smem:$0x3FFE];
	[sflag:s23] =	ssyncadd.s32 $0xFFFFFFFF  }
0xa5: {  	s26 =	simm.s32 $execute0_lowered;
	[smem:$0x3FD2] =	sst s25  }
0xa6: {  	s4 =	sshll.u32 s26, $0x1;
	_ =	strace $0x80000046;
	[dreg:$0x1] =	wrdreg $0xFFFFFFFF  }
0xa7: {  	s28 =	simm.s32 $_size_execute0_lowered;
	s2 =	sadd.s32 s2, s4;
	[dreg:$0x0] =	wrdreg $0x0  }
0xa8: {  	s4 =	sshll.u32 s28, $0x1;
	[dreg:$0x2] =	wrdreg s2  }
0xa9: {  	[dreg:$0x3] =	wrdreg s4  }
0xaa: {  	[dreg:$0x4] =	wrdreg $0xC0  }
0xab: {  	_ =	task [dreg:s6], $0x5FFFF  }
0xac: {  	[dreg:$0x1] =	wrdreg $0xFFFFFFFF  }
0xad: {  	[dreg:$0x0] =	wrdreg $0x60  }
0xae: {  	[dreg:$0x2] =	wrdreg s24  }
0xaf: {  	[dreg:$0x3] =	wrdreg $0x2B000  }
0xb0: {  	[dreg:$0x4] =	wrdreg $0x9  }
0xb1: {  	_ =	task.clear_ibuf [dreg:s6], $0x5FFFF;
	_ =	strace $0x90000046  }
0xb2: {  	s29 =	simm.s32 $0x9;
	_ =	strace $0x80000048  }
0xb3: {  	_ =	swait.ge [sflag:s29], $0x1  }
0xb4: {  	[sflag:s29] =	ssyncadd.s32 $0xFFFFFFFF  }
0xb5: {  	_ =	strace $0x90000048  }
0xb6: {  	_ =	sfence  }
0xb7: {  	s30 =	sld [smem:$0x0];
	_ =	sdelay $0x2  }
0xb8: {  	s31 =	sshll.u32 s1, $0xD;
	s1 =	sshrl.u32 s1, $0x2  }
0xb9: {  	s3 =	sand.u32 $0x4000, s31;
	s1 =	sadd.s32 s1, s30  }
0xba: {  	s0 =	sor.u32 s3, s0;
	s1 =	sshll.u32 s1, $0x11  }
0xbb: {  	s0 =	sor.u32 s1, s0  }
0xbc: {  	s0 =	sadd.s32 $0x8F2B, s0  }
0xbd: {  	[sflag:s0] =	ssyncadd.remote.s32 $0x1  }
0xbe: {  	_ =	sfence.sel $0xFFFF  }
0xbf: {  	[dreg:$0x0] =	wrdreg $0xFFFFFFFF;
	(pc) =	sbr.abs _section_cstart, $3  }
0xc0: {  	[dreg:$0x1] =	wrdreg $0xFFFFFFFF  }
0xc1: {  	_ =	task.clear_ibuf [dreg:s6], $0x2FFFF;
	_ =	strace $0x9FFFFFFF  }
0xc2: {  	(tm) =	ssettm $0x7FFFFFFF  }
0xc3: {  	_ =	shalt  }
tec
execute0_lowered:
.L_overlay_start_1:
0x0: {  	(tag) =	ssettag $0x1  }
0x1: {  	s4 =	rddreg [dreg:$0x0]  }
0x2: {  	s2 =	rddreg [dreg:$0x1]  }
0x3: {  	s3 =	srdreg.scid;
	s1 =	stileid.u32  }
0x4: {  	s0 =	rddreg [dreg:$0x2];
	s10 =	simm.s32 $0x80;
	s11 =	simm.s32 $0x2800  }
0x5: {  	s14 =	simm.s32 $0x20;
	s15 =	simm.s32 $0x10;
	s16 =	simm.s32 $0x0  }
0x6: {  	s5 =	sand.u32 $0x1, s3;
	s6 =	sshll.u32 s1, $0x1;
	s7 =	smul.u32 $0x500, s1  }
0x7: {  	s3 =	simm.s32 $0x0;
	s30 =	smul.u32 $0xA00, s1;
	s12 =	sshll.u32 s1, $0x6  }
0x8: {  	s6 =	sor.u32 s5, s6;
	[smem:$0x7FF] =	sst s3;
	s8 =	sshll.u32 s5, $0x7  }
0x9: {  	s5 =	ssub.s32 $0x2, s5;
	s12 =	sor.u32 $0x1C01, s12;
	s6 =	smul.u32 $0x500, s6  }
0xa: {  	_ =	strace $0x80000047;
	s7 =	sor.u32 s8, s7;
	s31 =	sshrl.u32 s5, $0x1  }
0xb: {  	s8 =	sshrl.u32 s30, $0x2;
	s7 =	sshrl.u32 s7, $0x3;
	s9 =	ssub.s32 s5, s31  }
0xc: {  	s5 =	sadd.s32 s8, s2;
	s8 =	simm.s32 $0x1;
	s6 =	sadd.s32 s6, s4  }
0xd: {  	s7 =	sadd.s32 s7, s4;
	s13 =	sshrl.u32 s5, $0x3;
	s4 =	sadd.s32 $0x2400, s6  }
0xe: {  	v0 =	vimm.f32 $1.000000000e+00;
	v1 =	vimm.f32 $0.0e+00;
	s6 =	sadd.s32 $0xC400, s7;
	s7 =	smax.u32 s9, $0x1;
	s9 =	simm.s32 $0x2880  }
.LBB2_1:
0xf: {  	[tilespmem:s3], [sflag:$0x1] =	stream.linear.gather [hbm4b:s4+s3], $0x2800, $0x38;
	[tilespmem:$0x2D80] =	vst v63  }
0x10: {  	_ =	swait.ge [sflag:s8], $0x2800  }
0x11: {  	[sflag:s8] =	ssyncset.done $0x0  }
0x12: {  	[sflag:s8] =	ssyncadd.s32 $0xFFFFD800  }
0x13: {  	[tilespmem:$0x2800] =	vst v0  }
0x14: {  	[tilespmem:$0x2810] =	vst v0  }
0x15: {  	[tilespmem:$0x2820] =	vst v0  }
0x16: {  	[tilespmem:$0x2830] =	vst v0  }
0x17: {  	[tilespmem:$0x2840] =	vst v0  }
0x18: {  	[tilespmem:$0x2850] =	vst v0  }
0x19: {  	[tilespmem:$0x2860] =	vst v0  }
0x1a: {  	[tilespmem:$0x2870] =	vst v0  }
0x1b: {  	[tilespmem:$0x2880] =	vst v1  }
0x1c: {  	[tilespmem:$0x2890] =	vst v1  }
0x1d: {  	[tilespmem:$0x28A0] =	vst v1  }
0x1e: {  	[tilespmem:$0x28B0] =	vst v1  }
0x1f: {  	[tilespmem:$0x28C0] =	vst v1  }
0x20: {  	[tilespmem:$0x28D0] =	vst v1  }
0x21: {  	[tilespmem:$0x28E0] =	vst v1  }
0x22: {  	[tilespmem:$0x28F0] =	vst v1  }
0x23: {  	[tilespmem:$0x2900] =	vst v1  }
0x24: {  	[tilespmem:$0x2910] =	vst v1  }
0x25: {  	[tilespmem:$0x2920] =	vst v1  }
0x26: {  	[tilespmem:$0x2930] =	vst v1  }
0x27: {  	[tilespmem:$0x2940] =	vst v1  }
0x28: {  	[tilespmem:$0x2950] =	vst v1  }
0x29: {  	[tilespmem:$0x2960] =	vst v1  }
0x2a: {  	[tilespmem:$0x2970] =	vst v1  }
0x2b: {  	[tilespmem:$0x2980] =	vst v1  }
0x2c: {  	[tilespmem:$0x2990] =	vst v1  }
0x2d: {  	[tilespmem:$0x29A0] =	vst v1  }
0x2e: {  	[tilespmem:$0x29B0] =	vst v1  }
0x2f: {  	[tilespmem:$0x29C0] =	vst v1  }
0x30: {  	[tilespmem:$0x29D0] =	vst v1  }
0x31: {  	[tilespmem:$0x29E0] =	vst v1  }
0x32: {  	[tilespmem:$0x29F0] =	vst v1  }
0x33: {  	[tilespmem:$0x2A00] =	vst v1  }
0x34: {  	[tilespmem:$0x2A10] =	vst v1  }
0x35: {  	[tilespmem:$0x2A20] =	vst v1  }
0x36: {  	[tilespmem:$0x2A30] =	vst v1  }
0x37: {  	[tilespmem:$0x2A40] =	vst v1  }
0x38: {  	[tilespmem:$0x2A50] =	vst v1  }
0x39: {  	[tilespmem:$0x2A60] =	vst v1  }
0x3a: {  	[tilespmem:$0x2A70] =	vst v1  }
0x3b: {  	[tilespmem:$0x2A80] =	vst v1  }
0x3c: {  	[tilespmem:$0x2A90] =	vst v1  }
0x3d: {  	[tilespmem:$0x2AA0] =	vst v1  }
0x3e: {  	[tilespmem:$0x2AB0] =	vst v1  }
0x3f: {  	[tilespmem:$0x2AC0] =	vst v1  }
0x40: {  	[tilespmem:$0x2AD0] =	vst v1  }
0x41: {  	[tilespmem:$0x2AE0] =	vst v1  }
0x42: {  	[tilespmem:$0x2AF0] =	vst v1  }
0x43: {  	[spmem:s5] =	stream.linear.scatter [tilespmem:s9], [sflag:$0x1], $0x280, $0x38;
	[tilespmem:$0x2D80] =	vst v63  }
0x44: {  	_ =	swait.ge [sflag:s8], $0x280  }
0x45: {  	[sflag:s8] =	ssyncset.done $0x0  }
0x46: {  	[sflag:s8] =	ssyncadd.s32 $0xFFFFFD80  }
0x47: {  	s17 =	simm.s32 $0x0;
	[bflag:$0x0] =	sbarrier.arrive $0xFFFF  }
0x48: {  	[spmem:s2] =	stream.indirect.scatter.add.f32 [tilespmem:s11], [sflag:$0x1], $0x1, s17, s10, $0xb8;
	[tilespmem:$0x2D80] =	vst v63  }
0x49: {  	_ =	swait.ge [sflag:s8], $0x80  }
0x4a: {  	s17 =	simm.s32 $0x200;
	[sflag:s8] =	ssyncset.done $0x0  }
.LBB2_2:
0x4b: {  	s18 =	sshra.s32 s17, $0x2;
	[sflag:s8] =	ssyncadd.s32 $0xFFFFFF80;
	p0 =	sne.s32 s17, $0x9E00  }
0x4c: {  	[spmem:s2] =	stream.indirect.scatter.add.f32 [tilespmem:s11], [sflag:$0x1], $0x1, s18, s10, $0xb8;
	[tilespmem:$0x2D80] =	vst v63  }
.Ltmp0:
0x4d: {  	_ = 	snop;
	(pc) =	sbr.rel @p0 .LBB2_2-.Ltmp0, $4  }
0x4e: {  	_ = 	snop  }
0x4f: {  	s17 =	sadd.s32 $0x200, s17  }
0x50: {  	_ =	swait.ge [sflag:s8], $0x80  }
0x51: {  	[sflag:s8] =	ssyncset.done $0x0  }
0x52: {  	s16 =	sadd.s32 $0x1, s16  }
0x53: {  	[sflag:s8] =	ssyncadd.s32 $0xFFFFFF80;
	p0 =	sne.s32 s16, s7  }
.Ltmp1:
0x54: {  	[bflag:$0x0] =	sbarrier.arrive $0xFFFF;
	(pc) =	sbr.rel @p0 .LBB2_1-.Ltmp1, $4  }
0x55: {  	[hbm:s6@s14], [sflag:s12] =	dma.strided [spmem:s13@s15], $0x50, s8, $0x10   }
0x56: {  	_ =	swait.ge [sflag:s8], $0x50  }
0x57: {  	[sflag:s8] =	ssyncset.done $0x0  }
0x58: {  	[sflag:s8] =	ssyncadd.s32 $0xFFFFFFB0  }
0x59: {  	_ =	sfence.sel $0x180000  }
0x5a: {  	[bflag:$0x0] =	sbarrier.arrive $0xFFFF  }
0x5b: {  	p0 =	sne.s32 s1, $0x0;
	_ =	strace $0x90000047  }
0x5c: {  	s0 =	sadd.s32 @!p0 $0x100000, s0;
	[bflag:$0x2] =	sbarrier.arrive $0xFFFF  }
0x5d: {  	[sflag:s0] =	ssyncadd.tile.s32 @!p0 $0x1;
	_ =	shalt  }
.Lfunc_end2:
_tile_overlayer_lowered:
.L_overlay_start_2:
0x5e: {  	(tag) =	ssettag $0x2  }
0x5f: {  	s0 =	rddreg [dreg:$0x0];
	s2 =	stileid.u32  }
0x60: {  	s1 =	rddreg [dreg:$0x1];
	p0 =	sne.s32 s2, $0x0  }
0x61: {  	s3 =	rddreg [dreg:$0x2];
	[bflag:$0x3] =	sbarrier.arrive $0xFFFF;
	s2 =	simm.s32 @!p0 $0x1C01  }
0x62: {  	[timem:s3], [sflag:s2] =	dma.local @!p0 [hbm:s0], s1  }
0x63: {  	s0 =	simm.s32 @!p0 $0x1  }
0x64: {  	_ =	swait.ge @!p0 [sflag:s0], s1  }
0x65: {  	s1 =	ssub.s32 @!p0 $0x0, s1;
	[sflag:s0] =	ssyncset.done @!p0 $0x0  }
0x66: {  	[sflag:s0] =	ssyncadd.s32 @!p0 s1  }
0x67: {  	[bflag:$0x3] =	sbarrier.arrive $0xFFFF  }
0x68: {  	_ =	shalt  }

</sc_bundles>
